<compile_context>
chip_gen: v7x
topology: tpu7x:2x2x1
jax: 0.10.2.dev20260603
libtpu: 0.0.44.dev20260713+nightly
codegen_flags: <defaults>
</compile_context>

<pallas_src>
import functools

import jax
import jax.numpy as jnp
from jax import lax
from jax.experimental import pallas as pl
from jax.experimental.pallas import tpu as pltpu
from jax.experimental.pallas import tpu_sc as plsc

B, C, D, H, W = 4, 64, 32, 32, 32
DHW = D * H * W
N = 50000
BN = B * N

_info = plsc.get_sparse_core_info()
NC = _info.num_cores
NS = _info.num_subcores
L = _info.num_lanes
NWORK = NC * NS

PTS_PER_TILE = -(-BN // NWORK)
PTS_PER_TILE = -(-PTS_PER_TILE // 16) * 16

U = 128
USHIFT = U.bit_length() - 1
NFULL = N // U
UI = -(-NFULL // NWORK)

_mesh = plsc.VectorSubcoreMesh(core_axis_name="c", subcore_axis_name="s")
_params = pltpu.CompilerParams(needs_layout_passes=False)


@functools.partial(
    pl.kernel,
    mesh=_mesh,
    compiler_params=_params,
    out_type=jax.ShapeDtypeStruct((BN,), jnp.int32),
    scratch_types=[
        pltpu.VMEM((3 * PTS_PER_TILE,), jnp.float32),
        pltpu.VMEM((PTS_PER_TILE,), jnp.int32),
    ],
)
def _lin_index_kernel(grid_hbm, lin_hbm, gbuf, lbuf):
    wid = lax.axis_index("s") * NC + lax.axis_index("c")
    base = jnp.where(wid == NWORK - 1, BN - PTS_PER_TILE,
                     wid * PTS_PER_TILE)
    for j in range(3):
        pltpu.sync_copy(grid_hbm.at[pl.ds(j * BN + base, PTS_PER_TILE)],
                        gbuf.at[pl.ds(j * PTS_PER_TILE, PTS_PER_TILE)])

    @plsc.parallel_loop(0, PTS_PER_TILE, 16, unroll=4)
    def body(o):
        x = gbuf[pl.ds(o, 16)].astype(jnp.int32)
        y = gbuf[pl.ds(PTS_PER_TILE + o, 16)].astype(jnp.int32)
        z = gbuf[pl.ds(2 * PTS_PER_TILE + o, 16)].astype(jnp.int32)
        lbuf[pl.ds(o, 16)] = (x * H + y) * W + z

    pltpu.sync_copy(lbuf, lin_hbm.at[pl.ds(base, PTS_PER_TILE)])


@functools.partial(
    pl.kernel,
    mesh=_mesh,
    compiler_params=_params,
    out_type=(jax.ShapeDtypeStruct((B, C, N), jnp.float32),
              jax.ShapeDtypeStruct((B, C, U), jnp.float32)),
    scratch_types=[
        pltpu.VMEM((U,), jnp.int32),
        pltpu.VMEM((U,), jnp.int32),
        pltpu.VMEM((U,), jnp.int32),
        pltpu.VMEM((U,), jnp.int32),
        pltpu.VMEM((U,), jnp.int32),
        pltpu.VMEM((U,), jnp.int32),
        pltpu.VMEM((U,), jnp.int32),
        pltpu.VMEM((U,), jnp.int32),
        pltpu.VMEM((U, 2 * C), jnp.float32),
        pltpu.VMEM((U, 2 * C), jnp.float32),
        pltpu.VMEM((U, 2 * C), jnp.float32),
        pltpu.VMEM((U, 2 * C), jnp.float32),
        pltpu.VMEM((C, U), jnp.float32),
        pltpu.VMEM((C, U), jnp.float32),
        pltpu.SemaphoreType.DMA,
        pltpu.SemaphoreType.DMA,
        pltpu.SemaphoreType.DMA,
        pltpu.SemaphoreType.DMA,
        pltpu.SemaphoreType.DMA,
        pltpu.SemaphoreType.DMA,
        pltpu.SemaphoreType.DMA,
        pltpu.SemaphoreType.DMA,
        pltpu.SemaphoreType.DMA,
        pltpu.SemaphoreType.DMA,
    ],
)
def _gather_kernel(table_hbm, lin_hbm, out_hbm, tail_hbm,
                   li0, li1, li2, li3, gi0, gi1, gi2, gi3,
                   r0, r1, r2, r3, t0, t1,
                   sli0, sli1, sli2, sli3, sr0, sr1, sr2, sr3, so0, so1):
    wid = lax.axis_index("s") * NC + lax.axis_index("c")
    libufs, lisems = (li0, li1, li2, li3), (sli0, sli1, sli2, sli3)
    gibufs = (gi0, gi1, gi2, gi3)
    rbufs, rsems = (r0, r1, r2, r3), (sr0, sr1, sr2, sr3)
    tbufs, tsems = (t0, t1), (so0, so1)
    iotav = lax.iota(jnp.int32, 16)

    def unit_tc(i):
        tc = wid + NWORK * i
        return jnp.where(tc >= NFULL, wid, tc)

    def idx_load(b, i, s):
        off = pl.multiple_of(b * N + unit_tc(i) * U, 16)
        return pltpu.async_copy(lin_hbm.at[pl.ds(off, U)],
                                libufs[s], lisems[s])

    def make_gidx(b, s):
        src, dst = libufs[s], gibufs[s]

        @plsc.parallel_loop(0, U, 16, unroll=4)
        def body(o, src=src, dst=dst):
            dst[pl.ds(o, 16)] = src[pl.ds(o, 16)] + b * DHW

    def rows_gather(s):
        return pltpu.async_copy(table_hbm.at[gibufs[s]], rbufs[s], rsems[s])

    def transpose_rt(s, ts):
        rbuf, tbuf = rbufs[s], tbufs[ts]

        @plsc.parallel_loop(0, C * U, 16, unroll=8)
        def body(o, rbuf=rbuf, tbuf=tbuf):
            c = o >> USHIFT
            colbase = o & (U - 1)
            rv = iotav + colbase
            cv = jnp.full((16,), 0, jnp.int32) + c
            tbuf[c, pl.ds(colbase, 16)] = plsc.load_gather(rbuf, [rv, cv])

    def out_store(b, i, ts):
        off = pl.multiple_of(unit_tc(i) * U, U)
        return pltpu.async_copy(tbufs[ts],
                                out_hbm.at[b, :, pl.ds(off, U)],
                                tsems[ts])

    DEPTH = 4

    def batch_body(b, carry):
        out_pending = [None, None]
        idx_pending = [idx_load(b, u, u % DEPTH) if u < UI else None
                       for u in range(DEPTH)]
        rows_pending = [None] * DEPTH
        for u in range(min(2, UI)):
            idx_pending[u].wait()
            idx_pending[u] = None
            make_gidx(b, u % DEPTH)
            rows_pending[u] = rows_gather(u % DEPTH)
        for i in range(UI):
            s = i % DEPTH
            ts = i % 2
            u2 = i + 2
            if u2 < UI:
                s2 = u2 % DEPTH
                idx_pending[s2].wait()
                idx_pending[s2] = None
                make_gidx(b, s2)
                rows_pending[s2] = rows_gather(s2)
            u4 = i + DEPTH
            if u4 < UI:
                idx_pending[u4 % DEPTH] = idx_load(b, u4, u4 % DEPTH)
            rows_pending[s].wait()
            rows_pending[s] = None
            if out_pending[ts] is not None:
                out_pending[ts].wait()
            transpose_rt(s, ts)
            out_pending[ts] = out_store(b, i, ts)
        for ts in range(2):
            if out_pending[ts] is not None:
                out_pending[ts].wait()
        return carry

    lax.fori_loop(0, B, batch_body, 0)

    def tail_body(b, carry):
        @pl.when(wid == b)
        def _():
            pltpu.sync_copy(lin_hbm.at[pl.ds(b * N + N - U, U)], li0)
            make_gidx(b, 0)
            pltpu.async_copy(table_hbm.at[gi0], r0, sr0).wait()
            transpose_rt(0, 0)
            pltpu.async_copy(t0, tail_hbm.at[b], so0).wait()
        return carry

    lax.fori_loop(0, B, tail_body, 0)


_TAIL = N % U


def kernel(input_feats, sampling_grid):
    table = jnp.transpose(input_feats, (0, 2, 3, 4, 1)).reshape(B * DHW, C)
    table = jnp.pad(table, ((0, 0), (0, C)))
    gt = jnp.transpose(sampling_grid, (2, 0, 1)).reshape(3 * BN)
    lin = _lin_index_kernel(gt)
    out_main, tail = _gather_kernel(table, lin)
    return lax.dynamic_update_slice(out_main, tail[:, :, U - _TAIL:],
                                    (0, 0, N - _TAIL))

# --- scband reference (transcript-rebuilt; emitter-appended) ---
"""Pipeline reference for scband-nearst-intepolation-32177894981918 (READ-ONLY COPY).

The authoritative reference and input builder live on the scoring server;
editing this copy changes nothing except your own understanding.
"""

import jax, jax.numpy as jnp
import numpy as np


def setup_inputs(seed: int = 0) -> dict:
    key = jax.random.key(seed)
    k1, k2 = jax.random.split(key)
    B, C, D, H, W = 4, 64, 32, 32, 32
    N = 50000
    input_feats = jax.random.normal(k1, (B, C, D, H, W), dtype=jnp.float32)
    # float coordinates in [0, 32); floor() yields valid integer indices
    sampling_grid = jax.random.uniform(k2, (B, N, 3), dtype=jnp.float32, minval=0.0, maxval=32.0)
    return {"input_feats": input_feats, "sampling_grid": sampling_grid}


def reference(input_feats, sampling_grid):
    # Faithful translation of NearstIntepolation.forward
    # input_feats: [B, C, D, H, W]; sampling_grid: [B, N, 3] (float coords)
    grid = jnp.floor(sampling_grid).astype(jnp.int32)  # [B, N, 3]

    def gather_one(feat, g):
        # feat: [C, D, H, W]; g: [N, 3]
        return feat[:, g[:, 0], g[:, 1], g[:, 2]]  # [C, N]

    sample_features = jax.vmap(gather_one)(input_feats, grid)  # [B, C, N]
    return sample_features

if __name__ == "__main__":
    import jax
    _d = setup_inputs()
    print(jax.jit(kernel)(*tuple(_d.values())))

</pallas_src>

<mosaic_0001>
#map = affine_map<(d0, d1) -> (0, 0)>
#map1 = affine_map<(d0, d1) -> (0)>
#map2 = affine_map<(d0, d1) -> (0, 0, 0)>
module attributes {stable_mosaic.version = 14 : i64} {
  func.func @_gather_kernel(%arg0: i32, %arg1: i32, %arg2: memref<131072x128xf32, #tpu.memory_space<hbm>>, %arg3: memref<200000xi32, #tpu.memory_space<hbm>>, %arg4: memref<4x64x50000xf32, #tpu.memory_space<hbm>>, %arg5: memref<4x64x128xf32, #tpu.memory_space<hbm>>, %arg6: memref<128xi32, #tpu.memory_space<vmem>>, %arg7: memref<128xi32, #tpu.memory_space<vmem>>, %arg8: memref<128xi32, #tpu.memory_space<vmem>>, %arg9: memref<128xi32, #tpu.memory_space<vmem>>, %arg10: memref<128xi32, #tpu.memory_space<vmem>>, %arg11: memref<128xi32, #tpu.memory_space<vmem>>, %arg12: memref<128xi32, #tpu.memory_space<vmem>>, %arg13: memref<128xi32, #tpu.memory_space<vmem>>, %arg14: memref<128x128xf32, #tpu.memory_space<vmem>>, %arg15: memref<128x128xf32, #tpu.memory_space<vmem>>, %arg16: memref<128x128xf32, #tpu.memory_space<vmem>>, %arg17: memref<128x128xf32, #tpu.memory_space<vmem>>, %arg18: memref<64x128xf32, #tpu.memory_space<vmem>>, %arg19: memref<64x128xf32, #tpu.memory_space<vmem>>, %arg20: memref<!tpu.dma_semaphore, #tpu.memory_space<semaphore_mem>>, %arg21: memref<!tpu.dma_semaphore, #tpu.memory_space<semaphore_mem>>, %arg22: memref<!tpu.dma_semaphore, #tpu.memory_space<semaphore_mem>>, %arg23: memref<!tpu.dma_semaphore, #tpu.memory_space<semaphore_mem>>, %arg24: memref<!tpu.dma_semaphore, #tpu.memory_space<semaphore_mem>>, %arg25: memref<!tpu.dma_semaphore, #tpu.memory_space<semaphore_mem>>, %arg26: memref<!tpu.dma_semaphore, #tpu.memory_space<semaphore_mem>>, %arg27: memref<!tpu.dma_semaphore, #tpu.memory_space<semaphore_mem>>, %arg28: memref<!tpu.dma_semaphore, #tpu.memory_space<semaphore_mem>>, %arg29: memref<!tpu.dma_semaphore, #tpu.memory_space<semaphore_mem>>) attributes {dimension_semantics = [#tpu.dimension_semantics<core_parallel>, #tpu.dimension_semantics<subcore_parallel>], iteration_bounds = array<i64: 2, 16>, scalar_prefetch = 0 : i64, scratch_operands = 24 : i64, tpu.core_type = #tpu.core_type<sc_vector_subcore>, window_params = [{transform_indices = #map}, {transform_indices = #map1}, {transform_indices = #map2}, {transform_indices = #map2}]} {
    %mul3A = arith.constant 2 : i32
    %mul3A_0 = arith.muli %arg1, %mul3A : i32
    %add3A = arith.addi %mul3A_0, %arg0 : i32
    %iota3A = tpu.iota {dimensions = array<i32: 0>} : vector<16xi32>
    %scan3A = arith.constant 0 : i32
    %scan3A_1 = arith.constant 0 : i32
    %scan3A_2 = arith.constant 4 : i32
    %scan3A_3 = arith.addi %scan3A_1, %scan3A_2 : i32
    %scan3A_4 = arith.constant 1 : i32
    scf.for %scan3A_12 = %scan3A_1 to %scan3A_3 step %scan3A_4  : i32 {
      %mul3A_13 = arith.constant 50000 : i32
      %mul3A_14 = arith.muli %scan3A_12, %mul3A_13 : i32
      %add3A_15 = arith.constant 0 : i32
      %add3A_16 = arith.addi %add3A, %add3A_15 : i32
      %ge3A = arith.constant 390 : i32
      %ge3A_17 = arith.cmpi sge, %add3A_16, %ge3A : i32
      %select_n3A = arith.select %ge3A_17, %add3A, %add3A_16 : i32
      %mul3A_18 = arith.constant 128 : i32
      %mul3A_19 = arith.muli %select_n3A, %mul3A_18 : i32
      %add3A_20 = arith.addi %mul3A_14, %mul3A_19 : i32
      %multiple_of3A = tpu.assume_multiple %add3A_20, 16 : i32
      %dma_start3A = tpu.memref_slice %arg3[%multiple_of3A] : memref<200000xi32, #tpu.memory_space<hbm>> -> memref<128xi32, #tpu.memory_space<hbm>>
      %dma_start3A_21 = tpu.memref_slice %arg3[%multiple_of3A] : memref<200000xi32, #tpu.memory_space<hbm>> -> memref<128xi32, #tpu.memory_space<hbm>>
      tpu.enqueue_dma source(%dma_start3A_21 : memref<128xi32, #tpu.memory_space<hbm>>) target(%arg6 : memref<128xi32, #tpu.memory_space<vmem>>) target_semaphore(%arg20 : memref<!tpu.dma_semaphore, #tpu.memory_space<semaphore_mem>>)
      %mul3A_22 = arith.constant 50000 : i32
      %mul3A_23 = arith.muli %scan3A_12, %mul3A_22 : i32
      %add3A_24 = arith.constant 32 : i32
      %add3A_25 = arith.addi %add3A, %add3A_24 : i32
      %ge3A_26 = arith.constant 390 : i32
      %ge3A_27 = arith.cmpi sge, %add3A_25, %ge3A_26 : i32
      %select_n3A_28 = arith.select %ge3A_27, %add3A, %add3A_25 : i32
      %mul3A_29 = arith.constant 128 : i32
      %mul3A_30 = arith.muli %select_n3A_28, %mul3A_29 : i32
      %add3A_31 = arith.addi %mul3A_23, %mul3A_30 : i32
      %multiple_of3A_32 = tpu.assume_multiple %add3A_31, 16 : i32
      %dma_start3A_33 = tpu.memref_slice %arg3[%multiple_of3A_32] : memref<200000xi32, #tpu.memory_space<hbm>> -> memref<128xi32, #tpu.memory_space<hbm>>
      %dma_start3A_34 = tpu.memref_slice %arg3[%multiple_of3A_32] : memref<200000xi32, #tpu.memory_space<hbm>> -> memref<128xi32, #tpu.memory_space<hbm>>
      tpu.enqueue_dma source(%dma_start3A_34 : memref<128xi32, #tpu.memory_space<hbm>>) target(%arg7 : memref<128xi32, #tpu.memory_space<vmem>>) target_semaphore(%arg21 : memref<!tpu.dma_semaphore, #tpu.memory_space<semaphore_mem>>)
      %mul3A_35 = arith.constant 50000 : i32
      %mul3A_36 = arith.muli %scan3A_12, %mul3A_35 : i32
      %add3A_37 = arith.constant 64 : i32
      %add3A_38 = arith.addi %add3A, %add3A_37 : i32
      %ge3A_39 = arith.constant 390 : i32
      %ge3A_40 = arith.cmpi sge, %add3A_38, %ge3A_39 : i32
      %select_n3A_41 = arith.select %ge3A_40, %add3A, %add3A_38 : i32
      %mul3A_42 = arith.constant 128 : i32
      %mul3A_43 = arith.muli %select_n3A_41, %mul3A_42 : i32
      %add3A_44 = arith.addi %mul3A_36, %mul3A_43 : i32
      %multiple_of3A_45 = tpu.assume_multiple %add3A_44, 16 : i32
      %dma_start3A_46 = tpu.memref_slice %arg3[%multiple_of3A_45] : memref<200000xi32, #tpu.memory_space<hbm>> -> memref<128xi32, #tpu.memory_space<hbm>>
      %dma_start3A_47 = tpu.memref_slice %arg3[%multiple_of3A_45] : memref<200000xi32, #tpu.memory_space<hbm>> -> memref<128xi32, #tpu.memory_space<hbm>>
      tpu.enqueue_dma source(%dma_start3A_47 : memref<128xi32, #tpu.memory_space<hbm>>) target(%arg8 : memref<128xi32, #tpu.memory_space<vmem>>) target_semaphore(%arg22 : memref<!tpu.dma_semaphore, #tpu.memory_space<semaphore_mem>>)
      %mul3A_48 = arith.constant 50000 : i32
      %mul3A_49 = arith.muli %scan3A_12, %mul3A_48 : i32
      %add3A_50 = arith.constant 96 : i32
      %add3A_51 = arith.addi %add3A, %add3A_50 : i32
      %ge3A_52 = arith.constant 390 : i32
      %ge3A_53 = arith.cmpi sge, %add3A_51, %ge3A_52 : i32
      %select_n3A_54 = arith.select %ge3A_53, %add3A, %add3A_51 : i32
      %mul3A_55 = arith.constant 128 : i32
      %mul3A_56 = arith.muli %select_n3A_54, %mul3A_55 : i32
      %add3A_57 = arith.addi %mul3A_49, %mul3A_56 : i32
      %multiple_of3A_58 = tpu.assume_multiple %add3A_57, 16 : i32
      %dma_start3A_59 = tpu.memref_slice %arg3[%multiple_of3A_58] : memref<200000xi32, #tpu.memory_space<hbm>> -> memref<128xi32, #tpu.memory_space<hbm>>
      %dma_start3A_60 = tpu.memref_slice %arg3[%multiple_of3A_58] : memref<200000xi32, #tpu.memory_space<hbm>> -> memref<128xi32, #tpu.memory_space<hbm>>
      tpu.enqueue_dma source(%dma_start3A_60 : memref<128xi32, #tpu.memory_space<hbm>>) target(%arg9 : memref<128xi32, #tpu.memory_space<vmem>>) target_semaphore(%arg23 : memref<!tpu.dma_semaphore, #tpu.memory_space<semaphore_mem>>)
      %dma_wait3A = tpu.memref_slice %arg3[%multiple_of3A] : memref<200000xi32, #tpu.memory_space<hbm>> -> memref<128xi32, #tpu.memory_space<hbm>>
      %dma_wait3A_61 = tpu.memref_slice %arg3[%multiple_of3A] : memref<200000xi32, #tpu.memory_space<hbm>> -> memref<128xi32, #tpu.memory_space<hbm>>
      tpu.wait_dma2 semaphore(%arg20 : memref<!tpu.dma_semaphore, #tpu.memory_space<semaphore_mem>>) src(%dma_wait3A_61 : memref<128xi32, #tpu.memory_space<hbm>>) dst(%arg6 : memref<128xi32, #tpu.memory_space<vmem>>)
      %parallel_loop3A = arith.constant 0 : i32
      %parallel_loop3A_62 = arith.constant 128 : i32
      %parallel_loop3A_63 = arith.constant 16 : i32
      scf.for %parallel_loop3A_618 = %parallel_loop3A to %parallel_loop3A_62 step %parallel_loop3A_63  : i32 {
        %parallel_loop3A_619 = arith.index_cast %parallel_loop3A_618 : i32 to index
        %parallel_loop3A_620 = tpu.vector_load %arg6[%parallel_loop3A_619] {strides = array<i32>} : memref<128xi32, #tpu.memory_space<vmem>>, vector<16xi32>,
        %parallel_loop3A_621 = arith.constant 32768 : i32
        %parallel_loop3A_622 = arith.muli %scan3A_12, %parallel_loop3A_621 : i32
        %parallel_loop3A_623 = vector.broadcast %parallel_loop3A_622 : i32 to vector<16xi32>
        %parallel_loop3A_624 = arith.addi %parallel_loop3A_620, %parallel_loop3A_623 : vector<16xi32>
        %parallel_loop3A_625 = arith.index_cast %parallel_loop3A_618 : i32 to index
        %parallel_loop3A_626 = tpu.vector_load %arg10[%parallel_loop3A_625] {strides = array<i32>} : memref<128xi32, #tpu.memory_space<vmem>>, vector<16xi32>,
        tpu.vector_store %arg10[%parallel_loop3A_625], %parallel_loop3A_624 {strides = array<i32>} : memref<128xi32, #tpu.memory_space<vmem>>, vector<16xi32>,
      } {sc.loop_unroll_factor = 4 : i64, sc.parallel_access}
      %dma_start3A_64 = arith.constant 0 : i32
      %dma_start3A_65 = arith.constant 0 : i32
      %dma_start3A_66 = tpu.memref_slice %arg2[%dma_start3A_64, %dma_start3A_65] : memref<131072x128xf32, #tpu.memory_space<hbm>> -> memref<131072x128xf32, #tpu.memory_space<hbm>>
      tpu.enqueue_indirect_dma source(%dma_start3A_66 : memref<131072x128xf32, #tpu.memory_space<hbm>>) target(%arg14 : memref<128x128xf32, #tpu.memory_space<vmem>>) offsets(%arg10 : memref<128xi32, #tpu.memory_space<vmem>>) semaphore(%arg24 : memref<!tpu.dma_semaphore, #tpu.memory_space<semaphore_mem>>)
      %dma_wait3A_67 = tpu.memref_slice %arg3[%multiple_of3A_32] : memref<200000xi32, #tpu.memory_space<hbm>> -> memref<128xi32, #tpu.memory_space<hbm>>
      %dma_wait3A_68 = tpu.memref_slice %arg3[%multiple_of3A_32] : memref<200000xi32, #tpu.memory_space<hbm>> -> memref<128xi32, #tpu.memory_space<hbm>>
      tpu.wait_dma2 semaphore(%arg21 : memref<!tpu.dma_semaphore, #tpu.memory_space<semaphore_mem>>) src(%dma_wait3A_68 : memref<128xi32, #tpu.memory_space<hbm>>) dst(%arg7 : memref<128xi32, #tpu.memory_space<vmem>>)
      %parallel_loop3A_69 = arith.constant 0 : i32
      %parallel_loop3A_70 = arith.constant 128 : i32
      %parallel_loop3A_71 = arith.constant 16 : i32
      scf.for %parallel_loop3A_618 = %parallel_loop3A_69 to %parallel_loop3A_70 step %parallel_loop3A_71  : i32 {
        %parallel_loop3A_619 = arith.index_cast %parallel_loop3A_618 : i32 to index
        %parallel_loop3A_620 = tpu.vector_load %arg7[%parallel_loop3A_619] {strides = array<i32>} : memref<128xi32, #tpu.memory_space<vmem>>, vector<16xi32>,
        %parallel_loop3A_621 = arith.constant 32768 : i32
        %parallel_loop3A_622 = arith.muli %scan3A_12, %parallel_loop3A_621 : i32
        %parallel_loop3A_623 = vector.broadcast %parallel_loop3A_622 : i32 to vector<16xi32>
        %parallel_loop3A_624 = arith.addi %parallel_loop3A_620, %parallel_loop3A_623 : vector<16xi32>
        %parallel_loop3A_625 = arith.index_cast %parallel_loop3A_618 : i32 to index
        %parallel_loop3A_626 = tpu.vector_load %arg11[%parallel_loop3A_625] {strides = array<i32>} : memref<128xi32, #tpu.memory_space<vmem>>, vector<16xi32>,
        tpu.vector_store %arg11[%parallel_loop3A_625], %parallel_loop3A_624 {strides = array<i32>} : memref<128xi32, #tpu.memory_space<vmem>>, vector<16xi32>,
      } {sc.loop_unroll_factor = 4 : i64, sc.parallel_access}
      %dma_start3A_72 = arith.constant 0 : i32
      %dma_start3A_73 = arith.constant 0 : i32
      %dma_start3A_74 = tpu.memref_slice %arg2[%dma_start3A_72, %dma_start3A_73] : memref<131072x128xf32, #tpu.memory_space<hbm>> -> memref<131072x128xf32, #tpu.memory_space<hbm>>
      tpu.enqueue_indirect_dma source(%dma_start3A_74 : memref<131072x128xf32, #tpu.memory_space<hbm>>) target(%arg15 : memref<128x128xf32, #tpu.memory_space<vmem>>) offsets(%arg11 : memref<128xi32, #tpu.memory_space<vmem>>) semaphore(%arg25 : memref<!tpu.dma_semaphore, #tpu.memory_space<semaphore_mem>>)
      %dma_wait3A_75 = tpu.memref_slice %arg3[%multiple_of3A_45] : memref<200000xi32, #tpu.memory_space<hbm>> -> memref<128xi32, #tpu.memory_space<hbm>>
      %dma_wait3A_76 = tpu.memref_slice %arg3[%multiple_of3A_45] : memref<200000xi32, #tpu.memory_space<hbm>> -> memref<128xi32, #tpu.memory_space<hbm>>
      tpu.wait_dma2 semaphore(%arg22 : memref<!tpu.dma_semaphore, #tpu.memory_space<semaphore_mem>>) src(%dma_wait3A_76 : memref<128xi32, #tpu.memory_space<hbm>>) dst(%arg8 : memref<128xi32, #tpu.memory_space<vmem>>)
      %parallel_loop3A_77 = arith.constant 0 : i32
      %parallel_loop3A_78 = arith.constant 128 : i32
      %parallel_loop3A_79 = arith.constant 16 : i32
      scf.for %parallel_loop3A_618 = %parallel_loop3A_77 to %parallel_loop3A_78 step %parallel_loop3A_79  : i32 {
        %parallel_loop3A_619 = arith.index_cast %parallel_loop3A_618 : i32 to index
        %parallel_loop3A_620 = tpu.vector_load %arg8[%parallel_loop3A_619] {strides = array<i32>} : memref<128xi32, #tpu.memory_space<vmem>>, vector<16xi32>,
        %parallel_loop3A_621 = arith.constant 32768 : i32
        %parallel_loop3A_622 = arith.muli %scan3A_12, %parallel_loop3A_621 : i32
        %parallel_loop3A_623 = vector.broadcast %parallel_loop3A_622 : i32 to vector<16xi32>
        %parallel_loop3A_624 = arith.addi %parallel_loop3A_620, %parallel_loop3A_623 : vector<16xi32>
        %parallel_loop3A_625 = arith.index_cast %parallel_loop3A_618 : i32 to index
        %parallel_loop3A_626 = tpu.vector_load %arg12[%parallel_loop3A_625] {strides = array<i32>} : memref<128xi32, #tpu.memory_space<vmem>>, vector<16xi32>,
        tpu.vector_store %arg12[%parallel_loop3A_625], %parallel_loop3A_624 {strides = array<i32>} : memref<128xi32, #tpu.memory_space<vmem>>, vector<16xi32>,
      } {sc.loop_unroll_factor = 4 : i64, sc.parallel_access}
      %dma_start3A_80 = arith.constant 0 : i32
      %dma_start3A_81 = arith.constant 0 : i32
      %dma_start3A_82 = tpu.memref_slice %arg2[%dma_start3A_80, %dma_start3A_81] : memref<131072x128xf32, #tpu.memory_space<hbm>> -> memref<131072x128xf32, #tpu.memory_space<hbm>>
      tpu.enqueue_indirect_dma source(%dma_start3A_82 : memref<131072x128xf32, #tpu.memory_space<hbm>>) target(%arg16 : memref<128x128xf32, #tpu.memory_space<vmem>>) offsets(%arg12 : memref<128xi32, #tpu.memory_space<vmem>>) semaphore(%arg26 : memref<!tpu.dma_semaphore, #tpu.memory_space<semaphore_mem>>)
      %mul3A_83 = arith.constant 50000 : i32
      %mul3A_84 = arith.muli %scan3A_12, %mul3A_83 : i32
      %add3A_85 = arith.constant 128 : i32
      %add3A_86 = arith.addi %add3A, %add3A_85 : i32
      %ge3A_87 = arith.constant 390 : i32
      %ge3A_88 = arith.cmpi sge, %add3A_86, %ge3A_87 : i32
      %select_n3A_89 = arith.select %ge3A_88, %add3A, %add3A_86 : i32
      %mul3A_90 = arith.constant 128 : i32
      %mul3A_91 = arith.muli %select_n3A_89, %mul3A_90 : i32
      %add3A_92 = arith.addi %mul3A_84, %mul3A_91 : i32
      %multiple_of3A_93 = tpu.assume_multiple %add3A_92, 16 : i32
      %dma_start3A_94 = tpu.memref_slice %arg3[%multiple_of3A_93] : memref<200000xi32, #tpu.memory_space<hbm>> -> memref<128xi32, #tpu.memory_space<hbm>>
      %dma_start3A_95 = tpu.memref_slice %arg3[%multiple_of3A_93] : memref<200000xi32, #tpu.memory_space<hbm>> -> memref<128xi32, #tpu.memory_space<hbm>>
      tpu.enqueue_dma source(%dma_start3A_95 : memref<128xi32, #tpu.memory_space<hbm>>) target(%arg6 : memref<128xi32, #tpu.memory_space<vmem>>) target_semaphore(%arg20 : memref<!tpu.dma_semaphore, #tpu.memory_space<semaphore_mem>>)
      %dma_wait3A_96 = arith.constant 0 : i32
      %dma_wait3A_97 = arith.constant 0 : i32
      %dma_wait3A_98 = tpu.memref_slice %arg2[%dma_wait3A_96, %dma_wait3A_97] : memref<131072x128xf32, #tpu.memory_space<hbm>> -> memref<131072x128xf32, #tpu.memory_space<hbm>>
      tpu.wait_indirect_dma semaphore(%arg24 : memref<!tpu.dma_semaphore, #tpu.memory_space<semaphore_mem>>) src(%dma_wait3A_98 : memref<131072x128xf32, #tpu.memory_space<hbm>>) dst(%arg14 : memref<128x128xf32, #tpu.memory_space<vmem>>)
      %parallel_loop3A_99 = arith.constant 0 : i32
      %parallel_loop3A_100 = arith.constant 8192 : i32
      %parallel_loop3A_101 = arith.constant 16 : i32
      scf.for %parallel_loop3A_618 = %parallel_loop3A_99 to %parallel_loop3A_100 step %parallel_loop3A_101  : i32 {
        %parallel_loop3A_619 = arith.constant 7 : i32
        %parallel_loop3A_620 = arith.shrsi %parallel_loop3A_618, %parallel_loop3A_619 : i32
        %parallel_loop3A_621 = arith.constant 127 : i32
        %parallel_loop3A_622 = arith.andi %parallel_loop3A_618, %parallel_loop3A_621 : i32
        %parallel_loop3A_623 = vector.broadcast %parallel_loop3A_622 : i32 to vector<16xi32>
        %parallel_loop3A_624 = arith.addi %iota3A, %parallel_loop3A_623 : vector<16xi32>
        %parallel_loop3A_625 = arith.constant 0 : i32
        %parallel_loop3A_626 = vector.broadcast %parallel_loop3A_625 : i32 to vector<16xi32>
        %parallel_loop3A_627 = vector.broadcast %parallel_loop3A_620 : i32 to vector<16xi32>
        %parallel_loop3A_628 = arith.addi %parallel_loop3A_626, %parallel_loop3A_627 : vector<16xi32>
        %parallel_loop3A_629 = tpu.vector_load_idx %arg14[%parallel_loop3A_624, %parallel_loop3A_628] : memref<128x128xf32, #tpu.memory_space<vmem>>[vector<16xi32>, vector<16xi32>], vector<16xf32>,
        %parallel_loop3A_630 = arith.index_cast %parallel_loop3A_620 : i32 to index
        %parallel_loop3A_631 = arith.index_cast %parallel_loop3A_622 : i32 to index
        %parallel_loop3A_632 = tpu.vector_load %arg18[%parallel_loop3A_630, %parallel_loop3A_631] {strides = array<i32>} : memref<64x128xf32, #tpu.memory_space<vmem>>, vector<16xf32>,
        tpu.vector_store %arg18[%parallel_loop3A_630, %parallel_loop3A_631], %parallel_loop3A_629 {strides = array<i32>} : memref<64x128xf32, #tpu.memory_space<vmem>>, vector<16xf32>,
      } {sc.loop_unroll_factor = 8 : i64, sc.parallel_access}
      %add3A_102 = arith.constant 0 : i32
      %add3A_103 = arith.addi %add3A, %add3A_102 : i32
      %ge3A_104 = arith.constant 390 : i32
      %ge3A_105 = arith.cmpi sge, %add3A_103, %ge3A_104 : i32
      %select_n3A_106 = arith.select %ge3A_105, %add3A, %add3A_103 : i32
      %mul3A_107 = arith.constant 128 : i32
      %mul3A_108 = arith.muli %select_n3A_106, %mul3A_107 : i32
      %multiple_of3A_109 = tpu.assume_multiple %mul3A_108, 128 : i32
      %dma_start3A_110 = arith.constant 0 : i32
      %dma_start3A_111 = tpu.memref_slice %arg4[%scan3A_12, %dma_start3A_110, %multiple_of3A_109] : memref<4x64x50000xf32, #tpu.memory_space<hbm>> -> memref<1x64x128xf32, #tpu.memory_space<hbm>>
      %dma_start3A_112 = tpu.memref_squeeze %dma_start3A_111 : memref<1x64x128xf32, #tpu.memory_space<hbm>> -> memref<64x128xf32, #tpu.memory_space<hbm>>
      %dma_start3A_113 = arith.constant 0 : i32
      %dma_start3A_114 = tpu.memref_slice %arg4[%scan3A_12, %dma_start3A_113, %multiple_of3A_109] : memref<4x64x50000xf32, #tpu.memory_space<hbm>> -> memref<1x64x128xf32, #tpu.memory_space<hbm>>
      %dma_start3A_115 = tpu.memref_squeeze %dma_start3A_114 : memref<1x64x128xf32, #tpu.memory_space<hbm>> -> memref<64x128xf32, #tpu.memory_space<hbm>>
      tpu.enqueue_dma source(%arg18 : memref<64x128xf32, #tpu.memory_space<vmem>>) target(%dma_start3A_115 : memref<64x128xf32, #tpu.memory_space<hbm>>) target_semaphore(%arg28 : memref<!tpu.dma_semaphore, #tpu.memory_space<semaphore_mem>>)
      %dma_wait3A_116 = tpu.memref_slice %arg3[%multiple_of3A_58] : memref<200000xi32, #tpu.memory_space<hbm>> -> memref<128xi32, #tpu.memory_space<hbm>>
      %dma_wait3A_117 = tpu.memref_slice %arg3[%multiple_of3A_58] : memref<200000xi32, #tpu.memory_space<hbm>> -> memref<128xi32, #tpu.memory_space<hbm>>
      tpu.wait_dma2 semaphore(%arg23 : memref<!tpu.dma_semaphore, #tpu.memory_space<semaphore_mem>>) src(%dma_wait3A_117 : memref<128xi32, #tpu.memory_space<hbm>>) dst(%arg9 : memref<128xi32, #tpu.memory_space<vmem>>)
      %parallel_loop3A_118 = arith.constant 0 : i32
      %parallel_loop3A_119 = arith.constant 128 : i32
      %parallel_loop3A_120 = arith.constant 16 : i32
      scf.for %parallel_loop3A_618 = %parallel_loop3A_118 to %parallel_loop3A_119 step %parallel_loop3A_120  : i32 {
        %parallel_loop3A_619 = arith.index_cast %parallel_loop3A_618 : i32 to index
        %parallel_loop3A_620 = tpu.vector_load %arg9[%parallel_loop3A_619] {strides = array<i32>} : memref<128xi32, #tpu.memory_space<vmem>>, vector<16xi32>,
        %parallel_loop3A_621 = arith.constant 32768 : i32
        %parallel_loop3A_622 = arith.muli %scan3A_12, %parallel_loop3A_621 : i32
        %parallel_loop3A_623 = vector.broadcast %parallel_loop3A_622 : i32 to vector<16xi32>
        %parallel_loop3A_624 = arith.addi %parallel_loop3A_620, %parallel_loop3A_623 : vector<16xi32>
        %parallel_loop3A_625 = arith.index_cast %parallel_loop3A_618 : i32 to index
        %parallel_loop3A_626 = tpu.vector_load %arg13[%parallel_loop3A_625] {strides = array<i32>} : memref<128xi32, #tpu.memory_space<vmem>>, vector<16xi32>,
        tpu.vector_store %arg13[%parallel_loop3A_625], %parallel_loop3A_624 {strides = array<i32>} : memref<128xi32, #tpu.memory_space<vmem>>, vector<16xi32>,
      } {sc.loop_unroll_factor = 4 : i64, sc.parallel_access}
      %dma_start3A_121 = arith.constant 0 : i32
      %dma_start3A_122 = arith.constant 0 : i32
      %dma_start3A_123 = tpu.memref_slice %arg2[%dma_start3A_121, %dma_start3A_122] : memref<131072x128xf32, #tpu.memory_space<hbm>> -> memref<131072x128xf32, #tpu.memory_space<hbm>>
      tpu.enqueue_indirect_dma source(%dma_start3A_123 : memref<131072x128xf32, #tpu.memory_space<hbm>>) target(%arg17 : memref<128x128xf32, #tpu.memory_space<vmem>>) offsets(%arg13 : memref<128xi32, #tpu.memory_space<vmem>>) semaphore(%arg27 : memref<!tpu.dma_semaphore, #tpu.memory_space<semaphore_mem>>)
      %mul3A_124 = arith.constant 50000 : i32
      %mul3A_125 = arith.muli %scan3A_12, %mul3A_124 : i32
      %add3A_126 = arith.constant 160 : i32
      %add3A_127 = arith.addi %add3A, %add3A_126 : i32
      %ge3A_128 = arith.constant 390 : i32
      %ge3A_129 = arith.cmpi sge, %add3A_127, %ge3A_128 : i32
      %select_n3A_130 = arith.select %ge3A_129, %add3A, %add3A_127 : i32
      %mul3A_131 = arith.constant 128 : i32
      %mul3A_132 = arith.muli %select_n3A_130, %mul3A_131 : i32
      %add3A_133 = arith.addi %mul3A_125, %mul3A_132 : i32
      %multiple_of3A_134 = tpu.assume_multiple %add3A_133, 16 : i32
      %dma_start3A_135 = tpu.memref_slice %arg3[%multiple_of3A_134] : memref<200000xi32, #tpu.memory_space<hbm>> -> memref<128xi32, #tpu.memory_space<hbm>>
      %dma_start3A_136 = tpu.memref_slice %arg3[%multiple_of3A_134] : memref<200000xi32, #tpu.memory_space<hbm>> -> memref<128xi32, #tpu.memory_space<hbm>>
      tpu.enqueue_dma source(%dma_start3A_136 : memref<128xi32, #tpu.memory_space<hbm>>) target(%arg7 : memref<128xi32, #tpu.memory_space<vmem>>) target_semaphore(%arg21 : memref<!tpu.dma_semaphore, #tpu.memory_space<semaphore_mem>>)
      %dma_wait3A_137 = arith.constant 0 : i32
      %dma_wait3A_138 = arith.constant 0 : i32
      %dma_wait3A_139 = tpu.memref_slice %arg2[%dma_wait3A_137, %dma_wait3A_138] : memref<131072x128xf32, #tpu.memory_space<hbm>> -> memref<131072x128xf32, #tpu.memory_space<hbm>>
      tpu.wait_indirect_dma semaphore(%arg25 : memref<!tpu.dma_semaphore, #tpu.memory_space<semaphore_mem>>) src(%dma_wait3A_139 : memref<131072x128xf32, #tpu.memory_space<hbm>>) dst(%arg15 : memref<128x128xf32, #tpu.memory_space<vmem>>)
      %parallel_loop3A_140 = arith.constant 0 : i32
      %parallel_loop3A_141 = arith.constant 8192 : i32
      %parallel_loop3A_142 = arith.constant 16 : i32
      scf.for %parallel_loop3A_618 = %parallel_loop3A_140 to %parallel_loop3A_141 step %parallel_loop3A_142  : i32 {
        %parallel_loop3A_619 = arith.constant 7 : i32
        %parallel_loop3A_620 = arith.shrsi %parallel_loop3A_618, %parallel_loop3A_619 : i32
        %parallel_loop3A_621 = arith.constant 127 : i32
        %parallel_loop3A_622 = arith.andi %parallel_loop3A_618, %parallel_loop3A_621 : i32
        %parallel_loop3A_623 = vector.broadcast %parallel_loop3A_622 : i32 to vector<16xi32>
        %parallel_loop3A_624 = arith.addi %iota3A, %parallel_loop3A_623 : vector<16xi32>
        %parallel_loop3A_625 = arith.constant 0 : i32
        %parallel_loop3A_626 = vector.broadcast %parallel_loop3A_625 : i32 to vector<16xi32>
        %parallel_loop3A_627 = vector.broadcast %parallel_loop3A_620 : i32 to vector<16xi32>
        %parallel_loop3A_628 = arith.addi %parallel_loop3A_626, %parallel_loop3A_627 : vector<16xi32>
        %parallel_loop3A_629 = tpu.vector_load_idx %arg15[%parallel_loop3A_624, %parallel_loop3A_628] : memref<128x128xf32, #tpu.memory_space<vmem>>[vector<16xi32>, vector<16xi32>], vector<16xf32>,
        %parallel_loop3A_630 = arith.index_cast %parallel_loop3A_620 : i32 to index
        %parallel_loop3A_631 = arith.index_cast %parallel_loop3A_622 : i32 to index
        %parallel_loop3A_632 = tpu.vector_load %arg19[%parallel_loop3A_630, %parallel_loop3A_631] {strides = array<i32>} : memref<64x128xf32, #tpu.memory_space<vmem>>, vector<16xf32>,
        tpu.vector_store %arg19[%parallel_loop3A_630, %parallel_loop3A_631], %parallel_loop3A_629 {strides = array<i32>} : memref<64x128xf32, #tpu.memory_space<vmem>>, vector<16xf32>,
      } {sc.loop_unroll_factor = 8 : i64, sc.parallel_access}
      %add3A_143 = arith.constant 32 : i32
      %add3A_144 = arith.addi %add3A, %add3A_143 : i32
      %ge3A_145 = arith.constant 390 : i32
      %ge3A_146 = arith.cmpi sge, %add3A_144, %ge3A_145 : i32
      %select_n3A_147 = arith.select %ge3A_146, %add3A, %add3A_144 : i32
      %mul3A_148 = arith.constant 128 : i32
      %mul3A_149 = arith.muli %select_n3A_147, %mul3A_148 : i32
      %multiple_of3A_150 = tpu.assume_multiple %mul3A_149, 128 : i32
      %dma_start3A_151 = arith.constant 0 : i32
      %dma_start3A_152 = tpu.memref_slice %arg4[%scan3A_12, %dma_start3A_151, %multiple_of3A_150] : memref<4x64x50000xf32, #tpu.memory_space<hbm>> -> memref<1x64x128xf32, #tpu.memory_space<hbm>>
      %dma_start3A_153 = tpu.memref_squeeze %dma_start3A_152 : memref<1x64x128xf32, #tpu.memory_space<hbm>> -> memref<64x128xf32, #tpu.memory_space<hbm>>
      %dma_start3A_154 = arith.constant 0 : i32
      %dma_start3A_155 = tpu.memref_slice %arg4[%scan3A_12, %dma_start3A_154, %multiple_of3A_150] : memref<4x64x50000xf32, #tpu.memory_space<hbm>> -> memref<1x64x128xf32, #tpu.memory_space<hbm>>
      %dma_start3A_156 = tpu.memref_squeeze %dma_start3A_155 : memref<1x64x128xf32, #tpu.memory_space<hbm>> -> memref<64x128xf32, #tpu.memory_space<hbm>>
      tpu.enqueue_dma source(%arg19 : memref<64x128xf32, #tpu.memory_space<vmem>>) target(%dma_start3A_156 : memref<64x128xf32, #tpu.memory_space<hbm>>) target_semaphore(%arg29 : memref<!tpu.dma_semaphore, #tpu.memory_space<semaphore_mem>>)
      %dma_wait3A_157 = tpu.memref_slice %arg3[%multiple_of3A_93] : memref<200000xi32, #tpu.memory_space<hbm>> -> memref<128xi32, #tpu.memory_space<hbm>>
      %dma_wait3A_158 = tpu.memref_slice %arg3[%multiple_of3A_93] : memref<200000xi32, #tpu.memory_space<hbm>> -> memref<128xi32, #tpu.memory_space<hbm>>
      tpu.wait_dma2 semaphore(%arg20 : memref<!tpu.dma_semaphore, #tpu.memory_space<semaphore_mem>>) src(%dma_wait3A_158 : memref<128xi32, #tpu.memory_space<hbm>>) dst(%arg6 : memref<128xi32, #tpu.memory_space<vmem>>)
      %parallel_loop3A_159 = arith.constant 0 : i32
      %parallel_loop3A_160 = arith.constant 128 : i32
      %parallel_loop3A_161 = arith.constant 16 : i32
      scf.for %parallel_loop3A_618 = %parallel_loop3A_159 to %parallel_loop3A_160 step %parallel_loop3A_161  : i32 {
        %parallel_loop3A_619 = arith.index_cast %parallel_loop3A_618 : i32 to index
        %parallel_loop3A_620 = tpu.vector_load %arg6[%parallel_loop3A_619] {strides = array<i32>} : memref<128xi32, #tpu.memory_space<vmem>>, vector<16xi32>,
        %parallel_loop3A_621 = arith.constant 32768 : i32
        %parallel_loop3A_622 = arith.muli %scan3A_12, %parallel_loop3A_621 : i32
        %parallel_loop3A_623 = vector.broadcast %parallel_loop3A_622 : i32 to vector<16xi32>
        %parallel_loop3A_624 = arith.addi %parallel_loop3A_620, %parallel_loop3A_623 : vector<16xi32>
        %parallel_loop3A_625 = arith.index_cast %parallel_loop3A_618 : i32 to index
        %parallel_loop3A_626 = tpu.vector_load %arg10[%parallel_loop3A_625] {strides = array<i32>} : memref<128xi32, #tpu.memory_space<vmem>>, vector<16xi32>,
        tpu.vector_store %arg10[%parallel_loop3A_625], %parallel_loop3A_624 {strides = array<i32>} : memref<128xi32, #tpu.memory_space<vmem>>, vector<16xi32>,
      } {sc.loop_unroll_factor = 4 : i64, sc.parallel_access}
      %dma_start3A_162 = arith.constant 0 : i32
      %dma_start3A_163 = arith.constant 0 : i32
      %dma_start3A_164 = tpu.memref_slice %arg2[%dma_start3A_162, %dma_start3A_163] : memref<131072x128xf32, #tpu.memory_space<hbm>> -> memref<131072x128xf32, #tpu.memory_space<hbm>>
      tpu.enqueue_indirect_dma source(%dma_start3A_164 : memref<131072x128xf32, #tpu.memory_space<hbm>>) target(%arg14 : memref<128x128xf32, #tpu.memory_space<vmem>>) offsets(%arg10 : memref<128xi32, #tpu.memory_space<vmem>>) semaphore(%arg24 : memref<!tpu.dma_semaphore, #tpu.memory_space<semaphore_mem>>)
      %mul3A_165 = arith.constant 50000 : i32
      %mul3A_166 = arith.muli %scan3A_12, %mul3A_165 : i32
      %add3A_167 = arith.constant 192 : i32
      %add3A_168 = arith.addi %add3A, %add3A_167 : i32
      %ge3A_169 = arith.constant 390 : i32
      %ge3A_170 = arith.cmpi sge, %add3A_168, %ge3A_169 : i32
      %select_n3A_171 = arith.select %ge3A_170, %add3A, %add3A_168 : i32
      %mul3A_172 = arith.constant 128 : i32
      %mul3A_173 = arith.muli %select_n3A_171, %mul3A_172 : i32
      %add3A_174 = arith.addi %mul3A_166, %mul3A_173 : i32
      %multiple_of3A_175 = tpu.assume_multiple %add3A_174, 16 : i32
      %dma_start3A_176 = tpu.memref_slice %arg3[%multiple_of3A_175] : memref<200000xi32, #tpu.memory_space<hbm>> -> memref<128xi32, #tpu.memory_space<hbm>>
      %dma_start3A_177 = tpu.memref_slice %arg3[%multiple_of3A_175] : memref<200000xi32, #tpu.memory_space<hbm>> -> memref<128xi32, #tpu.memory_space<hbm>>
      tpu.enqueue_dma source(%dma_start3A_177 : memref<128xi32, #tpu.memory_space<hbm>>) target(%arg8 : memref<128xi32, #tpu.memory_space<vmem>>) target_semaphore(%arg22 : memref<!tpu.dma_semaphore, #tpu.memory_space<semaphore_mem>>)
      %dma_wait3A_178 = arith.constant 0 : i32
      %dma_wait3A_179 = arith.constant 0 : i32
      %dma_wait3A_180 = tpu.memref_slice %arg2[%dma_wait3A_178, %dma_wait3A_179] : memref<131072x128xf32, #tpu.memory_space<hbm>> -> memref<131072x128xf32, #tpu.memory_space<hbm>>
      tpu.wait_indirect_dma semaphore(%arg26 : memref<!tpu.dma_semaphore, #tpu.memory_space<semaphore_mem>>) src(%dma_wait3A_180 : memref<131072x128xf32, #tpu.memory_space<hbm>>) dst(%arg16 : memref<128x128xf32, #tpu.memory_space<vmem>>)
      %dma_wait3A_181 = arith.constant 0 : i32
      %dma_wait3A_182 = tpu.memref_slice %arg4[%scan3A_12, %dma_wait3A_181, %multiple_of3A_109] : memref<4x64x50000xf32, #tpu.memory_space<hbm>> -> memref<1x64x128xf32, #tpu.memory_space<hbm>>
      %dma_wait3A_183 = tpu.memref_squeeze %dma_wait3A_182 : memref<1x64x128xf32, #tpu.memory_space<hbm>> -> memref<64x128xf32, #tpu.memory_space<hbm>>
      %dma_wait3A_184 = arith.constant 0 : i32
      %dma_wait3A_185 = tpu.memref_slice %arg4[%scan3A_12, %dma_wait3A_184, %multiple_of3A_109] : memref<4x64x50000xf32, #tpu.memory_space<hbm>> -> memref<1x64x128xf32, #tpu.memory_space<hbm>>
      %dma_wait3A_186 = tpu.memref_squeeze %dma_wait3A_185 : memref<1x64x128xf32, #tpu.memory_space<hbm>> -> memref<64x128xf32, #tpu.memory_space<hbm>>
      tpu.wait_dma2 semaphore(%arg28 : memref<!tpu.dma_semaphore, #tpu.memory_space<semaphore_mem>>) src(%arg18 : memref<64x128xf32, #tpu.memory_space<vmem>>) dst(%dma_wait3A_186 : memref<64x128xf32, #tpu.memory_space<hbm>>)
      %parallel_loop3A_187 = arith.constant 0 : i32
      %parallel_loop3A_188 = arith.constant 8192 : i32
      %parallel_loop3A_189 = arith.constant 16 : i32
      scf.for %parallel_loop3A_618 = %parallel_loop3A_187 to %parallel_loop3A_188 step %parallel_loop3A_189  : i32 {
        %parallel_loop3A_619 = arith.constant 7 : i32
        %parallel_loop3A_620 = arith.shrsi %parallel_loop3A_618, %parallel_loop3A_619 : i32
        %parallel_loop3A_621 = arith.constant 127 : i32
        %parallel_loop3A_622 = arith.andi %parallel_loop3A_618, %parallel_loop3A_621 : i32
        %parallel_loop3A_623 = vector.broadcast %parallel_loop3A_622 : i32 to vector<16xi32>
        %parallel_loop3A_624 = arith.addi %iota3A, %parallel_loop3A_623 : vector<16xi32>
        %parallel_loop3A_625 = arith.constant 0 : i32
        %parallel_loop3A_626 = vector.broadcast %parallel_loop3A_625 : i32 to vector<16xi32>
        %parallel_loop3A_627 = vector.broadcast %parallel_loop3A_620 : i32 to vector<16xi32>
        %parallel_loop3A_628 = arith.addi %parallel_loop3A_626, %parallel_loop3A_627 : vector<16xi32>
        %parallel_loop3A_629 = tpu.vector_load_idx %arg16[%parallel_loop3A_624, %parallel_loop3A_628] : memref<128x128xf32, #tpu.memory_space<vmem>>[vector<16xi32>, vector<16xi32>], vector<16xf32>,
        %parallel_loop3A_630 = arith.index_cast %parallel_loop3A_620 : i32 to index
        %parallel_loop3A_631 = arith.index_cast %parallel_loop3A_622 : i32 to index
        %parallel_loop3A_632 = tpu.vector_load %arg18[%parallel_loop3A_630, %parallel_loop3A_631] {strides = array<i32>} : memref<64x128xf32, #tpu.memory_space<vmem>>, vector<16xf32>,
        tpu.vector_store %arg18[%parallel_loop3A_630, %parallel_loop3A_631], %parallel_loop3A_629 {strides = array<i32>} : memref<64x128xf32, #tpu.memory_space<vmem>>, vector<16xf32>,
      } {sc.loop_unroll_factor = 8 : i64, sc.parallel_access}
      %add3A_190 = arith.constant 64 : i32
      %add3A_191 = arith.addi %add3A, %add3A_190 : i32
      %ge3A_192 = arith.constant 390 : i32
      %ge3A_193 = arith.cmpi sge, %add3A_191, %ge3A_192 : i32
      %select_n3A_194 = arith.select %ge3A_193, %add3A, %add3A_191 : i32
      %mul3A_195 = arith.constant 128 : i32
      %mul3A_196 = arith.muli %select_n3A_194, %mul3A_195 : i32
      %multiple_of3A_197 = tpu.assume_multiple %mul3A_196, 128 : i32
      %dma_start3A_198 = arith.constant 0 : i32
      %dma_start3A_199 = tpu.memref_slice %arg4[%scan3A_12, %dma_start3A_198, %multiple_of3A_197] : memref<4x64x50000xf32, #tpu.memory_space<hbm>> -> memref<1x64x128xf32, #tpu.memory_space<hbm>>
      %dma_start3A_200 = tpu.memref_squeeze %dma_start3A_199 : memref<1x64x128xf32, #tpu.memory_space<hbm>> -> memref<64x128xf32, #tpu.memory_space<hbm>>
      %dma_start3A_201 = arith.constant 0 : i32
      %dma_start3A_202 = tpu.memref_slice %arg4[%scan3A_12, %dma_start3A_201, %multiple_of3A_197] : memref<4x64x50000xf32, #tpu.memory_space<hbm>> -> memref<1x64x128xf32, #tpu.memory_space<hbm>>
      %dma_start3A_203 = tpu.memref_squeeze %dma_start3A_202 : memref<1x64x128xf32, #tpu.memory_space<hbm>> -> memref<64x128xf32, #tpu.memory_space<hbm>>
      tpu.enqueue_dma source(%arg18 : memref<64x128xf32, #tpu.memory_space<vmem>>) target(%dma_start3A_203 : memref<64x128xf32, #tpu.memory_space<hbm>>) target_semaphore(%arg28 : memref<!tpu.dma_semaphore, #tpu.memory_space<semaphore_mem>>)
      %dma_wait3A_204 = tpu.memref_slice %arg3[%multiple_of3A_134] : memref<200000xi32, #tpu.memory_space<hbm>> -> memref<128xi32, #tpu.memory_space<hbm>>
      %dma_wait3A_205 = tpu.memref_slice %arg3[%multiple_of3A_134] : memref<200000xi32, #tpu.memory_space<hbm>> -> memref<128xi32, #tpu.memory_space<hbm>>
      tpu.wait_dma2 semaphore(%arg21 : memref<!tpu.dma_semaphore, #tpu.memory_space<semaphore_mem>>) src(%dma_wait3A_205 : memref<128xi32, #tpu.memory_space<hbm>>) dst(%arg7 : memref<128xi32, #tpu.memory_space<vmem>>)
      %parallel_loop3A_206 = arith.constant 0 : i32
      %parallel_loop3A_207 = arith.constant 128 : i32
      %parallel_loop3A_208 = arith.constant 16 : i32
      scf.for %parallel_loop3A_618 = %parallel_loop3A_206 to %parallel_loop3A_207 step %parallel_loop3A_208  : i32 {
        %parallel_loop3A_619 = arith.index_cast %parallel_loop3A_618 : i32 to index
        %parallel_loop3A_620 = tpu.vector_load %arg7[%parallel_loop3A_619] {strides = array<i32>} : memref<128xi32, #tpu.memory_space<vmem>>, vector<16xi32>,
        %parallel_loop3A_621 = arith.constant 32768 : i32
        %parallel_loop3A_622 = arith.muli %scan3A_12, %parallel_loop3A_621 : i32
        %parallel_loop3A_623 = vector.broadcast %parallel_loop3A_622 : i32 to vector<16xi32>
        %parallel_loop3A_624 = arith.addi %parallel_loop3A_620, %parallel_loop3A_623 : vector<16xi32>
        %parallel_loop3A_625 = arith.index_cast %parallel_loop3A_618 : i32 to index
        %parallel_loop3A_626 = tpu.vector_load %arg11[%parallel_loop3A_625] {strides = array<i32>} : memref<128xi32, #tpu.memory_space<vmem>>, vector<16xi32>,
        tpu.vector_store %arg11[%parallel_loop3A_625], %parallel_loop3A_624 {strides = array<i32>} : memref<128xi32, #tpu.memory_space<vmem>>, vector<16xi32>,
      } {sc.loop_unroll_factor = 4 : i64, sc.parallel_access}
      %dma_start3A_209 = arith.constant 0 : i32
      %dma_start3A_210 = arith.constant 0 : i32
      %dma_start3A_211 = tpu.memref_slice %arg2[%dma_start3A_209, %dma_start3A_210] : memref<131072x128xf32, #tpu.memory_space<hbm>> -> memref<131072x128xf32, #tpu.memory_space<hbm>>
      tpu.enqueue_indirect_dma source(%dma_start3A_211 : memref<131072x128xf32, #tpu.memory_space<hbm>>) target(%arg15 : memref<128x128xf32, #tpu.memory_space<vmem>>) offsets(%arg11 : memref<128xi32, #tpu.memory_space<vmem>>) semaphore(%arg25 : memref<!tpu.dma_semaphore, #tpu.memory_space<semaphore_mem>>)
      %mul3A_212 = arith.constant 50000 : i32
      %mul3A_213 = arith.muli %scan3A_12, %mul3A_212 : i32
      %add3A_214 = arith.constant 224 : i32
      %add3A_215 = arith.addi %add3A, %add3A_214 : i32
      %ge3A_216 = arith.constant 390 : i32
      %ge3A_217 = arith.cmpi sge, %add3A_215, %ge3A_216 : i32
      %select_n3A_218 = arith.select %ge3A_217, %add3A, %add3A_215 : i32
      %mul3A_219 = arith.constant 128 : i32
      %mul3A_220 = arith.muli %select_n3A_218, %mul3A_219 : i32
      %add3A_221 = arith.addi %mul3A_213, %mul3A_220 : i32
      %multiple_of3A_222 = tpu.assume_multiple %add3A_221, 16 : i32
      %dma_start3A_223 = tpu.memref_slice %arg3[%multiple_of3A_222] : memref<200000xi32, #tpu.memory_space<hbm>> -> memref<128xi32, #tpu.memory_space<hbm>>
      %dma_start3A_224 = tpu.memref_slice %arg3[%multiple_of3A_222] : memref<200000xi32, #tpu.memory_space<hbm>> -> memref<128xi32, #tpu.memory_space<hbm>>
      tpu.enqueue_dma source(%dma_start3A_224 : memref<128xi32, #tpu.memory_space<hbm>>) target(%arg9 : memref<128xi32, #tpu.memory_space<vmem>>) target_semaphore(%arg23 : memref<!tpu.dma_semaphore, #tpu.memory_space<semaphore_mem>>)
      %dma_wait3A_225 = arith.constant 0 : i32
      %dma_wait3A_226 = arith.constant 0 : i32
      %dma_wait3A_227 = tpu.memref_slice %arg2[%dma_wait3A_225, %dma_wait3A_226] : memref<131072x128xf32, #tpu.memory_space<hbm>> -> memref<131072x128xf32, #tpu.memory_space<hbm>>
      tpu.wait_indirect_dma semaphore(%arg27 : memref<!tpu.dma_semaphore, #tpu.memory_space<semaphore_mem>>) src(%dma_wait3A_227 : memref<131072x128xf32, #tpu.memory_space<hbm>>) dst(%arg17 : memref<128x128xf32, #tpu.memory_space<vmem>>)
      %dma_wait3A_228 = arith.constant 0 : i32
      %dma_wait3A_229 = tpu.memref_slice %arg4[%scan3A_12, %dma_wait3A_228, %multiple_of3A_150] : memref<4x64x50000xf32, #tpu.memory_space<hbm>> -> memref<1x64x128xf32, #tpu.memory_space<hbm>>
      %dma_wait3A_230 = tpu.memref_squeeze %dma_wait3A_229 : memref<1x64x128xf32, #tpu.memory_space<hbm>> -> memref<64x128xf32, #tpu.memory_space<hbm>>
      %dma_wait3A_231 = arith.constant 0 : i32
      %dma_wait3A_232 = tpu.memref_slice %arg4[%scan3A_12, %dma_wait3A_231, %multiple_of3A_150] : memref<4x64x50000xf32, #tpu.memory_space<hbm>> -> memref<1x64x128xf32, #tpu.memory_space<hbm>>
      %dma_wait3A_233 = tpu.memref_squeeze %dma_wait3A_232 : memref<1x64x128xf32, #tpu.memory_space<hbm>> -> memref<64x128xf32, #tpu.memory_space<hbm>>
      tpu.wait_dma2 semaphore(%arg29 : memref<!tpu.dma_semaphore, #tpu.memory_space<semaphore_mem>>) src(%arg19 : memref<64x128xf32, #tpu.memory_space<vmem>>) dst(%dma_wait3A_233 : memref<64x128xf32, #tpu.memory_space<hbm>>)
      %parallel_loop3A_234 = arith.constant 0 : i32
      %parallel_loop3A_235 = arith.constant 8192 : i32
      %parallel_loop3A_236 = arith.constant 16 : i32
      scf.for %parallel_loop3A_618 = %parallel_loop3A_234 to %parallel_loop3A_235 step %parallel_loop3A_236  : i32 {
        %parallel_loop3A_619 = arith.constant 7 : i32
        %parallel_loop3A_620 = arith.shrsi %parallel_loop3A_618, %parallel_loop3A_619 : i32
        %parallel_loop3A_621 = arith.constant 127 : i32
        %parallel_loop3A_622 = arith.andi %parallel_loop3A_618, %parallel_loop3A_621 : i32
        %parallel_loop3A_623 = vector.broadcast %parallel_loop3A_622 : i32 to vector<16xi32>
        %parallel_loop3A_624 = arith.addi %iota3A, %parallel_loop3A_623 : vector<16xi32>
        %parallel_loop3A_625 = arith.constant 0 : i32
        %parallel_loop3A_626 = vector.broadcast %parallel_loop3A_625 : i32 to vector<16xi32>
        %parallel_loop3A_627 = vector.broadcast %parallel_loop3A_620 : i32 to vector<16xi32>
        %parallel_loop3A_628 = arith.addi %parallel_loop3A_626, %parallel_loop3A_627 : vector<16xi32>
        %parallel_loop3A_629 = tpu.vector_load_idx %arg17[%parallel_loop3A_624, %parallel_loop3A_628] : memref<128x128xf32, #tpu.memory_space<vmem>>[vector<16xi32>, vector<16xi32>], vector<16xf32>,
        %parallel_loop3A_630 = arith.index_cast %parallel_loop3A_620 : i32 to index
        %parallel_loop3A_631 = arith.index_cast %parallel_loop3A_622 : i32 to index
        %parallel_loop3A_632 = tpu.vector_load %arg19[%parallel_loop3A_630, %parallel_loop3A_631] {strides = array<i32>} : memref<64x128xf32, #tpu.memory_space<vmem>>, vector<16xf32>,
        tpu.vector_store %arg19[%parallel_loop3A_630, %parallel_loop3A_631], %parallel_loop3A_629 {strides = array<i32>} : memref<64x128xf32, #tpu.memory_space<vmem>>, vector<16xf32>,
      } {sc.loop_unroll_factor = 8 : i64, sc.parallel_access}
      %add3A_237 = arith.constant 96 : i32
      %add3A_238 = arith.addi %add3A, %add3A_237 : i32
      %ge3A_239 = arith.constant 390 : i32
      %ge3A_240 = arith.cmpi sge, %add3A_238, %ge3A_239 : i32
      %select_n3A_241 = arith.select %ge3A_240, %add3A, %add3A_238 : i32
      %mul3A_242 = arith.constant 128 : i32
      %mul3A_243 = arith.muli %select_n3A_241, %mul3A_242 : i32
      %multiple_of3A_244 = tpu.assume_multiple %mul3A_243, 128 : i32
      %dma_start3A_245 = arith.constant 0 : i32
      %dma_start3A_246 = tpu.memref_slice %arg4[%scan3A_12, %dma_start3A_245, %multiple_of3A_244] : memref<4x64x50000xf32, #tpu.memory_space<hbm>> -> memref<1x64x128xf32, #tpu.memory_space<hbm>>
      %dma_start3A_247 = tpu.memref_squeeze %dma_start3A_246 : memref<1x64x128xf32, #tpu.memory_space<hbm>> -> memref<64x128xf32, #tpu.memory_space<hbm>>
      %dma_start3A_248 = arith.constant 0 : i32
      %dma_start3A_249 = tpu.memref_slice %arg4[%scan3A_12, %dma_start3A_248, %multiple_of3A_244] : memref<4x64x50000xf32, #tpu.memory_space<hbm>> -> memref<1x64x128xf32, #tpu.memory_space<hbm>>
      %dma_start3A_250 = tpu.memref_squeeze %dma_start3A_249 : memref<1x64x128xf32, #tpu.memory_space<hbm>> -> memref<64x128xf32, #tpu.memory_space<hbm>>
      tpu.enqueue_dma source(%arg19 : memref<64x128xf32, #tpu.memory_space<vmem>>) target(%dma_start3A_250 : memref<64x128xf32, #tpu.memory_space<hbm>>) target_semaphore(%arg29 : memref<!tpu.dma_semaphore, #tpu.memory_space<semaphore_mem>>)
      %dma_wait3A_251 = tpu.memref_slice %arg3[%multiple_of3A_175] : memref<200000xi32, #tpu.memory_space<hbm>> -> memref<128xi32, #tpu.memory_space<hbm>>
      %dma_wait3A_252 = tpu.memref_slice %arg3[%multiple_of3A_175] : memref<200000xi32, #tpu.memory_space<hbm>> -> memref<128xi32, #tpu.memory_space<hbm>>
      tpu.wait_dma2 semaphore(%arg22 : memref<!tpu.dma_semaphore, #tpu.memory_space<semaphore_mem>>) src(%dma_wait3A_252 : memref<128xi32, #tpu.memory_space<hbm>>) dst(%arg8 : memref<128xi32, #tpu.memory_space<vmem>>)
      %parallel_loop3A_253 = arith.constant 0 : i32
      %parallel_loop3A_254 = arith.constant 128 : i32
      %parallel_loop3A_255 = arith.constant 16 : i32
      scf.for %parallel_loop3A_618 = %parallel_loop3A_253 to %parallel_loop3A_254 step %parallel_loop3A_255  : i32 {
        %parallel_loop3A_619 = arith.index_cast %parallel_loop3A_618 : i32 to index
        %parallel_loop3A_620 = tpu.vector_load %arg8[%parallel_loop3A_619] {strides = array<i32>} : memref<128xi32, #tpu.memory_space<vmem>>, vector<16xi32>,
        %parallel_loop3A_621 = arith.constant 32768 : i32
        %parallel_loop3A_622 = arith.muli %scan3A_12, %parallel_loop3A_621 : i32
        %parallel_loop3A_623 = vector.broadcast %parallel_loop3A_622 : i32 to vector<16xi32>
        %parallel_loop3A_624 = arith.addi %parallel_loop3A_620, %parallel_loop3A_623 : vector<16xi32>
        %parallel_loop3A_625 = arith.index_cast %parallel_loop3A_618 : i32 to index
        %parallel_loop3A_626 = tpu.vector_load %arg12[%parallel_loop3A_625] {strides = array<i32>} : memref<128xi32, #tpu.memory_space<vmem>>, vector<16xi32>,
        tpu.vector_store %arg12[%parallel_loop3A_625], %parallel_loop3A_624 {strides = array<i32>} : memref<128xi32, #tpu.memory_space<vmem>>, vector<16xi32>,
      } {sc.loop_unroll_factor = 4 : i64, sc.parallel_access}
      %dma_start3A_256 = arith.constant 0 : i32
      %dma_start3A_257 = arith.constant 0 : i32
      %dma_start3A_258 = tpu.memref_slice %arg2[%dma_start3A_256, %dma_start3A_257] : memref<131072x128xf32, #tpu.memory_space<hbm>> -> memref<131072x128xf32, #tpu.memory_space<hbm>>
      tpu.enqueue_indirect_dma source(%dma_start3A_258 : memref<131072x128xf32, #tpu.memory_space<hbm>>) target(%arg16 : memref<128x128xf32, #tpu.memory_space<vmem>>) offsets(%arg12 : memref<128xi32, #tpu.memory_space<vmem>>) semaphore(%arg26 : memref<!tpu.dma_semaphore, #tpu.memory_space<semaphore_mem>>)
      %mul3A_259 = arith.constant 50000 : i32
      %mul3A_260 = arith.muli %scan3A_12, %mul3A_259 : i32
      %add3A_261 = arith.constant 256 : i32
      %add3A_262 = arith.addi %add3A, %add3A_261 : i32
      %ge3A_263 = arith.constant 390 : i32
      %ge3A_264 = arith.cmpi sge, %add3A_262, %ge3A_263 : i32
      %select_n3A_265 = arith.select %ge3A_264, %add3A, %add3A_262 : i32
      %mul3A_266 = arith.constant 128 : i32
      %mul3A_267 = arith.muli %select_n3A_265, %mul3A_266 : i32
      %add3A_268 = arith.addi %mul3A_260, %mul3A_267 : i32
      %multiple_of3A_269 = tpu.assume_multiple %add3A_268, 16 : i32
      %dma_start3A_270 = tpu.memref_slice %arg3[%multiple_of3A_269] : memref<200000xi32, #tpu.memory_space<hbm>> -> memref<128xi32, #tpu.memory_space<hbm>>
      %dma_start3A_271 = tpu.memref_slice %arg3[%multiple_of3A_269] : memref<200000xi32, #tpu.memory_space<hbm>> -> memref<128xi32, #tpu.memory_space<hbm>>
      tpu.enqueue_dma source(%dma_start3A_271 : memref<128xi32, #tpu.memory_space<hbm>>) target(%arg6 : memref<128xi32, #tpu.memory_space<vmem>>) target_semaphore(%arg20 : memref<!tpu.dma_semaphore, #tpu.memory_space<semaphore_mem>>)
      %dma_wait3A_272 = arith.constant 0 : i32
      %dma_wait3A_273 = arith.constant 0 : i32
      %dma_wait3A_274 = tpu.memref_slice %arg2[%dma_wait3A_272, %dma_wait3A_273] : memref<131072x128xf32, #tpu.memory_space<hbm>> -> memref<131072x128xf32, #tpu.memory_space<hbm>>
      tpu.wait_indirect_dma semaphore(%arg24 : memref<!tpu.dma_semaphore, #tpu.memory_space<semaphore_mem>>) src(%dma_wait3A_274 : memref<131072x128xf32, #tpu.memory_space<hbm>>) dst(%arg14 : memref<128x128xf32, #tpu.memory_space<vmem>>)
      %dma_wait3A_275 = arith.constant 0 : i32
      %dma_wait3A_276 = tpu.memref_slice %arg4[%scan3A_12, %dma_wait3A_275, %multiple_of3A_197] : memref<4x64x50000xf32, #tpu.memory_space<hbm>> -> memref<1x64x128xf32, #tpu.memory_space<hbm>>
      %dma_wait3A_277 = tpu.memref_squeeze %dma_wait3A_276 : memref<1x64x128xf32, #tpu.memory_space<hbm>> -> memref<64x128xf32, #tpu.memory_space<hbm>>
      %dma_wait3A_278 = arith.constant 0 : i32
      %dma_wait3A_279 = tpu.memref_slice %arg4[%scan3A_12, %dma_wait3A_278, %multiple_of3A_197] : memref<4x64x50000xf32, #tpu.memory_space<hbm>> -> memref<1x64x128xf32, #tpu.memory_space<hbm>>
      %dma_wait3A_280 = tpu.memref_squeeze %dma_wait3A_279 : memref<1x64x128xf32, #tpu.memory_space<hbm>> -> memref<64x128xf32, #tpu.memory_space<hbm>>
      tpu.wait_dma2 semaphore(%arg28 : memref<!tpu.dma_semaphore, #tpu.memory_space<semaphore_mem>>) src(%arg18 : memref<64x128xf32, #tpu.memory_space<vmem>>) dst(%dma_wait3A_280 : memref<64x128xf32, #tpu.memory_space<hbm>>)
      %parallel_loop3A_281 = arith.constant 0 : i32
      %parallel_loop3A_282 = arith.constant 8192 : i32
      %parallel_loop3A_283 = arith.constant 16 : i32
      scf.for %parallel_loop3A_618 = %parallel_loop3A_281 to %parallel_loop3A_282 step %parallel_loop3A_283  : i32 {
        %parallel_loop3A_619 = arith.constant 7 : i32
        %parallel_loop3A_620 = arith.shrsi %parallel_loop3A_618, %parallel_loop3A_619 : i32
        %parallel_loop3A_621 = arith.constant 127 : i32
        %parallel_loop3A_622 = arith.andi %parallel_loop3A_618, %parallel_loop3A_621 : i32
        %parallel_loop3A_623 = vector.broadcast %parallel_loop3A_622 : i32 to vector<16xi32>
        %parallel_loop3A_624 = arith.addi %iota3A, %parallel_loop3A_623 : vector<16xi32>
        %parallel_loop3A_625 = arith.constant 0 : i32
        %parallel_loop3A_626 = vector.broadcast %parallel_loop3A_625 : i32 to vector<16xi32>
        %parallel_loop3A_627 = vector.broadcast %parallel_loop3A_620 : i32 to vector<16xi32>
        %parallel_loop3A_628 = arith.addi %parallel_loop3A_626, %parallel_loop3A_627 : vector<16xi32>
        %parallel_loop3A_629 = tpu.vector_load_idx %arg14[%parallel_loop3A_624, %parallel_loop3A_628] : memref<128x128xf32, #tpu.memory_space<vmem>>[vector<16xi32>, vector<16xi32>], vector<16xf32>,
        %parallel_loop3A_630 = arith.index_cast %parallel_loop3A_620 : i32 to index
        %parallel_loop3A_631 = arith.index_cast %parallel_loop3A_622 : i32 to index
        %parallel_loop3A_632 = tpu.vector_load %arg18[%parallel_loop3A_630, %parallel_loop3A_631] {strides = array<i32>} : memref<64x128xf32, #tpu.memory_space<vmem>>, vector<16xf32>,
        tpu.vector_store %arg18[%parallel_loop3A_630, %parallel_loop3A_631], %parallel_loop3A_629 {strides = array<i32>} : memref<64x128xf32, #tpu.memory_space<vmem>>, vector<16xf32>,
      } {sc.loop_unroll_factor = 8 : i64, sc.parallel_access}
      %add3A_284 = arith.constant 128 : i32
      %add3A_285 = arith.addi %add3A, %add3A_284 : i32
      %ge3A_286 = arith.constant 390 : i32
      %ge3A_287 = arith.cmpi sge, %add3A_285, %ge3A_286 : i32
      %select_n3A_288 = arith.select %ge3A_287, %add3A, %add3A_285 : i32
      %mul3A_289 = arith.constant 128 : i32
      %mul3A_290 = arith.muli %select_n3A_288, %mul3A_289 : i32
      %multiple_of3A_291 = tpu.assume_multiple %mul3A_290, 128 : i32
      %dma_start3A_292 = arith.constant 0 : i32
      %dma_start3A_293 = tpu.memref_slice %arg4[%scan3A_12, %dma_start3A_292, %multiple_of3A_291] : memref<4x64x50000xf32, #tpu.memory_space<hbm>> -> memref<1x64x128xf32, #tpu.memory_space<hbm>>
      %dma_start3A_294 = tpu.memref_squeeze %dma_start3A_293 : memref<1x64x128xf32, #tpu.memory_space<hbm>> -> memref<64x128xf32, #tpu.memory_space<hbm>>
      %dma_start3A_295 = arith.constant 0 : i32
      %dma_start3A_296 = tpu.memref_slice %arg4[%scan3A_12, %dma_start3A_295, %multiple_of3A_291] : memref<4x64x50000xf32, #tpu.memory_space<hbm>> -> memref<1x64x128xf32, #tpu.memory_space<hbm>>
      %dma_start3A_297 = tpu.memref_squeeze %dma_start3A_296 : memref<1x64x128xf32, #tpu.memory_space<hbm>> -> memref<64x128xf32, #tpu.memory_space<hbm>>
      tpu.enqueue_dma source(%arg18 : memref<64x128xf32, #tpu.memory_space<vmem>>) target(%dma_start3A_297 : memref<64x128xf32, #tpu.memory_space<hbm>>) target_semaphore(%arg28 : memref<!tpu.dma_semaphore, #tpu.memory_space<semaphore_mem>>)
      %dma_wait3A_298 = tpu.memref_slice %arg3[%multiple_of3A_222] : memref<200000xi32, #tpu.memory_space<hbm>> -> memref<128xi32, #tpu.memory_space<hbm>>
      %dma_wait3A_299 = tpu.memref_slice %arg3[%multiple_of3A_222] : memref<200000xi32, #tpu.memory_space<hbm>> -> memref<128xi32, #tpu.memory_space<hbm>>
      tpu.wait_dma2 semaphore(%arg23 : memref<!tpu.dma_semaphore, #tpu.memory_space<semaphore_mem>>) src(%dma_wait3A_299 : memref<128xi32, #tpu.memory_space<hbm>>) dst(%arg9 : memref<128xi32, #tpu.memory_space<vmem>>)
      %parallel_loop3A_300 = arith.constant 0 : i32
      %parallel_loop3A_301 = arith.constant 128 : i32
      %parallel_loop3A_302 = arith.constant 16 : i32
      scf.for %parallel_loop3A_618 = %parallel_loop3A_300 to %parallel_loop3A_301 step %parallel_loop3A_302  : i32 {
        %parallel_loop3A_619 = arith.index_cast %parallel_loop3A_618 : i32 to index
        %parallel_loop3A_620 = tpu.vector_load %arg9[%parallel_loop3A_619] {strides = array<i32>} : memref<128xi32, #tpu.memory_space<vmem>>, vector<16xi32>,
        %parallel_loop3A_621 = arith.constant 32768 : i32
        %parallel_loop3A_622 = arith.muli %scan3A_12, %parallel_loop3A_621 : i32
        %parallel_loop3A_623 = vector.broadcast %parallel_loop3A_622 : i32 to vector<16xi32>
        %parallel_loop3A_624 = arith.addi %parallel_loop3A_620, %parallel_loop3A_623 : vector<16xi32>
        %parallel_loop3A_625 = arith.index_cast %parallel_loop3A_618 : i32 to index
        %parallel_loop3A_626 = tpu.vector_load %arg13[%parallel_loop3A_625] {strides = array<i32>} : memref<128xi32, #tpu.memory_space<vmem>>, vector<16xi32>,
        tpu.vector_store %arg13[%parallel_loop3A_625], %parallel_loop3A_624 {strides = array<i32>} : memref<128xi32, #tpu.memory_space<vmem>>, vector<16xi32>,
      } {sc.loop_unroll_factor = 4 : i64, sc.parallel_access}
      %dma_start3A_303 = arith.constant 0 : i32
      %dma_start3A_304 = arith.constant 0 : i32
      %dma_start3A_305 = tpu.memref_slice %arg2[%dma_start3A_303, %dma_start3A_304] : memref<131072x128xf32, #tpu.memory_space<hbm>> -> memref<131072x128xf32, #tpu.memory_space<hbm>>
      tpu.enqueue_indirect_dma source(%dma_start3A_305 : memref<131072x128xf32, #tpu.memory_space<hbm>>) target(%arg17 : memref<128x128xf32, #tpu.memory_space<vmem>>) offsets(%arg13 : memref<128xi32, #tpu.memory_space<vmem>>) semaphore(%arg27 : memref<!tpu.dma_semaphore, #tpu.memory_space<semaphore_mem>>)
      %mul3A_306 = arith.constant 50000 : i32
      %mul3A_307 = arith.muli %scan3A_12, %mul3A_306 : i32
      %add3A_308 = arith.constant 288 : i32
      %add3A_309 = arith.addi %add3A, %add3A_308 : i32
      %ge3A_310 = arith.constant 390 : i32
      %ge3A_311 = arith.cmpi sge, %add3A_309, %ge3A_310 : i32
      %select_n3A_312 = arith.select %ge3A_311, %add3A, %add3A_309 : i32
      %mul3A_313 = arith.constant 128 : i32
      %mul3A_314 = arith.muli %select_n3A_312, %mul3A_313 : i32
      %add3A_315 = arith.addi %mul3A_307, %mul3A_314 : i32
      %multiple_of3A_316 = tpu.assume_multiple %add3A_315, 16 : i32
      %dma_start3A_317 = tpu.memref_slice %arg3[%multiple_of3A_316] : memref<200000xi32, #tpu.memory_space<hbm>> -> memref<128xi32, #tpu.memory_space<hbm>>
      %dma_start3A_318 = tpu.memref_slice %arg3[%multiple_of3A_316] : memref<200000xi32, #tpu.memory_space<hbm>> -> memref<128xi32, #tpu.memory_space<hbm>>
      tpu.enqueue_dma source(%dma_start3A_318 : memref<128xi32, #tpu.memory_space<hbm>>) target(%arg7 : memref<128xi32, #tpu.memory_space<vmem>>) target_semaphore(%arg21 : memref<!tpu.dma_semaphore, #tpu.memory_space<semaphore_mem>>)
      %dma_wait3A_319 = arith.constant 0 : i32
      %dma_wait3A_320 = arith.constant 0 : i32
      %dma_wait3A_321 = tpu.memref_slice %arg2[%dma_wait3A_319, %dma_wait3A_320] : memref<131072x128xf32, #tpu.memory_space<hbm>> -> memref<131072x128xf32, #tpu.memory_space<hbm>>
      tpu.wait_indirect_dma semaphore(%arg25 : memref<!tpu.dma_semaphore, #tpu.memory_space<semaphore_mem>>) src(%dma_wait3A_321 : memref<131072x128xf32, #tpu.memory_space<hbm>>) dst(%arg15 : memref<128x128xf32, #tpu.memory_space<vmem>>)
      %dma_wait3A_322 = arith.constant 0 : i32
      %dma_wait3A_323 = tpu.memref_slice %arg4[%scan3A_12, %dma_wait3A_322, %multiple_of3A_244] : memref<4x64x50000xf32, #tpu.memory_space<hbm>> -> memref<1x64x128xf32, #tpu.memory_space<hbm>>
      %dma_wait3A_324 = tpu.memref_squeeze %dma_wait3A_323 : memref<1x64x128xf32, #tpu.memory_space<hbm>> -> memref<64x128xf32, #tpu.memory_space<hbm>>
      %dma_wait3A_325 = arith.constant 0 : i32
      %dma_wait3A_326 = tpu.memref_slice %arg4[%scan3A_12, %dma_wait3A_325, %multiple_of3A_244] : memref<4x64x50000xf32, #tpu.memory_space<hbm>> -> memref<1x64x128xf32, #tpu.memory_space<hbm>>
      %dma_wait3A_327 = tpu.memref_squeeze %dma_wait3A_326 : memref<1x64x128xf32, #tpu.memory_space<hbm>> -> memref<64x128xf32, #tpu.memory_space<hbm>>
      tpu.wait_dma2 semaphore(%arg29 : memref<!tpu.dma_semaphore, #tpu.memory_space<semaphore_mem>>) src(%arg19 : memref<64x128xf32, #tpu.memory_space<vmem>>) dst(%dma_wait3A_327 : memref<64x128xf32, #tpu.memory_space<hbm>>)
      %parallel_loop3A_328 = arith.constant 0 : i32
      %parallel_loop3A_329 = arith.constant 8192 : i32
      %parallel_loop3A_330 = arith.constant 16 : i32
      scf.for %parallel_loop3A_618 = %parallel_loop3A_328 to %parallel_loop3A_329 step %parallel_loop3A_330  : i32 {
        %parallel_loop3A_619 = arith.constant 7 : i32
        %parallel_loop3A_620 = arith.shrsi %parallel_loop3A_618, %parallel_loop3A_619 : i32
        %parallel_loop3A_621 = arith.constant 127 : i32
        %parallel_loop3A_622 = arith.andi %parallel_loop3A_618, %parallel_loop3A_621 : i32
        %parallel_loop3A_623 = vector.broadcast %parallel_loop3A_622 : i32 to vector<16xi32>
        %parallel_loop3A_624 = arith.addi %iota3A, %parallel_loop3A_623 : vector<16xi32>
        %parallel_loop3A_625 = arith.constant 0 : i32
        %parallel_loop3A_626 = vector.broadcast %parallel_loop3A_625 : i32 to vector<16xi32>
        %parallel_loop3A_627 = vector.broadcast %parallel_loop3A_620 : i32 to vector<16xi32>
        %parallel_loop3A_628 = arith.addi %parallel_loop3A_626, %parallel_loop3A_627 : vector<16xi32>
        %parallel_loop3A_629 = tpu.vector_load_idx %arg15[%parallel_loop3A_624, %parallel_loop3A_628] : memref<128x128xf32, #tpu.memory_space<vmem>>[vector<16xi32>, vector<16xi32>], vector<16xf32>,
        %parallel_loop3A_630 = arith.index_cast %parallel_loop3A_620 : i32 to index
        %parallel_loop3A_631 = arith.index_cast %parallel_loop3A_622 : i32 to index
        %parallel_loop3A_632 = tpu.vector_load %arg19[%parallel_loop3A_630, %parallel_loop3A_631] {strides = array<i32>} : memref<64x128xf32, #tpu.memory_space<vmem>>, vector<16xf32>,
        tpu.vector_store %arg19[%parallel_loop3A_630, %parallel_loop3A_631], %parallel_loop3A_629 {strides = array<i32>} : memref<64x128xf32, #tpu.memory_space<vmem>>, vector<16xf32>,
      } {sc.loop_unroll_factor = 8 : i64, sc.parallel_access}
      %add3A_331 = arith.constant 160 : i32
      %add3A_332 = arith.addi %add3A, %add3A_331 : i32
      %ge3A_333 = arith.constant 390 : i32
      %ge3A_334 = arith.cmpi sge, %add3A_332, %ge3A_333 : i32
      %select_n3A_335 = arith.select %ge3A_334, %add3A, %add3A_332 : i32
      %mul3A_336 = arith.constant 128 : i32
      %mul3A_337 = arith.muli %select_n3A_335, %mul3A_336 : i32
      %multiple_of3A_338 = tpu.assume_multiple %mul3A_337, 128 : i32
      %dma_start3A_339 = arith.constant 0 : i32
      %dma_start3A_340 = tpu.memref_slice %arg4[%scan3A_12, %dma_start3A_339, %multiple_of3A_338] : memref<4x64x50000xf32, #tpu.memory_space<hbm>> -> memref<1x64x128xf32, #tpu.memory_space<hbm>>
      %dma_start3A_341 = tpu.memref_squeeze %dma_start3A_340 : memref<1x64x128xf32, #tpu.memory_space<hbm>> -> memref<64x128xf32, #tpu.memory_space<hbm>>
      %dma_start3A_342 = arith.constant 0 : i32
      %dma_start3A_343 = tpu.memref_slice %arg4[%scan3A_12, %dma_start3A_342, %multiple_of3A_338] : memref<4x64x50000xf32, #tpu.memory_space<hbm>> -> memref<1x64x128xf32, #tpu.memory_space<hbm>>
      %dma_start3A_344 = tpu.memref_squeeze %dma_start3A_343 : memref<1x64x128xf32, #tpu.memory_space<hbm>> -> memref<64x128xf32, #tpu.memory_space<hbm>>
      tpu.enqueue_dma source(%arg19 : memref<64x128xf32, #tpu.memory_space<vmem>>) target(%dma_start3A_344 : memref<64x128xf32, #tpu.memory_space<hbm>>) target_semaphore(%arg29 : memref<!tpu.dma_semaphore, #tpu.memory_space<semaphore_mem>>)
      %dma_wait3A_345 = tpu.memref_slice %arg3[%multiple_of3A_269] : memref<200000xi32, #tpu.memory_space<hbm>> -> memref<128xi32, #tpu.memory_space<hbm>>
      %dma_wait3A_346 = tpu.memref_slice %arg3[%multiple_of3A_269] : memref<200000xi32, #tpu.memory_space<hbm>> -> memref<128xi32, #tpu.memory_space<hbm>>
      tpu.wait_dma2 semaphore(%arg20 : memref<!tpu.dma_semaphore, #tpu.memory_space<semaphore_mem>>) src(%dma_wait3A_346 : memref<128xi32, #tpu.memory_space<hbm>>) dst(%arg6 : memref<128xi32, #tpu.memory_space<vmem>>)
      %parallel_loop3A_347 = arith.constant 0 : i32
      %parallel_loop3A_348 = arith.constant 128 : i32
      %parallel_loop3A_349 = arith.constant 16 : i32
      scf.for %parallel_loop3A_618 = %parallel_loop3A_347 to %parallel_loop3A_348 step %parallel_loop3A_349  : i32 {
        %parallel_loop3A_619 = arith.index_cast %parallel_loop3A_618 : i32 to index
        %parallel_loop3A_620 = tpu.vector_load %arg6[%parallel_loop3A_619] {strides = array<i32>} : memref<128xi32, #tpu.memory_space<vmem>>, vector<16xi32>,
        %parallel_loop3A_621 = arith.constant 32768 : i32
        %parallel_loop3A_622 = arith.muli %scan3A_12, %parallel_loop3A_621 : i32
        %parallel_loop3A_623 = vector.broadcast %parallel_loop3A_622 : i32 to vector<16xi32>
        %parallel_loop3A_624 = arith.addi %parallel_loop3A_620, %parallel_loop3A_623 : vector<16xi32>
        %parallel_loop3A_625 = arith.index_cast %parallel_loop3A_618 : i32 to index
        %parallel_loop3A_626 = tpu.vector_load %arg10[%parallel_loop3A_625] {strides = array<i32>} : memref<128xi32, #tpu.memory_space<vmem>>, vector<16xi32>,
        tpu.vector_store %arg10[%parallel_loop3A_625], %parallel_loop3A_624 {strides = array<i32>} : memref<128xi32, #tpu.memory_space<vmem>>, vector<16xi32>,
      } {sc.loop_unroll_factor = 4 : i64, sc.parallel_access}
      %dma_start3A_350 = arith.constant 0 : i32
      %dma_start3A_351 = arith.constant 0 : i32
      %dma_start3A_352 = tpu.memref_slice %arg2[%dma_start3A_350, %dma_start3A_351] : memref<131072x128xf32, #tpu.memory_space<hbm>> -> memref<131072x128xf32, #tpu.memory_space<hbm>>
      tpu.enqueue_indirect_dma source(%dma_start3A_352 : memref<131072x128xf32, #tpu.memory_space<hbm>>) target(%arg14 : memref<128x128xf32, #tpu.memory_space<vmem>>) offsets(%arg10 : memref<128xi32, #tpu.memory_space<vmem>>) semaphore(%arg24 : memref<!tpu.dma_semaphore, #tpu.memory_space<semaphore_mem>>)
      %mul3A_353 = arith.constant 50000 : i32
      %mul3A_354 = arith.muli %scan3A_12, %mul3A_353 : i32
      %add3A_355 = arith.constant 320 : i32
      %add3A_356 = arith.addi %add3A, %add3A_355 : i32
      %ge3A_357 = arith.constant 390 : i32
      %ge3A_358 = arith.cmpi sge, %add3A_356, %ge3A_357 : i32
      %select_n3A_359 = arith.select %ge3A_358, %add3A, %add3A_356 : i32
      %mul3A_360 = arith.constant 128 : i32
      %mul3A_361 = arith.muli %select_n3A_359, %mul3A_360 : i32
      %add3A_362 = arith.addi %mul3A_354, %mul3A_361 : i32
      %multiple_of3A_363 = tpu.assume_multiple %add3A_362, 16 : i32
      %dma_start3A_364 = tpu.memref_slice %arg3[%multiple_of3A_363] : memref<200000xi32, #tpu.memory_space<hbm>> -> memref<128xi32, #tpu.memory_space<hbm>>
      %dma_start3A_365 = tpu.memref_slice %arg3[%multiple_of3A_363] : memref<200000xi32, #tpu.memory_space<hbm>> -> memref<128xi32, #tpu.memory_space<hbm>>
      tpu.enqueue_dma source(%dma_start3A_365 : memref<128xi32, #tpu.memory_space<hbm>>) target(%arg8 : memref<128xi32, #tpu.memory_space<vmem>>) target_semaphore(%arg22 : memref<!tpu.dma_semaphore, #tpu.memory_space<semaphore_mem>>)
      %dma_wait3A_366 = arith.constant 0 : i32
      %dma_wait3A_367 = arith.constant 0 : i32
      %dma_wait3A_368 = tpu.memref_slice %arg2[%dma_wait3A_366, %dma_wait3A_367] : memref<131072x128xf32, #tpu.memory_space<hbm>> -> memref<131072x128xf32, #tpu.memory_space<hbm>>
      tpu.wait_indirect_dma semaphore(%arg26 : memref<!tpu.dma_semaphore, #tpu.memory_space<semaphore_mem>>) src(%dma_wait3A_368 : memref<131072x128xf32, #tpu.memory_space<hbm>>) dst(%arg16 : memref<128x128xf32, #tpu.memory_space<vmem>>)
      %dma_wait3A_369 = arith.constant 0 : i32
      %dma_wait3A_370 = tpu.memref_slice %arg4[%scan3A_12, %dma_wait3A_369, %multiple_of3A_291] : memref<4x64x50000xf32, #tpu.memory_space<hbm>> -> memref<1x64x128xf32, #tpu.memory_space<hbm>>
      %dma_wait3A_371 = tpu.memref_squeeze %dma_wait3A_370 : memref<1x64x128xf32, #tpu.memory_space<hbm>> -> memref<64x128xf32, #tpu.memory_space<hbm>>
      %dma_wait3A_372 = arith.constant 0 : i32
      %dma_wait3A_373 = tpu.memref_slice %arg4[%scan3A_12, %dma_wait3A_372, %multiple_of3A_291] : memref<4x64x50000xf32, #tpu.memory_space<hbm>> -> memref<1x64x128xf32, #tpu.memory_space<hbm>>
      %dma_wait3A_374 = tpu.memref_squeeze %dma_wait3A_373 : memref<1x64x128xf32, #tpu.memory_space<hbm>> -> memref<64x128xf32, #tpu.memory_space<hbm>>
      tpu.wait_dma2 semaphore(%arg28 : memref<!tpu.dma_semaphore, #tpu.memory_space<semaphore_mem>>) src(%arg18 : memref<64x128xf32, #tpu.memory_space<vmem>>) dst(%dma_wait3A_374 : memref<64x128xf32, #tpu.memory_space<hbm>>)
      %parallel_loop3A_375 = arith.constant 0 : i32
      %parallel_loop3A_376 = arith.constant 8192 : i32
      %parallel_loop3A_377 = arith.constant 16 : i32
      scf.for %parallel_loop3A_618 = %parallel_loop3A_375 to %parallel_loop3A_376 step %parallel_loop3A_377  : i32 {
        %parallel_loop3A_619 = arith.constant 7 : i32
        %parallel_loop3A_620 = arith.shrsi %parallel_loop3A_618, %parallel_loop3A_619 : i32
        %parallel_loop3A_621 = arith.constant 127 : i32
        %parallel_loop3A_622 = arith.andi %parallel_loop3A_618, %parallel_loop3A_621 : i32
        %parallel_loop3A_623 = vector.broadcast %parallel_loop3A_622 : i32 to vector<16xi32>
        %parallel_loop3A_624 = arith.addi %iota3A, %parallel_loop3A_623 : vector<16xi32>
        %parallel_loop3A_625 = arith.constant 0 : i32
        %parallel_loop3A_626 = vector.broadcast %parallel_loop3A_625 : i32 to vector<16xi32>
        %parallel_loop3A_627 = vector.broadcast %parallel_loop3A_620 : i32 to vector<16xi32>
        %parallel_loop3A_628 = arith.addi %parallel_loop3A_626, %parallel_loop3A_627 : vector<16xi32>
        %parallel_loop3A_629 = tpu.vector_load_idx %arg16[%parallel_loop3A_624, %parallel_loop3A_628] : memref<128x128xf32, #tpu.memory_space<vmem>>[vector<16xi32>, vector<16xi32>], vector<16xf32>,
        %parallel_loop3A_630 = arith.index_cast %parallel_loop3A_620 : i32 to index
        %parallel_loop3A_631 = arith.index_cast %parallel_loop3A_622 : i32 to index
        %parallel_loop3A_632 = tpu.vector_load %arg18[%parallel_loop3A_630, %parallel_loop3A_631] {strides = array<i32>} : memref<64x128xf32, #tpu.memory_space<vmem>>, vector<16xf32>,
        tpu.vector_store %arg18[%parallel_loop3A_630, %parallel_loop3A_631], %parallel_loop3A_629 {strides = array<i32>} : memref<64x128xf32, #tpu.memory_space<vmem>>, vector<16xf32>,
      } {sc.loop_unroll_factor = 8 : i64, sc.parallel_access}
      %add3A_378 = arith.constant 192 : i32
      %add3A_379 = arith.addi %add3A, %add3A_378 : i32
      %ge3A_380 = arith.constant 390 : i32
      %ge3A_381 = arith.cmpi sge, %add3A_379, %ge3A_380 : i32
      %select_n3A_382 = arith.select %ge3A_381, %add3A, %add3A_379 : i32
      %mul3A_383 = arith.constant 128 : i32
      %mul3A_384 = arith.muli %select_n3A_382, %mul3A_383 : i32
      %multiple_of3A_385 = tpu.assume_multiple %mul3A_384, 128 : i32
      %dma_start3A_386 = arith.constant 0 : i32
      %dma_start3A_387 = tpu.memref_slice %arg4[%scan3A_12, %dma_start3A_386, %multiple_of3A_385] : memref<4x64x50000xf32, #tpu.memory_space<hbm>> -> memref<1x64x128xf32, #tpu.memory_space<hbm>>
      %dma_start3A_388 = tpu.memref_squeeze %dma_start3A_387 : memref<1x64x128xf32, #tpu.memory_space<hbm>> -> memref<64x128xf32, #tpu.memory_space<hbm>>
      %dma_start3A_389 = arith.constant 0 : i32
      %dma_start3A_390 = tpu.memref_slice %arg4[%scan3A_12, %dma_start3A_389, %multiple_of3A_385] : memref<4x64x50000xf32, #tpu.memory_space<hbm>> -> memref<1x64x128xf32, #tpu.memory_space<hbm>>
      %dma_start3A_391 = tpu.memref_squeeze %dma_start3A_390 : memref<1x64x128xf32, #tpu.memory_space<hbm>> -> memref<64x128xf32, #tpu.memory_space<hbm>>
      tpu.enqueue_dma source(%arg18 : memref<64x128xf32, #tpu.memory_space<vmem>>) target(%dma_start3A_391 : memref<64x128xf32, #tpu.memory_space<hbm>>) target_semaphore(%arg28 : memref<!tpu.dma_semaphore, #tpu.memory_space<semaphore_mem>>)
      %dma_wait3A_392 = tpu.memref_slice %arg3[%multiple_of3A_316] : memref<200000xi32, #tpu.memory_space<hbm>> -> memref<128xi32, #tpu.memory_space<hbm>>
      %dma_wait3A_393 = tpu.memref_slice %arg3[%multiple_of3A_316] : memref<200000xi32, #tpu.memory_space<hbm>> -> memref<128xi32, #tpu.memory_space<hbm>>
      tpu.wait_dma2 semaphore(%arg21 : memref<!tpu.dma_semaphore, #tpu.memory_space<semaphore_mem>>) src(%dma_wait3A_393 : memref<128xi32, #tpu.memory_space<hbm>>) dst(%arg7 : memref<128xi32, #tpu.memory_space<vmem>>)
      %parallel_loop3A_394 = arith.constant 0 : i32
      %parallel_loop3A_395 = arith.constant 128 : i32
      %parallel_loop3A_396 = arith.constant 16 : i32
      scf.for %parallel_loop3A_618 = %parallel_loop3A_394 to %parallel_loop3A_395 step %parallel_loop3A_396  : i32 {
        %parallel_loop3A_619 = arith.index_cast %parallel_loop3A_618 : i32 to index
        %parallel_loop3A_620 = tpu.vector_load %arg7[%parallel_loop3A_619] {strides = array<i32>} : memref<128xi32, #tpu.memory_space<vmem>>, vector<16xi32>,
        %parallel_loop3A_621 = arith.constant 32768 : i32
        %parallel_loop3A_622 = arith.muli %scan3A_12, %parallel_loop3A_621 : i32
        %parallel_loop3A_623 = vector.broadcast %parallel_loop3A_622 : i32 to vector<16xi32>
        %parallel_loop3A_624 = arith.addi %parallel_loop3A_620, %parallel_loop3A_623 : vector<16xi32>
        %parallel_loop3A_625 = arith.index_cast %parallel_loop3A_618 : i32 to index
        %parallel_loop3A_626 = tpu.vector_load %arg11[%parallel_loop3A_625] {strides = array<i32>} : memref<128xi32, #tpu.memory_space<vmem>>, vector<16xi32>,
        tpu.vector_store %arg11[%parallel_loop3A_625], %parallel_loop3A_624 {strides = array<i32>} : memref<128xi32, #tpu.memory_space<vmem>>, vector<16xi32>,
      } {sc.loop_unroll_factor = 4 : i64, sc.parallel_access}
      %dma_start3A_397 = arith.constant 0 : i32
      %dma_start3A_398 = arith.constant 0 : i32
      %dma_start3A_399 = tpu.memref_slice %arg2[%dma_start3A_397, %dma_start3A_398] : memref<131072x128xf32, #tpu.memory_space<hbm>> -> memref<131072x128xf32, #tpu.memory_space<hbm>>
      tpu.enqueue_indirect_dma source(%dma_start3A_399 : memref<131072x128xf32, #tpu.memory_space<hbm>>) target(%arg15 : memref<128x128xf32, #tpu.memory_space<vmem>>) offsets(%arg11 : memref<128xi32, #tpu.memory_space<vmem>>) semaphore(%arg25 : memref<!tpu.dma_semaphore, #tpu.memory_space<semaphore_mem>>)
      %mul3A_400 = arith.constant 50000 : i32
      %mul3A_401 = arith.muli %scan3A_12, %mul3A_400 : i32
      %add3A_402 = arith.constant 352 : i32
      %add3A_403 = arith.addi %add3A, %add3A_402 : i32
      %ge3A_404 = arith.constant 390 : i32
      %ge3A_405 = arith.cmpi sge, %add3A_403, %ge3A_404 : i32
      %select_n3A_406 = arith.select %ge3A_405, %add3A, %add3A_403 : i32
      %mul3A_407 = arith.constant 128 : i32
      %mul3A_408 = arith.muli %select_n3A_406, %mul3A_407 : i32
      %add3A_409 = arith.addi %mul3A_401, %mul3A_408 : i32
      %multiple_of3A_410 = tpu.assume_multiple %add3A_409, 16 : i32
      %dma_start3A_411 = tpu.memref_slice %arg3[%multiple_of3A_410] : memref<200000xi32, #tpu.memory_space<hbm>> -> memref<128xi32, #tpu.memory_space<hbm>>
      %dma_start3A_412 = tpu.memref_slice %arg3[%multiple_of3A_410] : memref<200000xi32, #tpu.memory_space<hbm>> -> memref<128xi32, #tpu.memory_space<hbm>>
      tpu.enqueue_dma source(%dma_start3A_412 : memref<128xi32, #tpu.memory_space<hbm>>) target(%arg9 : memref<128xi32, #tpu.memory_space<vmem>>) target_semaphore(%arg23 : memref<!tpu.dma_semaphore, #tpu.memory_space<semaphore_mem>>)
      %dma_wait3A_413 = arith.constant 0 : i32
      %dma_wait3A_414 = arith.constant 0 : i32
      %dma_wait3A_415 = tpu.memref_slice %arg2[%dma_wait3A_413, %dma_wait3A_414] : memref<131072x128xf32, #tpu.memory_space<hbm>> -> memref<131072x128xf32, #tpu.memory_space<hbm>>
      tpu.wait_indirect_dma semaphore(%arg27 : memref<!tpu.dma_semaphore, #tpu.memory_space<semaphore_mem>>) src(%dma_wait3A_415 : memref<131072x128xf32, #tpu.memory_space<hbm>>) dst(%arg17 : memref<128x128xf32, #tpu.memory_space<vmem>>)
      %dma_wait3A_416 = arith.constant 0 : i32
      %dma_wait3A_417 = tpu.memref_slice %arg4[%scan3A_12, %dma_wait3A_416, %multiple_of3A_338] : memref<4x64x50000xf32, #tpu.memory_space<hbm>> -> memref<1x64x128xf32, #tpu.memory_space<hbm>>
      %dma_wait3A_418 = tpu.memref_squeeze %dma_wait3A_417 : memref<1x64x128xf32, #tpu.memory_space<hbm>> -> memref<64x128xf32, #tpu.memory_space<hbm>>
      %dma_wait3A_419 = arith.constant 0 : i32
      %dma_wait3A_420 = tpu.memref_slice %arg4[%scan3A_12, %dma_wait3A_419, %multiple_of3A_338] : memref<4x64x50000xf32, #tpu.memory_space<hbm>> -> memref<1x64x128xf32, #tpu.memory_space<hbm>>
      %dma_wait3A_421 = tpu.memref_squeeze %dma_wait3A_420 : memref<1x64x128xf32, #tpu.memory_space<hbm>> -> memref<64x128xf32, #tpu.memory_space<hbm>>
      tpu.wait_dma2 semaphore(%arg29 : memref<!tpu.dma_semaphore, #tpu.memory_space<semaphore_mem>>) src(%arg19 : memref<64x128xf32, #tpu.memory_space<vmem>>) dst(%dma_wait3A_421 : memref<64x128xf32, #tpu.memory_space<hbm>>)
      %parallel_loop3A_422 = arith.constant 0 : i32
      %parallel_loop3A_423 = arith.constant 8192 : i32
      %parallel_loop3A_424 = arith.constant 16 : i32
      scf.for %parallel_loop3A_618 = %parallel_loop3A_422 to %parallel_loop3A_423 step %parallel_loop3A_424  : i32 {
        %parallel_loop3A_619 = arith.constant 7 : i32
        %parallel_loop3A_620 = arith.shrsi %parallel_loop3A_618, %parallel_loop3A_619 : i32
        %parallel_loop3A_621 = arith.constant 127 : i32
        %parallel_loop3A_622 = arith.andi %parallel_loop3A_618, %parallel_loop3A_621 : i32
        %parallel_loop3A_623 = vector.broadcast %parallel_loop3A_622 : i32 to vector<16xi32>
        %parallel_loop3A_624 = arith.addi %iota3A, %parallel_loop3A_623 : vector<16xi32>
        %parallel_loop3A_625 = arith.constant 0 : i32
        %parallel_loop3A_626 = vector.broadcast %parallel_loop3A_625 : i32 to vector<16xi32>
        %parallel_loop3A_627 = vector.broadcast %parallel_loop3A_620 : i32 to vector<16xi32>
        %parallel_loop3A_628 = arith.addi %parallel_loop3A_626, %parallel_loop3A_627 : vector<16xi32>
        %parallel_loop3A_629 = tpu.vector_load_idx %arg17[%parallel_loop3A_624, %parallel_loop3A_628] : memref<128x128xf32, #tpu.memory_space<vmem>>[vector<16xi32>, vector<16xi32>], vector<16xf32>,
        %parallel_loop3A_630 = arith.index_cast %parallel_loop3A_620 : i32 to index
        %parallel_loop3A_631 = arith.index_cast %parallel_loop3A_622 : i32 to index
        %parallel_loop3A_632 = tpu.vector_load %arg19[%parallel_loop3A_630, %parallel_loop3A_631] {strides = array<i32>} : memref<64x128xf32, #tpu.memory_space<vmem>>, vector<16xf32>,
        tpu.vector_store %arg19[%parallel_loop3A_630, %parallel_loop3A_631], %parallel_loop3A_629 {strides = array<i32>} : memref<64x128xf32, #tpu.memory_space<vmem>>, vector<16xf32>,
      } {sc.loop_unroll_factor = 8 : i64, sc.parallel_access}
      %add3A_425 = arith.constant 224 : i32
      %add3A_426 = arith.addi %add3A, %add3A_425 : i32
      %ge3A_427 = arith.constant 390 : i32
      %ge3A_428 = arith.cmpi sge, %add3A_426, %ge3A_427 : i32
      %select_n3A_429 = arith.select %ge3A_428, %add3A, %add3A_426 : i32
      %mul3A_430 = arith.constant 128 : i32
      %mul3A_431 = arith.muli %select_n3A_429, %mul3A_430 : i32
      %multiple_of3A_432 = tpu.assume_multiple %mul3A_431, 128 : i32
      %dma_start3A_433 = arith.constant 0 : i32
      %dma_start3A_434 = tpu.memref_slice %arg4[%scan3A_12, %dma_start3A_433, %multiple_of3A_432] : memref<4x64x50000xf32, #tpu.memory_space<hbm>> -> memref<1x64x128xf32, #tpu.memory_space<hbm>>
      %dma_start3A_435 = tpu.memref_squeeze %dma_start3A_434 : memref<1x64x128xf32, #tpu.memory_space<hbm>> -> memref<64x128xf32, #tpu.memory_space<hbm>>
      %dma_start3A_436 = arith.constant 0 : i32
      %dma_start3A_437 = tpu.memref_slice %arg4[%scan3A_12, %dma_start3A_436, %multiple_of3A_432] : memref<4x64x50000xf32, #tpu.memory_space<hbm>> -> memref<1x64x128xf32, #tpu.memory_space<hbm>>
      %dma_start3A_438 = tpu.memref_squeeze %dma_start3A_437 : memref<1x64x128xf32, #tpu.memory_space<hbm>> -> memref<64x128xf32, #tpu.memory_space<hbm>>
      tpu.enqueue_dma source(%arg19 : memref<64x128xf32, #tpu.memory_space<vmem>>) target(%dma_start3A_438 : memref<64x128xf32, #tpu.memory_space<hbm>>) target_semaphore(%arg29 : memref<!tpu.dma_semaphore, #tpu.memory_space<semaphore_mem>>)
      %dma_wait3A_439 = tpu.memref_slice %arg3[%multiple_of3A_363] : memref<200000xi32, #tpu.memory_space<hbm>> -> memref<128xi32, #tpu.memory_space<hbm>>
      %dma_wait3A_440 = tpu.memref_slice %arg3[%multiple_of3A_363] : memref<200000xi32, #tpu.memory_space<hbm>> -> memref<128xi32, #tpu.memory_space<hbm>>
      tpu.wait_dma2 semaphore(%arg22 : memref<!tpu.dma_semaphore, #tpu.memory_space<semaphore_mem>>) src(%dma_wait3A_440 : memref<128xi32, #tpu.memory_space<hbm>>) dst(%arg8 : memref<128xi32, #tpu.memory_space<vmem>>)
      %parallel_loop3A_441 = arith.constant 0 : i32
      %parallel_loop3A_442 = arith.constant 128 : i32
      %parallel_loop3A_443 = arith.constant 16 : i32
      scf.for %parallel_loop3A_618 = %parallel_loop3A_441 to %parallel_loop3A_442 step %parallel_loop3A_443  : i32 {
        %parallel_loop3A_619 = arith.index_cast %parallel_loop3A_618 : i32 to index
        %parallel_loop3A_620 = tpu.vector_load %arg8[%parallel_loop3A_619] {strides = array<i32>} : memref<128xi32, #tpu.memory_space<vmem>>, vector<16xi32>,
        %parallel_loop3A_621 = arith.constant 32768 : i32
        %parallel_loop3A_622 = arith.muli %scan3A_12, %parallel_loop3A_621 : i32
        %parallel_loop3A_623 = vector.broadcast %parallel_loop3A_622 : i32 to vector<16xi32>
        %parallel_loop3A_624 = arith.addi %parallel_loop3A_620, %parallel_loop3A_623 : vector<16xi32>
        %parallel_loop3A_625 = arith.index_cast %parallel_loop3A_618 : i32 to index
        %parallel_loop3A_626 = tpu.vector_load %arg12[%parallel_loop3A_625] {strides = array<i32>} : memref<128xi32, #tpu.memory_space<vmem>>, vector<16xi32>,
        tpu.vector_store %arg12[%parallel_loop3A_625], %parallel_loop3A_624 {strides = array<i32>} : memref<128xi32, #tpu.memory_space<vmem>>, vector<16xi32>,
      } {sc.loop_unroll_factor = 4 : i64, sc.parallel_access}
      %dma_start3A_444 = arith.constant 0 : i32
      %dma_start3A_445 = arith.constant 0 : i32
      %dma_start3A_446 = tpu.memref_slice %arg2[%dma_start3A_444, %dma_start3A_445] : memref<131072x128xf32, #tpu.memory_space<hbm>> -> memref<131072x128xf32, #tpu.memory_space<hbm>>
      tpu.enqueue_indirect_dma source(%dma_start3A_446 : memref<131072x128xf32, #tpu.memory_space<hbm>>) target(%arg16 : memref<128x128xf32, #tpu.memory_space<vmem>>) offsets(%arg12 : memref<128xi32, #tpu.memory_space<vmem>>) semaphore(%arg26 : memref<!tpu.dma_semaphore, #tpu.memory_space<semaphore_mem>>)
      %mul3A_447 = arith.constant 50000 : i32
      %mul3A_448 = arith.muli %scan3A_12, %mul3A_447 : i32
      %add3A_449 = arith.constant 384 : i32
      %add3A_450 = arith.addi %add3A, %add3A_449 : i32
      %ge3A_451 = arith.constant 390 : i32
      %ge3A_452 = arith.cmpi sge, %add3A_450, %ge3A_451 : i32
      %select_n3A_453 = arith.select %ge3A_452, %add3A, %add3A_450 : i32
      %mul3A_454 = arith.constant 128 : i32
      %mul3A_455 = arith.muli %select_n3A_453, %mul3A_454 : i32
      %add3A_456 = arith.addi %mul3A_448, %mul3A_455 : i32
      %multiple_of3A_457 = tpu.assume_multiple %add3A_456, 16 : i32
      %dma_start3A_458 = tpu.memref_slice %arg3[%multiple_of3A_457] : memref<200000xi32, #tpu.memory_space<hbm>> -> memref<128xi32, #tpu.memory_space<hbm>>
      %dma_start3A_459 = tpu.memref_slice %arg3[%multiple_of3A_457] : memref<200000xi32, #tpu.memory_space<hbm>> -> memref<128xi32, #tpu.memory_space<hbm>>
      tpu.enqueue_dma source(%dma_start3A_459 : memref<128xi32, #tpu.memory_space<hbm>>) target(%arg6 : memref<128xi32, #tpu.memory_space<vmem>>) target_semaphore(%arg20 : memref<!tpu.dma_semaphore, #tpu.memory_space<semaphore_mem>>)
      %dma_wait3A_460 = arith.constant 0 : i32
      %dma_wait3A_461 = arith.constant 0 : i32
      %dma_wait3A_462 = tpu.memref_slice %arg2[%dma_wait3A_460, %dma_wait3A_461] : memref<131072x128xf32, #tpu.memory_space<hbm>> -> memref<131072x128xf32, #tpu.memory_space<hbm>>
      tpu.wait_indirect_dma semaphore(%arg24 : memref<!tpu.dma_semaphore, #tpu.memory_space<semaphore_mem>>) src(%dma_wait3A_462 : memref<131072x128xf32, #tpu.memory_space<hbm>>) dst(%arg14 : memref<128x128xf32, #tpu.memory_space<vmem>>)
      %dma_wait3A_463 = arith.constant 0 : i32
      %dma_wait3A_464 = tpu.memref_slice %arg4[%scan3A_12, %dma_wait3A_463, %multiple_of3A_385] : memref<4x64x50000xf32, #tpu.memory_space<hbm>> -> memref<1x64x128xf32, #tpu.memory_space<hbm>>
      %dma_wait3A_465 = tpu.memref_squeeze %dma_wait3A_464 : memref<1x64x128xf32, #tpu.memory_space<hbm>> -> memref<64x128xf32, #tpu.memory_space<hbm>>
      %dma_wait3A_466 = arith.constant 0 : i32
      %dma_wait3A_467 = tpu.memref_slice %arg4[%scan3A_12, %dma_wait3A_466, %multiple_of3A_385] : memref<4x64x50000xf32, #tpu.memory_space<hbm>> -> memref<1x64x128xf32, #tpu.memory_space<hbm>>
      %dma_wait3A_468 = tpu.memref_squeeze %dma_wait3A_467 : memref<1x64x128xf32, #tpu.memory_space<hbm>> -> memref<64x128xf32, #tpu.memory_space<hbm>>
      tpu.wait_dma2 semaphore(%arg28 : memref<!tpu.dma_semaphore, #tpu.memory_space<semaphore_mem>>) src(%arg18 : memref<64x128xf32, #tpu.memory_space<vmem>>) dst(%dma_wait3A_468 : memref<64x128xf32, #tpu.memory_space<hbm>>)
      %parallel_loop3A_469 = arith.constant 0 : i32
      %parallel_loop3A_470 = arith.constant 8192 : i32
      %parallel_loop3A_471 = arith.constant 16 : i32
      scf.for %parallel_loop3A_618 = %parallel_loop3A_469 to %parallel_loop3A_470 step %parallel_loop3A_471  : i32 {
        %parallel_loop3A_619 = arith.constant 7 : i32
        %parallel_loop3A_620 = arith.shrsi %parallel_loop3A_618, %parallel_loop3A_619 : i32
        %parallel_loop3A_621 = arith.constant 127 : i32
        %parallel_loop3A_622 = arith.andi %parallel_loop3A_618, %parallel_loop3A_621 : i32
        %parallel_loop3A_623 = vector.broadcast %parallel_loop3A_622 : i32 to vector<16xi32>
        %parallel_loop3A_624 = arith.addi %iota3A, %parallel_loop3A_623 : vector<16xi32>
        %parallel_loop3A_625 = arith.constant 0 : i32
        %parallel_loop3A_626 = vector.broadcast %parallel_loop3A_625 : i32 to vector<16xi32>
        %parallel_loop3A_627 = vector.broadcast %parallel_loop3A_620 : i32 to vector<16xi32>
        %parallel_loop3A_628 = arith.addi %parallel_loop3A_626, %parallel_loop3A_627 : vector<16xi32>
        %parallel_loop3A_629 = tpu.vector_load_idx %arg14[%parallel_loop3A_624, %parallel_loop3A_628] : memref<128x128xf32, #tpu.memory_space<vmem>>[vector<16xi32>, vector<16xi32>], vector<16xf32>,
        %parallel_loop3A_630 = arith.index_cast %parallel_loop3A_620 : i32 to index
        %parallel_loop3A_631 = arith.index_cast %parallel_loop3A_622 : i32 to index
        %parallel_loop3A_632 = tpu.vector_load %arg18[%parallel_loop3A_630, %parallel_loop3A_631] {strides = array<i32>} : memref<64x128xf32, #tpu.memory_space<vmem>>, vector<16xf32>,
        tpu.vector_store %arg18[%parallel_loop3A_630, %parallel_loop3A_631], %parallel_loop3A_629 {strides = array<i32>} : memref<64x128xf32, #tpu.memory_space<vmem>>, vector<16xf32>,
      } {sc.loop_unroll_factor = 8 : i64, sc.parallel_access}
      %add3A_472 = arith.constant 256 : i32
      %add3A_473 = arith.addi %add3A, %add3A_472 : i32
      %ge3A_474 = arith.constant 390 : i32
      %ge3A_475 = arith.cmpi sge, %add3A_473, %ge3A_474 : i32
      %select_n3A_476 = arith.select %ge3A_475, %add3A, %add3A_473 : i32
      %mul3A_477 = arith.constant 128 : i32
      %mul3A_478 = arith.muli %select_n3A_476, %mul3A_477 : i32
      %multiple_of3A_479 = tpu.assume_multiple %mul3A_478, 128 : i32
      %dma_start3A_480 = arith.constant 0 : i32
      %dma_start3A_481 = tpu.memref_slice %arg4[%scan3A_12, %dma_start3A_480, %multiple_of3A_479] : memref<4x64x50000xf32, #tpu.memory_space<hbm>> -> memref<1x64x128xf32, #tpu.memory_space<hbm>>
      %dma_start3A_482 = tpu.memref_squeeze %dma_start3A_481 : memref<1x64x128xf32, #tpu.memory_space<hbm>> -> memref<64x128xf32, #tpu.memory_space<hbm>>
      %dma_start3A_483 = arith.constant 0 : i32
      %dma_start3A_484 = tpu.memref_slice %arg4[%scan3A_12, %dma_start3A_483, %multiple_of3A_479] : memref<4x64x50000xf32, #tpu.memory_space<hbm>> -> memref<1x64x128xf32, #tpu.memory_space<hbm>>
      %dma_start3A_485 = tpu.memref_squeeze %dma_start3A_484 : memref<1x64x128xf32, #tpu.memory_space<hbm>> -> memref<64x128xf32, #tpu.memory_space<hbm>>
      tpu.enqueue_dma source(%arg18 : memref<64x128xf32, #tpu.memory_space<vmem>>) target(%dma_start3A_485 : memref<64x128xf32, #tpu.memory_space<hbm>>) target_semaphore(%arg28 : memref<!tpu.dma_semaphore, #tpu.memory_space<semaphore_mem>>)
      %dma_wait3A_486 = tpu.memref_slice %arg3[%multiple_of3A_410] : memref<200000xi32, #tpu.memory_space<hbm>> -> memref<128xi32, #tpu.memory_space<hbm>>
      %dma_wait3A_487 = tpu.memref_slice %arg3[%multiple_of3A_410] : memref<200000xi32, #tpu.memory_space<hbm>> -> memref<128xi32, #tpu.memory_space<hbm>>
      tpu.wait_dma2 semaphore(%arg23 : memref<!tpu.dma_semaphore, #tpu.memory_space<semaphore_mem>>) src(%dma_wait3A_487 : memref<128xi32, #tpu.memory_space<hbm>>) dst(%arg9 : memref<128xi32, #tpu.memory_space<vmem>>)
      %parallel_loop3A_488 = arith.constant 0 : i32
      %parallel_loop3A_489 = arith.constant 128 : i32
      %parallel_loop3A_490 = arith.constant 16 : i32
      scf.for %parallel_loop3A_618 = %parallel_loop3A_488 to %parallel_loop3A_489 step %parallel_loop3A_490  : i32 {
        %parallel_loop3A_619 = arith.index_cast %parallel_loop3A_618 : i32 to index
        %parallel_loop3A_620 = tpu.vector_load %arg9[%parallel_loop3A_619] {strides = array<i32>} : memref<128xi32, #tpu.memory_space<vmem>>, vector<16xi32>,
        %parallel_loop3A_621 = arith.constant 32768 : i32
        %parallel_loop3A_622 = arith.muli %scan3A_12, %parallel_loop3A_621 : i32
        %parallel_loop3A_623 = vector.broadcast %parallel_loop3A_622 : i32 to vector<16xi32>
        %parallel_loop3A_624 = arith.addi %parallel_loop3A_620, %parallel_loop3A_623 : vector<16xi32>
        %parallel_loop3A_625 = arith.index_cast %parallel_loop3A_618 : i32 to index
        %parallel_loop3A_626 = tpu.vector_load %arg13[%parallel_loop3A_625] {strides = array<i32>} : memref<128xi32, #tpu.memory_space<vmem>>, vector<16xi32>,
        tpu.vector_store %arg13[%parallel_loop3A_625], %parallel_loop3A_624 {strides = array<i32>} : memref<128xi32, #tpu.memory_space<vmem>>, vector<16xi32>,
      } {sc.loop_unroll_factor = 4 : i64, sc.parallel_access}
      %dma_start3A_491 = arith.constant 0 : i32
      %dma_start3A_492 = arith.constant 0 : i32
      %dma_start3A_493 = tpu.memref_slice %arg2[%dma_start3A_491, %dma_start3A_492] : memref<131072x128xf32, #tpu.memory_space<hbm>> -> memref<131072x128xf32, #tpu.memory_space<hbm>>
      tpu.enqueue_indirect_dma source(%dma_start3A_493 : memref<131072x128xf32, #tpu.memory_space<hbm>>) target(%arg17 : memref<128x128xf32, #tpu.memory_space<vmem>>) offsets(%arg13 : memref<128xi32, #tpu.memory_space<vmem>>) semaphore(%arg27 : memref<!tpu.dma_semaphore, #tpu.memory_space<semaphore_mem>>)
      %dma_wait3A_494 = arith.constant 0 : i32
      %dma_wait3A_495 = arith.constant 0 : i32
      %dma_wait3A_496 = tpu.memref_slice %arg2[%dma_wait3A_494, %dma_wait3A_495] : memref<131072x128xf32, #tpu.memory_space<hbm>> -> memref<131072x128xf32, #tpu.memory_space<hbm>>
      tpu.wait_indirect_dma semaphore(%arg25 : memref<!tpu.dma_semaphore, #tpu.memory_space<semaphore_mem>>) src(%dma_wait3A_496 : memref<131072x128xf32, #tpu.memory_space<hbm>>) dst(%arg15 : memref<128x128xf32, #tpu.memory_space<vmem>>)
      %dma_wait3A_497 = arith.constant 0 : i32
      %dma_wait3A_498 = tpu.memref_slice %arg4[%scan3A_12, %dma_wait3A_497, %multiple_of3A_432] : memref<4x64x50000xf32, #tpu.memory_space<hbm>> -> memref<1x64x128xf32, #tpu.memory_space<hbm>>
      %dma_wait3A_499 = tpu.memref_squeeze %dma_wait3A_498 : memref<1x64x128xf32, #tpu.memory_space<hbm>> -> memref<64x128xf32, #tpu.memory_space<hbm>>
      %dma_wait3A_500 = arith.constant 0 : i32
      %dma_wait3A_501 = tpu.memref_slice %arg4[%scan3A_12, %dma_wait3A_500, %multiple_of3A_432] : memref<4x64x50000xf32, #tpu.memory_space<hbm>> -> memref<1x64x128xf32, #tpu.memory_space<hbm>>
      %dma_wait3A_502 = tpu.memref_squeeze %dma_wait3A_501 : memref<1x64x128xf32, #tpu.memory_space<hbm>> -> memref<64x128xf32, #tpu.memory_space<hbm>>
      tpu.wait_dma2 semaphore(%arg29 : memref<!tpu.dma_semaphore, #tpu.memory_space<semaphore_mem>>) src(%arg19 : memref<64x128xf32, #tpu.memory_space<vmem>>) dst(%dma_wait3A_502 : memref<64x128xf32, #tpu.memory_space<hbm>>)
      %parallel_loop3A_503 = arith.constant 0 : i32
      %parallel_loop3A_504 = arith.constant 8192 : i32
      %parallel_loop3A_505 = arith.constant 16 : i32
      scf.for %parallel_loop3A_618 = %parallel_loop3A_503 to %parallel_loop3A_504 step %parallel_loop3A_505  : i32 {
        %parallel_loop3A_619 = arith.constant 7 : i32
        %parallel_loop3A_620 = arith.shrsi %parallel_loop3A_618, %parallel_loop3A_619 : i32
        %parallel_loop3A_621 = arith.constant 127 : i32
        %parallel_loop3A_622 = arith.andi %parallel_loop3A_618, %parallel_loop3A_621 : i32
        %parallel_loop3A_623 = vector.broadcast %parallel_loop3A_622 : i32 to vector<16xi32>
        %parallel_loop3A_624 = arith.addi %iota3A, %parallel_loop3A_623 : vector<16xi32>
        %parallel_loop3A_625 = arith.constant 0 : i32
        %parallel_loop3A_626 = vector.broadcast %parallel_loop3A_625 : i32 to vector<16xi32>
        %parallel_loop3A_627 = vector.broadcast %parallel_loop3A_620 : i32 to vector<16xi32>
        %parallel_loop3A_628 = arith.addi %parallel_loop3A_626, %parallel_loop3A_627 : vector<16xi32>
        %parallel_loop3A_629 = tpu.vector_load_idx %arg15[%parallel_loop3A_624, %parallel_loop3A_628] : memref<128x128xf32, #tpu.memory_space<vmem>>[vector<16xi32>, vector<16xi32>], vector<16xf32>,
        %parallel_loop3A_630 = arith.index_cast %parallel_loop3A_620 : i32 to index
        %parallel_loop3A_631 = arith.index_cast %parallel_loop3A_622 : i32 to index
        %parallel_loop3A_632 = tpu.vector_load %arg19[%parallel_loop3A_630, %parallel_loop3A_631] {strides = array<i32>} : memref<64x128xf32, #tpu.memory_space<vmem>>, vector<16xf32>,
        tpu.vector_store %arg19[%parallel_loop3A_630, %parallel_loop3A_631], %parallel_loop3A_629 {strides = array<i32>} : memref<64x128xf32, #tpu.memory_space<vmem>>, vector<16xf32>,
      } {sc.loop_unroll_factor = 8 : i64, sc.parallel_access}
      %add3A_506 = arith.constant 288 : i32
      %add3A_507 = arith.addi %add3A, %add3A_506 : i32
      %ge3A_508 = arith.constant 390 : i32
      %ge3A_509 = arith.cmpi sge, %add3A_507, %ge3A_508 : i32
      %select_n3A_510 = arith.select %ge3A_509, %add3A, %add3A_507 : i32
      %mul3A_511 = arith.constant 128 : i32
      %mul3A_512 = arith.muli %select_n3A_510, %mul3A_511 : i32
      %multiple_of3A_513 = tpu.assume_multiple %mul3A_512, 128 : i32
      %dma_start3A_514 = arith.constant 0 : i32
      %dma_start3A_515 = tpu.memref_slice %arg4[%scan3A_12, %dma_start3A_514, %multiple_of3A_513] : memref<4x64x50000xf32, #tpu.memory_space<hbm>> -> memref<1x64x128xf32, #tpu.memory_space<hbm>>
      %dma_start3A_516 = tpu.memref_squeeze %dma_start3A_515 : memref<1x64x128xf32, #tpu.memory_space<hbm>> -> memref<64x128xf32, #tpu.memory_space<hbm>>
      %dma_start3A_517 = arith.constant 0 : i32
      %dma_start3A_518 = tpu.memref_slice %arg4[%scan3A_12, %dma_start3A_517, %multiple_of3A_513] : memref<4x64x50000xf32, #tpu.memory_space<hbm>> -> memref<1x64x128xf32, #tpu.memory_space<hbm>>
      %dma_start3A_519 = tpu.memref_squeeze %dma_start3A_518 : memref<1x64x128xf32, #tpu.memory_space<hbm>> -> memref<64x128xf32, #tpu.memory_space<hbm>>
      tpu.enqueue_dma source(%arg19 : memref<64x128xf32, #tpu.memory_space<vmem>>) target(%dma_start3A_519 : memref<64x128xf32, #tpu.memory_space<hbm>>) target_semaphore(%arg29 : memref<!tpu.dma_semaphore, #tpu.memory_space<semaphore_mem>>)
      %dma_wait3A_520 = tpu.memref_slice %arg3[%multiple_of3A_457] : memref<200000xi32, #tpu.memory_space<hbm>> -> memref<128xi32, #tpu.memory_space<hbm>>
      %dma_wait3A_521 = tpu.memref_slice %arg3[%multiple_of3A_457] : memref<200000xi32, #tpu.memory_space<hbm>> -> memref<128xi32, #tpu.memory_space<hbm>>
      tpu.wait_dma2 semaphore(%arg20 : memref<!tpu.dma_semaphore, #tpu.memory_space<semaphore_mem>>) src(%dma_wait3A_521 : memref<128xi32, #tpu.memory_space<hbm>>) dst(%arg6 : memref<128xi32, #tpu.memory_space<vmem>>)
      %parallel_loop3A_522 = arith.constant 0 : i32
      %parallel_loop3A_523 = arith.constant 128 : i32
      %parallel_loop3A_524 = arith.constant 16 : i32
      scf.for %parallel_loop3A_618 = %parallel_loop3A_522 to %parallel_loop3A_523 step %parallel_loop3A_524  : i32 {
        %parallel_loop3A_619 = arith.index_cast %parallel_loop3A_618 : i32 to index
        %parallel_loop3A_620 = tpu.vector_load %arg6[%parallel_loop3A_619] {strides = array<i32>} : memref<128xi32, #tpu.memory_space<vmem>>, vector<16xi32>,
        %parallel_loop3A_621 = arith.constant 32768 : i32
        %parallel_loop3A_622 = arith.muli %scan3A_12, %parallel_loop3A_621 : i32
        %parallel_loop3A_623 = vector.broadcast %parallel_loop3A_622 : i32 to vector<16xi32>
        %parallel_loop3A_624 = arith.addi %parallel_loop3A_620, %parallel_loop3A_623 : vector<16xi32>
        %parallel_loop3A_625 = arith.index_cast %parallel_loop3A_618 : i32 to index
        %parallel_loop3A_626 = tpu.vector_load %arg10[%parallel_loop3A_625] {strides = array<i32>} : memref<128xi32, #tpu.memory_space<vmem>>, vector<16xi32>,
        tpu.vector_store %arg10[%parallel_loop3A_625], %parallel_loop3A_624 {strides = array<i32>} : memref<128xi32, #tpu.memory_space<vmem>>, vector<16xi32>,
      } {sc.loop_unroll_factor = 4 : i64, sc.parallel_access}
      %dma_start3A_525 = arith.constant 0 : i32
      %dma_start3A_526 = arith.constant 0 : i32
      %dma_start3A_527 = tpu.memref_slice %arg2[%dma_start3A_525, %dma_start3A_526] : memref<131072x128xf32, #tpu.memory_space<hbm>> -> memref<131072x128xf32, #tpu.memory_space<hbm>>
      tpu.enqueue_indirect_dma source(%dma_start3A_527 : memref<131072x128xf32, #tpu.memory_space<hbm>>) target(%arg14 : memref<128x128xf32, #tpu.memory_space<vmem>>) offsets(%arg10 : memref<128xi32, #tpu.memory_space<vmem>>) semaphore(%arg24 : memref<!tpu.dma_semaphore, #tpu.memory_space<semaphore_mem>>)
      %dma_wait3A_528 = arith.constant 0 : i32
      %dma_wait3A_529 = arith.constant 0 : i32
      %dma_wait3A_530 = tpu.memref_slice %arg2[%dma_wait3A_528, %dma_wait3A_529] : memref<131072x128xf32, #tpu.memory_space<hbm>> -> memref<131072x128xf32, #tpu.memory_space<hbm>>
      tpu.wait_indirect_dma semaphore(%arg26 : memref<!tpu.dma_semaphore, #tpu.memory_space<semaphore_mem>>) src(%dma_wait3A_530 : memref<131072x128xf32, #tpu.memory_space<hbm>>) dst(%arg16 : memref<128x128xf32, #tpu.memory_space<vmem>>)
      %dma_wait3A_531 = arith.constant 0 : i32
      %dma_wait3A_532 = tpu.memref_slice %arg4[%scan3A_12, %dma_wait3A_531, %multiple_of3A_479] : memref<4x64x50000xf32, #tpu.memory_space<hbm>> -> memref<1x64x128xf32, #tpu.memory_space<hbm>>
      %dma_wait3A_533 = tpu.memref_squeeze %dma_wait3A_532 : memref<1x64x128xf32, #tpu.memory_space<hbm>> -> memref<64x128xf32, #tpu.memory_space<hbm>>
      %dma_wait3A_534 = arith.constant 0 : i32
      %dma_wait3A_535 = tpu.memref_slice %arg4[%scan3A_12, %dma_wait3A_534, %multiple_of3A_479] : memref<4x64x50000xf32, #tpu.memory_space<hbm>> -> memref<1x64x128xf32, #tpu.memory_space<hbm>>
      %dma_wait3A_536 = tpu.memref_squeeze %dma_wait3A_535 : memref<1x64x128xf32, #tpu.memory_space<hbm>> -> memref<64x128xf32, #tpu.memory_space<hbm>>
      tpu.wait_dma2 semaphore(%arg28 : memref<!tpu.dma_semaphore, #tpu.memory_space<semaphore_mem>>) src(%arg18 : memref<64x128xf32, #tpu.memory_space<vmem>>) dst(%dma_wait3A_536 : memref<64x128xf32, #tpu.memory_space<hbm>>)
      %parallel_loop3A_537 = arith.constant 0 : i32
      %parallel_loop3A_538 = arith.constant 8192 : i32
      %parallel_loop3A_539 = arith.constant 16 : i32
      scf.for %parallel_loop3A_618 = %parallel_loop3A_537 to %parallel_loop3A_538 step %parallel_loop3A_539  : i32 {
        %parallel_loop3A_619 = arith.constant 7 : i32
        %parallel_loop3A_620 = arith.shrsi %parallel_loop3A_618, %parallel_loop3A_619 : i32
        %parallel_loop3A_621 = arith.constant 127 : i32
        %parallel_loop3A_622 = arith.andi %parallel_loop3A_618, %parallel_loop3A_621 : i32
        %parallel_loop3A_623 = vector.broadcast %parallel_loop3A_622 : i32 to vector<16xi32>
        %parallel_loop3A_624 = arith.addi %iota3A, %parallel_loop3A_623 : vector<16xi32>
        %parallel_loop3A_625 = arith.constant 0 : i32
        %parallel_loop3A_626 = vector.broadcast %parallel_loop3A_625 : i32 to vector<16xi32>
        %parallel_loop3A_627 = vector.broadcast %parallel_loop3A_620 : i32 to vector<16xi32>
        %parallel_loop3A_628 = arith.addi %parallel_loop3A_626, %parallel_loop3A_627 : vector<16xi32>
        %parallel_loop3A_629 = tpu.vector_load_idx %arg16[%parallel_loop3A_624, %parallel_loop3A_628] : memref<128x128xf32, #tpu.memory_space<vmem>>[vector<16xi32>, vector<16xi32>], vector<16xf32>,
        %parallel_loop3A_630 = arith.index_cast %parallel_loop3A_620 : i32 to index
        %parallel_loop3A_631 = arith.index_cast %parallel_loop3A_622 : i32 to index
        %parallel_loop3A_632 = tpu.vector_load %arg18[%parallel_loop3A_630, %parallel_loop3A_631] {strides = array<i32>} : memref<64x128xf32, #tpu.memory_space<vmem>>, vector<16xf32>,
        tpu.vector_store %arg18[%parallel_loop3A_630, %parallel_loop3A_631], %parallel_loop3A_629 {strides = array<i32>} : memref<64x128xf32, #tpu.memory_space<vmem>>, vector<16xf32>,
      } {sc.loop_unroll_factor = 8 : i64, sc.parallel_access}
      %add3A_540 = arith.constant 320 : i32
      %add3A_541 = arith.addi %add3A, %add3A_540 : i32
      %ge3A_542 = arith.constant 390 : i32
      %ge3A_543 = arith.cmpi sge, %add3A_541, %ge3A_542 : i32
      %select_n3A_544 = arith.select %ge3A_543, %add3A, %add3A_541 : i32
      %mul3A_545 = arith.constant 128 : i32
      %mul3A_546 = arith.muli %select_n3A_544, %mul3A_545 : i32
      %multiple_of3A_547 = tpu.assume_multiple %mul3A_546, 128 : i32
      %dma_start3A_548 = arith.constant 0 : i32
      %dma_start3A_549 = tpu.memref_slice %arg4[%scan3A_12, %dma_start3A_548, %multiple_of3A_547] : memref<4x64x50000xf32, #tpu.memory_space<hbm>> -> memref<1x64x128xf32, #tpu.memory_space<hbm>>
      %dma_start3A_550 = tpu.memref_squeeze %dma_start3A_549 : memref<1x64x128xf32, #tpu.memory_space<hbm>> -> memref<64x128xf32, #tpu.memory_space<hbm>>
      %dma_start3A_551 = arith.constant 0 : i32
      %dma_start3A_552 = tpu.memref_slice %arg4[%scan3A_12, %dma_start3A_551, %multiple_of3A_547] : memref<4x64x50000xf32, #tpu.memory_space<hbm>> -> memref<1x64x128xf32, #tpu.memory_space<hbm>>
      %dma_start3A_553 = tpu.memref_squeeze %dma_start3A_552 : memref<1x64x128xf32, #tpu.memory_space<hbm>> -> memref<64x128xf32, #tpu.memory_space<hbm>>
      tpu.enqueue_dma source(%arg18 : memref<64x128xf32, #tpu.memory_space<vmem>>) target(%dma_start3A_553 : memref<64x128xf32, #tpu.memory_space<hbm>>) target_semaphore(%arg28 : memref<!tpu.dma_semaphore, #tpu.memory_space<semaphore_mem>>)
      %dma_wait3A_554 = arith.constant 0 : i32
      %dma_wait3A_555 = arith.constant 0 : i32
      %dma_wait3A_556 = tpu.memref_slice %arg2[%dma_wait3A_554, %dma_wait3A_555] : memref<131072x128xf32, #tpu.memory_space<hbm>> -> memref<131072x128xf32, #tpu.memory_space<hbm>>
      tpu.wait_indirect_dma semaphore(%arg27 : memref<!tpu.dma_semaphore, #tpu.memory_space<semaphore_mem>>) src(%dma_wait3A_556 : memref<131072x128xf32, #tpu.memory_space<hbm>>) dst(%arg17 : memref<128x128xf32, #tpu.memory_space<vmem>>)
      %dma_wait3A_557 = arith.constant 0 : i32
      %dma_wait3A_558 = tpu.memref_slice %arg4[%scan3A_12, %dma_wait3A_557, %multiple_of3A_513] : memref<4x64x50000xf32, #tpu.memory_space<hbm>> -> memref<1x64x128xf32, #tpu.memory_space<hbm>>
      %dma_wait3A_559 = tpu.memref_squeeze %dma_wait3A_558 : memref<1x64x128xf32, #tpu.memory_space<hbm>> -> memref<64x128xf32, #tpu.memory_space<hbm>>
      %dma_wait3A_560 = arith.constant 0 : i32
      %dma_wait3A_561 = tpu.memref_slice %arg4[%scan3A_12, %dma_wait3A_560, %multiple_of3A_513] : memref<4x64x50000xf32, #tpu.memory_space<hbm>> -> memref<1x64x128xf32, #tpu.memory_space<hbm>>
      %dma_wait3A_562 = tpu.memref_squeeze %dma_wait3A_561 : memref<1x64x128xf32, #tpu.memory_space<hbm>> -> memref<64x128xf32, #tpu.memory_space<hbm>>
      tpu.wait_dma2 semaphore(%arg29 : memref<!tpu.dma_semaphore, #tpu.memory_space<semaphore_mem>>) src(%arg19 : memref<64x128xf32, #tpu.memory_space<vmem>>) dst(%dma_wait3A_562 : memref<64x128xf32, #tpu.memory_space<hbm>>)
      %parallel_loop3A_563 = arith.constant 0 : i32
      %parallel_loop3A_564 = arith.constant 8192 : i32
      %parallel_loop3A_565 = arith.constant 16 : i32
      scf.for %parallel_loop3A_618 = %parallel_loop3A_563 to %parallel_loop3A_564 step %parallel_loop3A_565  : i32 {
        %parallel_loop3A_619 = arith.constant 7 : i32
        %parallel_loop3A_620 = arith.shrsi %parallel_loop3A_618, %parallel_loop3A_619 : i32
        %parallel_loop3A_621 = arith.constant 127 : i32
        %parallel_loop3A_622 = arith.andi %parallel_loop3A_618, %parallel_loop3A_621 : i32
        %parallel_loop3A_623 = vector.broadcast %parallel_loop3A_622 : i32 to vector<16xi32>
        %parallel_loop3A_624 = arith.addi %iota3A, %parallel_loop3A_623 : vector<16xi32>
        %parallel_loop3A_625 = arith.constant 0 : i32
        %parallel_loop3A_626 = vector.broadcast %parallel_loop3A_625 : i32 to vector<16xi32>
        %parallel_loop3A_627 = vector.broadcast %parallel_loop3A_620 : i32 to vector<16xi32>
        %parallel_loop3A_628 = arith.addi %parallel_loop3A_626, %parallel_loop3A_627 : vector<16xi32>
        %parallel_loop3A_629 = tpu.vector_load_idx %arg17[%parallel_loop3A_624, %parallel_loop3A_628] : memref<128x128xf32, #tpu.memory_space<vmem>>[vector<16xi32>, vector<16xi32>], vector<16xf32>,
        %parallel_loop3A_630 = arith.index_cast %parallel_loop3A_620 : i32 to index
        %parallel_loop3A_631 = arith.index_cast %parallel_loop3A_622 : i32 to index
        %parallel_loop3A_632 = tpu.vector_load %arg19[%parallel_loop3A_630, %parallel_loop3A_631] {strides = array<i32>} : memref<64x128xf32, #tpu.memory_space<vmem>>, vector<16xf32>,
        tpu.vector_store %arg19[%parallel_loop3A_630, %parallel_loop3A_631], %parallel_loop3A_629 {strides = array<i32>} : memref<64x128xf32, #tpu.memory_space<vmem>>, vector<16xf32>,
      } {sc.loop_unroll_factor = 8 : i64, sc.parallel_access}
      %add3A_566 = arith.constant 352 : i32
      %add3A_567 = arith.addi %add3A, %add3A_566 : i32
      %ge3A_568 = arith.constant 390 : i32
      %ge3A_569 = arith.cmpi sge, %add3A_567, %ge3A_568 : i32
      %select_n3A_570 = arith.select %ge3A_569, %add3A, %add3A_567 : i32
      %mul3A_571 = arith.constant 128 : i32
      %mul3A_572 = arith.muli %select_n3A_570, %mul3A_571 : i32
      %multiple_of3A_573 = tpu.assume_multiple %mul3A_572, 128 : i32
      %dma_start3A_574 = arith.constant 0 : i32
      %dma_start3A_575 = tpu.memref_slice %arg4[%scan3A_12, %dma_start3A_574, %multiple_of3A_573] : memref<4x64x50000xf32, #tpu.memory_space<hbm>> -> memref<1x64x128xf32, #tpu.memory_space<hbm>>
      %dma_start3A_576 = tpu.memref_squeeze %dma_start3A_575 : memref<1x64x128xf32, #tpu.memory_space<hbm>> -> memref<64x128xf32, #tpu.memory_space<hbm>>
      %dma_start3A_577 = arith.constant 0 : i32
      %dma_start3A_578 = tpu.memref_slice %arg4[%scan3A_12, %dma_start3A_577, %multiple_of3A_573] : memref<4x64x50000xf32, #tpu.memory_space<hbm>> -> memref<1x64x128xf32, #tpu.memory_space<hbm>>
      %dma_start3A_579 = tpu.memref_squeeze %dma_start3A_578 : memref<1x64x128xf32, #tpu.memory_space<hbm>> -> memref<64x128xf32, #tpu.memory_space<hbm>>
      tpu.enqueue_dma source(%arg19 : memref<64x128xf32, #tpu.memory_space<vmem>>) target(%dma_start3A_579 : memref<64x128xf32, #tpu.memory_space<hbm>>) target_semaphore(%arg29 : memref<!tpu.dma_semaphore, #tpu.memory_space<semaphore_mem>>)
      %dma_wait3A_580 = arith.constant 0 : i32
      %dma_wait3A_581 = arith.constant 0 : i32
      %dma_wait3A_582 = tpu.memref_slice %arg2[%dma_wait3A_580, %dma_wait3A_581] : memref<131072x128xf32, #tpu.memory_space<hbm>> -> memref<131072x128xf32, #tpu.memory_space<hbm>>
      tpu.wait_indirect_dma semaphore(%arg24 : memref<!tpu.dma_semaphore, #tpu.memory_space<semaphore_mem>>) src(%dma_wait3A_582 : memref<131072x128xf32, #tpu.memory_space<hbm>>) dst(%arg14 : memref<128x128xf32, #tpu.memory_space<vmem>>)
      %dma_wait3A_583 = arith.constant 0 : i32
      %dma_wait3A_584 = tpu.memref_slice %arg4[%scan3A_12, %dma_wait3A_583, %multiple_of3A_547] : memref<4x64x50000xf32, #tpu.memory_space<hbm>> -> memref<1x64x128xf32, #tpu.memory_space<hbm>>
      %dma_wait3A_585 = tpu.memref_squeeze %dma_wait3A_584 : memref<1x64x128xf32, #tpu.memory_space<hbm>> -> memref<64x128xf32, #tpu.memory_space<hbm>>
      %dma_wait3A_586 = arith.constant 0 : i32
      %dma_wait3A_587 = tpu.memref_slice %arg4[%scan3A_12, %dma_wait3A_586, %multiple_of3A_547] : memref<4x64x50000xf32, #tpu.memory_space<hbm>> -> memref<1x64x128xf32, #tpu.memory_space<hbm>>
      %dma_wait3A_588 = tpu.memref_squeeze %dma_wait3A_587 : memref<1x64x128xf32, #tpu.memory_space<hbm>> -> memref<64x128xf32, #tpu.memory_space<hbm>>
      tpu.wait_dma2 semaphore(%arg28 : memref<!tpu.dma_semaphore, #tpu.memory_space<semaphore_mem>>) src(%arg18 : memref<64x128xf32, #tpu.memory_space<vmem>>) dst(%dma_wait3A_588 : memref<64x128xf32, #tpu.memory_space<hbm>>)
      %parallel_loop3A_589 = arith.constant 0 : i32
      %parallel_loop3A_590 = arith.constant 8192 : i32
      %parallel_loop3A_591 = arith.constant 16 : i32
      scf.for %parallel_loop3A_618 = %parallel_loop3A_589 to %parallel_loop3A_590 step %parallel_loop3A_591  : i32 {
        %parallel_loop3A_619 = arith.constant 7 : i32
        %parallel_loop3A_620 = arith.shrsi %parallel_loop3A_618, %parallel_loop3A_619 : i32
        %parallel_loop3A_621 = arith.constant 127 : i32
        %parallel_loop3A_622 = arith.andi %parallel_loop3A_618, %parallel_loop3A_621 : i32
        %parallel_loop3A_623 = vector.broadcast %parallel_loop3A_622 : i32 to vector<16xi32>
        %parallel_loop3A_624 = arith.addi %iota3A, %parallel_loop3A_623 : vector<16xi32>
        %parallel_loop3A_625 = arith.constant 0 : i32
        %parallel_loop3A_626 = vector.broadcast %parallel_loop3A_625 : i32 to vector<16xi32>
        %parallel_loop3A_627 = vector.broadcast %parallel_loop3A_620 : i32 to vector<16xi32>
        %parallel_loop3A_628 = arith.addi %parallel_loop3A_626, %parallel_loop3A_627 : vector<16xi32>
        %parallel_loop3A_629 = tpu.vector_load_idx %arg14[%parallel_loop3A_624, %parallel_loop3A_628] : memref<128x128xf32, #tpu.memory_space<vmem>>[vector<16xi32>, vector<16xi32>], vector<16xf32>,
        %parallel_loop3A_630 = arith.index_cast %parallel_loop3A_620 : i32 to index
        %parallel_loop3A_631 = arith.index_cast %parallel_loop3A_622 : i32 to index
        %parallel_loop3A_632 = tpu.vector_load %arg18[%parallel_loop3A_630, %parallel_loop3A_631] {strides = array<i32>} : memref<64x128xf32, #tpu.memory_space<vmem>>, vector<16xf32>,
        tpu.vector_store %arg18[%parallel_loop3A_630, %parallel_loop3A_631], %parallel_loop3A_629 {strides = array<i32>} : memref<64x128xf32, #tpu.memory_space<vmem>>, vector<16xf32>,
      } {sc.loop_unroll_factor = 8 : i64, sc.parallel_access}
      %add3A_592 = arith.constant 384 : i32
      %add3A_593 = arith.addi %add3A, %add3A_592 : i32
      %ge3A_594 = arith.constant 390 : i32
      %ge3A_595 = arith.cmpi sge, %add3A_593, %ge3A_594 : i32
      %select_n3A_596 = arith.select %ge3A_595, %add3A, %add3A_593 : i32
      %mul3A_597 = arith.constant 128 : i32
      %mul3A_598 = arith.muli %select_n3A_596, %mul3A_597 : i32
      %multiple_of3A_599 = tpu.assume_multiple %mul3A_598, 128 : i32
      %dma_start3A_600 = arith.constant 0 : i32
      %dma_start3A_601 = tpu.memref_slice %arg4[%scan3A_12, %dma_start3A_600, %multiple_of3A_599] : memref<4x64x50000xf32, #tpu.memory_space<hbm>> -> memref<1x64x128xf32, #tpu.memory_space<hbm>>
      %dma_start3A_602 = tpu.memref_squeeze %dma_start3A_601 : memref<1x64x128xf32, #tpu.memory_space<hbm>> -> memref<64x128xf32, #tpu.memory_space<hbm>>
      %dma_start3A_603 = arith.constant 0 : i32
      %dma_start3A_604 = tpu.memref_slice %arg4[%scan3A_12, %dma_start3A_603, %multiple_of3A_599] : memref<4x64x50000xf32, #tpu.memory_space<hbm>> -> memref<1x64x128xf32, #tpu.memory_space<hbm>>
      %dma_start3A_605 = tpu.memref_squeeze %dma_start3A_604 : memref<1x64x128xf32, #tpu.memory_space<hbm>> -> memref<64x128xf32, #tpu.memory_space<hbm>>
      tpu.enqueue_dma source(%arg18 : memref<64x128xf32, #tpu.memory_space<vmem>>) target(%dma_start3A_605 : memref<64x128xf32, #tpu.memory_space<hbm>>) target_semaphore(%arg28 : memref<!tpu.dma_semaphore, #tpu.memory_space<semaphore_mem>>)
      %dma_wait3A_606 = arith.constant 0 : i32
      %dma_wait3A_607 = tpu.memref_slice %arg4[%scan3A_12, %dma_wait3A_606, %multiple_of3A_599] : memref<4x64x50000xf32, #tpu.memory_space<hbm>> -> memref<1x64x128xf32, #tpu.memory_space<hbm>>
      %dma_wait3A_608 = tpu.memref_squeeze %dma_wait3A_607 : memref<1x64x128xf32, #tpu.memory_space<hbm>> -> memref<64x128xf32, #tpu.memory_space<hbm>>
      %dma_wait3A_609 = arith.constant 0 : i32
      %dma_wait3A_610 = tpu.memref_slice %arg4[%scan3A_12, %dma_wait3A_609, %multiple_of3A_599] : memref<4x64x50000xf32, #tpu.memory_space<hbm>> -> memref<1x64x128xf32, #tpu.memory_space<hbm>>
      %dma_wait3A_611 = tpu.memref_squeeze %dma_wait3A_610 : memref<1x64x128xf32, #tpu.memory_space<hbm>> -> memref<64x128xf32, #tpu.memory_space<hbm>>
      tpu.wait_dma2 semaphore(%arg28 : memref<!tpu.dma_semaphore, #tpu.memory_space<semaphore_mem>>) src(%arg18 : memref<64x128xf32, #tpu.memory_space<vmem>>) dst(%dma_wait3A_611 : memref<64x128xf32, #tpu.memory_space<hbm>>)
      %dma_wait3A_612 = arith.constant 0 : i32
      %dma_wait3A_613 = tpu.memref_slice %arg4[%scan3A_12, %dma_wait3A_612, %multiple_of3A_573] : memref<4x64x50000xf32, #tpu.memory_space<hbm>> -> memref<1x64x128xf32, #tpu.memory_space<hbm>>
      %dma_wait3A_614 = tpu.memref_squeeze %dma_wait3A_613 : memref<1x64x128xf32, #tpu.memory_space<hbm>> -> memref<64x128xf32, #tpu.memory_space<hbm>>
      %dma_wait3A_615 = arith.constant 0 : i32
      %dma_wait3A_616 = tpu.memref_slice %arg4[%scan3A_12, %dma_wait3A_615, %multiple_of3A_573] : memref<4x64x50000xf32, #tpu.memory_space<hbm>> -> memref<1x64x128xf32, #tpu.memory_space<hbm>>
      %dma_wait3A_617 = tpu.memref_squeeze %dma_wait3A_616 : memref<1x64x128xf32, #tpu.memory_space<hbm>> -> memref<64x128xf32, #tpu.memory_space<hbm>>
      tpu.wait_dma2 semaphore(%arg29 : memref<!tpu.dma_semaphore, #tpu.memory_space<semaphore_mem>>) src(%arg19 : memref<64x128xf32, #tpu.memory_space<vmem>>) dst(%dma_wait3A_617 : memref<64x128xf32, #tpu.memory_space<hbm>>)
    }
    %scan3A_5 = arith.constant 4 : i32
    %scan3A_6 = arith.constant 0 : i32
    %scan3A_7 = arith.constant 0 : i32
    %scan3A_8 = arith.constant 4 : i32
    %scan3A_9 = arith.addi %scan3A_7, %scan3A_8 : i32
    %scan3A_10 = arith.constant 1 : i32
    scf.for %scan3A_12 = %scan3A_7 to %scan3A_9 step %scan3A_10  : i32 {
      %eq3A = arith.cmpi eq, %add3A, %scan3A_12 : i32
      %convert_element_type3A = arith.extui %eq3A : i1 to i32
      %cond3A = arith.constant 0 : i32
      %cond3A_13 = arith.cmpi ne, %convert_element_type3A, %cond3A : i32
      scf.if %cond3A_13 {
        %mul3A_14 = arith.constant 50000 : i32
        %mul3A_15 = arith.muli %scan3A_12, %mul3A_14 : i32
        %add3A_16 = arith.constant 50000 : i32
        %add3A_17 = arith.addi %mul3A_15, %add3A_16 : i32
        %sub3A = arith.constant 128 : i32
        %sub3A_18 = arith.subi %add3A_17, %sub3A : i32
        "tpu.region"() ({
          %run_scoped3A = tpu.sem_alloc : memref<!tpu.dma_semaphore, #tpu.memory_space<semaphore_mem>>
          %dma_start3A_44 = tpu.memref_slice %arg3[%sub3A_18] : memref<200000xi32, #tpu.memory_space<hbm>> -> memref<128xi32, #tpu.memory_space<hbm>>
          %dma_start3A_45 = tpu.memref_slice %arg3[%sub3A_18] : memref<200000xi32, #tpu.memory_space<hbm>> -> memref<128xi32, #tpu.memory_space<hbm>>
          tpu.enqueue_dma source(%dma_start3A_45 : memref<128xi32, #tpu.memory_space<hbm>>) target(%arg6 : memref<128xi32, #tpu.memory_space<vmem>>) target_semaphore(%run_scoped3A : memref<!tpu.dma_semaphore, #tpu.memory_space<semaphore_mem>>)
          %dma_wait3A_46 = tpu.memref_slice %arg3[%sub3A_18] : memref<200000xi32, #tpu.memory_space<hbm>> -> memref<128xi32, #tpu.memory_space<hbm>>
          %dma_wait3A_47 = tpu.memref_slice %arg3[%sub3A_18] : memref<200000xi32, #tpu.memory_space<hbm>> -> memref<128xi32, #tpu.memory_space<hbm>>
          tpu.wait_dma2 semaphore(%run_scoped3A : memref<!tpu.dma_semaphore, #tpu.memory_space<semaphore_mem>>) src(%dma_wait3A_47 : memref<128xi32, #tpu.memory_space<hbm>>) dst(%arg6 : memref<128xi32, #tpu.memory_space<vmem>>)
          tpu.yield
        }) : () -> ()
        %parallel_loop3A = arith.constant 0 : i32
        %parallel_loop3A_19 = arith.constant 128 : i32
        %parallel_loop3A_20 = arith.constant 16 : i32
        scf.for %parallel_loop3A_44 = %parallel_loop3A to %parallel_loop3A_19 step %parallel_loop3A_20  : i32 {
          %parallel_loop3A_45 = arith.index_cast %parallel_loop3A_44 : i32 to index
          %parallel_loop3A_46 = tpu.vector_load %arg6[%parallel_loop3A_45] {strides = array<i32>} : memref<128xi32, #tpu.memory_space<vmem>>, vector<16xi32>,
          %parallel_loop3A_47 = arith.constant 32768 : i32
          %parallel_loop3A_48 = arith.muli %scan3A_12, %parallel_loop3A_47 : i32
          %parallel_loop3A_49 = vector.broadcast %parallel_loop3A_48 : i32 to vector<16xi32>
          %parallel_loop3A_50 = arith.addi %parallel_loop3A_46, %parallel_loop3A_49 : vector<16xi32>
          %parallel_loop3A_51 = arith.index_cast %parallel_loop3A_44 : i32 to index
          %parallel_loop3A_52 = tpu.vector_load %arg10[%parallel_loop3A_51] {strides = array<i32>} : memref<128xi32, #tpu.memory_space<vmem>>, vector<16xi32>,
          tpu.vector_store %arg10[%parallel_loop3A_51], %parallel_loop3A_50 {strides = array<i32>} : memref<128xi32, #tpu.memory_space<vmem>>, vector<16xi32>,
        } {sc.loop_unroll_factor = 4 : i64, sc.parallel_access}
        %dma_start3A = arith.constant 0 : i32
        %dma_start3A_21 = arith.constant 0 : i32
        %dma_start3A_22 = tpu.memref_slice %arg2[%dma_start3A, %dma_start3A_21] : memref<131072x128xf32, #tpu.memory_space<hbm>> -> memref<131072x128xf32, #tpu.memory_space<hbm>>
        tpu.enqueue_indirect_dma source(%dma_start3A_22 : memref<131072x128xf32, #tpu.memory_space<hbm>>) target(%arg14 : memref<128x128xf32, #tpu.memory_space<vmem>>) offsets(%arg10 : memref<128xi32, #tpu.memory_space<vmem>>) semaphore(%arg24 : memref<!tpu.dma_semaphore, #tpu.memory_space<semaphore_mem>>)
        %dma_wait3A = arith.constant 0 : i32
        %dma_wait3A_23 = arith.constant 0 : i32
        %dma_wait3A_24 = tpu.memref_slice %arg2[%dma_wait3A, %dma_wait3A_23] : memref<131072x128xf32, #tpu.memory_space<hbm>> -> memref<131072x128xf32, #tpu.memory_space<hbm>>
        tpu.wait_indirect_dma semaphore(%arg24 : memref<!tpu.dma_semaphore, #tpu.memory_space<semaphore_mem>>) src(%dma_wait3A_24 : memref<131072x128xf32, #tpu.memory_space<hbm>>) dst(%arg14 : memref<128x128xf32, #tpu.memory_space<vmem>>)
        %parallel_loop3A_25 = arith.constant 0 : i32
        %parallel_loop3A_26 = arith.constant 8192 : i32
        %parallel_loop3A_27 = arith.constant 16 : i32
        scf.for %parallel_loop3A_44 = %parallel_loop3A_25 to %parallel_loop3A_26 step %parallel_loop3A_27  : i32 {
          %parallel_loop3A_45 = arith.constant 7 : i32
          %parallel_loop3A_46 = arith.shrsi %parallel_loop3A_44, %parallel_loop3A_45 : i32
          %parallel_loop3A_47 = arith.constant 127 : i32
          %parallel_loop3A_48 = arith.andi %parallel_loop3A_44, %parallel_loop3A_47 : i32
          %parallel_loop3A_49 = vector.broadcast %parallel_loop3A_48 : i32 to vector<16xi32>
          %parallel_loop3A_50 = arith.addi %iota3A, %parallel_loop3A_49 : vector<16xi32>
          %parallel_loop3A_51 = arith.constant 0 : i32
          %parallel_loop3A_52 = vector.broadcast %parallel_loop3A_51 : i32 to vector<16xi32>
          %parallel_loop3A_53 = vector.broadcast %parallel_loop3A_46 : i32 to vector<16xi32>
          %parallel_loop3A_54 = arith.addi %parallel_loop3A_52, %parallel_loop3A_53 : vector<16xi32>
          %parallel_loop3A_55 = tpu.vector_load_idx %arg14[%parallel_loop3A_50, %parallel_loop3A_54] : memref<128x128xf32, #tpu.memory_space<vmem>>[vector<16xi32>, vector<16xi32>], vector<16xf32>,
          %parallel_loop3A_56 = arith.index_cast %parallel_loop3A_46 : i32 to index
          %parallel_loop3A_57 = arith.index_cast %parallel_loop3A_48 : i32 to index
          %parallel_loop3A_58 = tpu.vector_load %arg18[%parallel_loop3A_56, %parallel_loop3A_57] {strides = array<i32>} : memref<64x128xf32, #tpu.memory_space<vmem>>, vector<16xf32>,
          tpu.vector_store %arg18[%parallel_loop3A_56, %parallel_loop3A_57], %parallel_loop3A_55 {strides = array<i32>} : memref<64x128xf32, #tpu.memory_space<vmem>>, vector<16xf32>,
        } {sc.loop_unroll_factor = 8 : i64, sc.parallel_access}
        %dma_start3A_28 = arith.constant 0 : i32
        %dma_start3A_29 = arith.constant 0 : i32
        %dma_start3A_30 = tpu.memref_slice %arg5[%scan3A_12, %dma_start3A_28, %dma_start3A_29] : memref<4x64x128xf32, #tpu.memory_space<hbm>> -> memref<1x64x128xf32, #tpu.memory_space<hbm>>
        %dma_start3A_31 = tpu.memref_squeeze %dma_start3A_30 : memref<1x64x128xf32, #tpu.memory_space<hbm>> -> memref<64x128xf32, #tpu.memory_space<hbm>>
        %dma_start3A_32 = arith.constant 0 : i32
        %dma_start3A_33 = arith.constant 0 : i32
        %dma_start3A_34 = tpu.memref_slice %arg5[%scan3A_12, %dma_start3A_32, %dma_start3A_33] : memref<4x64x128xf32, #tpu.memory_space<hbm>> -> memref<1x64x128xf32, #tpu.memory_space<hbm>>
        %dma_start3A_35 = tpu.memref_squeeze %dma_start3A_34 : memref<1x64x128xf32, #tpu.memory_space<hbm>> -> memref<64x128xf32, #tpu.memory_space<hbm>>
        tpu.enqueue_dma source(%arg18 : memref<64x128xf32, #tpu.memory_space<vmem>>) target(%dma_start3A_35 : memref<64x128xf32, #tpu.memory_space<hbm>>) target_semaphore(%arg28 : memref<!tpu.dma_semaphore, #tpu.memory_space<semaphore_mem>>)
        %dma_wait3A_36 = arith.constant 0 : i32
        %dma_wait3A_37 = arith.constant 0 : i32
        %dma_wait3A_38 = tpu.memref_slice %arg5[%scan3A_12, %dma_wait3A_36, %dma_wait3A_37] : memref<4x64x128xf32, #tpu.memory_space<hbm>> -> memref<1x64x128xf32, #tpu.memory_space<hbm>>
        %dma_wait3A_39 = tpu.memref_squeeze %dma_wait3A_38 : memref<1x64x128xf32, #tpu.memory_space<hbm>> -> memref<64x128xf32, #tpu.memory_space<hbm>>
        %dma_wait3A_40 = arith.constant 0 : i32
        %dma_wait3A_41 = arith.constant 0 : i32
        %dma_wait3A_42 = tpu.memref_slice %arg5[%scan3A_12, %dma_wait3A_40, %dma_wait3A_41] : memref<4x64x128xf32, #tpu.memory_space<hbm>> -> memref<1x64x128xf32, #tpu.memory_space<hbm>>
        %dma_wait3A_43 = tpu.memref_squeeze %dma_wait3A_42 : memref<1x64x128xf32, #tpu.memory_space<hbm>> -> memref<64x128xf32, #tpu.memory_space<hbm>>
        tpu.wait_dma2 semaphore(%arg28 : memref<!tpu.dma_semaphore, #tpu.memory_space<semaphore_mem>>) src(%arg18 : memref<64x128xf32, #tpu.memory_space<vmem>>) dst(%dma_wait3A_43 : memref<64x128xf32, #tpu.memory_space<hbm>>)
      } else {
      }
    }
    %scan3A_11 = arith.constant 4 : i32
    return
  }
}

#map = affine_map<(d0, d1) -> (0)>
module attributes {stable_mosaic.version = 14 : i64} {
  func.func @_lin_index_kernel(%arg0: i32, %arg1: i32, %arg2: memref<600000xf32, #tpu.memory_space<hbm>>, %arg3: memref<200000xi32, #tpu.memory_space<hbm>>, %arg4: memref<18768xf32, #tpu.memory_space<vmem>>, %arg5: memref<6256xi32, #tpu.memory_space<vmem>>) attributes {dimension_semantics = [#tpu.dimension_semantics<core_parallel>, #tpu.dimension_semantics<subcore_parallel>], iteration_bounds = array<i64: 2, 16>, scalar_prefetch = 0 : i64, scratch_operands = 2 : i64, tpu.core_type = #tpu.core_type<sc_vector_subcore>, window_params = [{transform_indices = #map}, {transform_indices = #map}]} {
    %mul3A = arith.constant 2 : i32
    %mul3A_0 = arith.muli %arg1, %mul3A : i32
    %add3A = arith.addi %mul3A_0, %arg0 : i32
    %eq3A = arith.constant 31 : i32
    %eq3A_1 = arith.cmpi eq, %add3A, %eq3A : i32
    %mul3A_2 = arith.constant 6256 : i32
    %mul3A_3 = arith.muli %add3A, %mul3A_2 : i32
    %jit3A = arith.constant 193744 : i32
    %select_n3A = arith.select %eq3A_1, %jit3A, %mul3A_3 : i32
    %add3A_4 = arith.constant 0 : i32
    %add3A_5 = arith.addi %add3A_4, %select_n3A : i32
    "tpu.region"() ({
      %run_scoped3A = tpu.sem_alloc : memref<!tpu.dma_semaphore, #tpu.memory_space<semaphore_mem>>
      %dma_start3A = arith.constant 0 : i32
      %dma_start3A_12 = tpu.memref_slice %arg4[%dma_start3A] : memref<18768xf32, #tpu.memory_space<vmem>> -> memref<6256xf32, #tpu.memory_space<vmem>>
      %dma_start3A_13 = tpu.memref_slice %arg2[%add3A_5] : memref<600000xf32, #tpu.memory_space<hbm>> -> memref<6256xf32, #tpu.memory_space<hbm>>
      %dma_start3A_14 = arith.constant 0 : i32
      %dma_start3A_15 = tpu.memref_slice %arg4[%dma_start3A_14] : memref<18768xf32, #tpu.memory_space<vmem>> -> memref<6256xf32, #tpu.memory_space<vmem>>
      %dma_start3A_16 = tpu.memref_slice %arg2[%add3A_5] : memref<600000xf32, #tpu.memory_space<hbm>> -> memref<6256xf32, #tpu.memory_space<hbm>>
      tpu.enqueue_dma source(%dma_start3A_16 : memref<6256xf32, #tpu.memory_space<hbm>>) target(%dma_start3A_15 : memref<6256xf32, #tpu.memory_space<vmem>>) target_semaphore(%run_scoped3A : memref<!tpu.dma_semaphore, #tpu.memory_space<semaphore_mem>>)
      %dma_wait3A = arith.constant 0 : i32
      %dma_wait3A_17 = tpu.memref_slice %arg4[%dma_wait3A] : memref<18768xf32, #tpu.memory_space<vmem>> -> memref<6256xf32, #tpu.memory_space<vmem>>
      %dma_wait3A_18 = tpu.memref_slice %arg2[%add3A_5] : memref<600000xf32, #tpu.memory_space<hbm>> -> memref<6256xf32, #tpu.memory_space<hbm>>
      %dma_wait3A_19 = arith.constant 0 : i32
      %dma_wait3A_20 = tpu.memref_slice %arg4[%dma_wait3A_19] : memref<18768xf32, #tpu.memory_space<vmem>> -> memref<6256xf32, #tpu.memory_space<vmem>>
      %dma_wait3A_21 = tpu.memref_slice %arg2[%add3A_5] : memref<600000xf32, #tpu.memory_space<hbm>> -> memref<6256xf32, #tpu.memory_space<hbm>>
      tpu.wait_dma2 semaphore(%run_scoped3A : memref<!tpu.dma_semaphore, #tpu.memory_space<semaphore_mem>>) src(%dma_wait3A_21 : memref<6256xf32, #tpu.memory_space<hbm>>) dst(%dma_wait3A_20 : memref<6256xf32, #tpu.memory_space<vmem>>)
      tpu.yield
    }) : () -> ()
    %add3A_6 = arith.constant 200000 : i32
    %add3A_7 = arith.addi %add3A_6, %select_n3A : i32
    "tpu.region"() ({
      %run_scoped3A = tpu.sem_alloc : memref<!tpu.dma_semaphore, #tpu.memory_space<semaphore_mem>>
      %dma_start3A = arith.constant 6256 : i32
      %dma_start3A_12 = tpu.memref_slice %arg4[%dma_start3A] : memref<18768xf32, #tpu.memory_space<vmem>> -> memref<6256xf32, #tpu.memory_space<vmem>>
      %dma_start3A_13 = tpu.memref_slice %arg2[%add3A_7] : memref<600000xf32, #tpu.memory_space<hbm>> -> memref<6256xf32, #tpu.memory_space<hbm>>
      %dma_start3A_14 = arith.constant 6256 : i32
      %dma_start3A_15 = tpu.memref_slice %arg4[%dma_start3A_14] : memref<18768xf32, #tpu.memory_space<vmem>> -> memref<6256xf32, #tpu.memory_space<vmem>>
      %dma_start3A_16 = tpu.memref_slice %arg2[%add3A_7] : memref<600000xf32, #tpu.memory_space<hbm>> -> memref<6256xf32, #tpu.memory_space<hbm>>
      tpu.enqueue_dma source(%dma_start3A_16 : memref<6256xf32, #tpu.memory_space<hbm>>) target(%dma_start3A_15 : memref<6256xf32, #tpu.memory_space<vmem>>) target_semaphore(%run_scoped3A : memref<!tpu.dma_semaphore, #tpu.memory_space<semaphore_mem>>)
      %dma_wait3A = arith.constant 6256 : i32
      %dma_wait3A_17 = tpu.memref_slice %arg4[%dma_wait3A] : memref<18768xf32, #tpu.memory_space<vmem>> -> memref<6256xf32, #tpu.memory_space<vmem>>
      %dma_wait3A_18 = tpu.memref_slice %arg2[%add3A_7] : memref<600000xf32, #tpu.memory_space<hbm>> -> memref<6256xf32, #tpu.memory_space<hbm>>
      %dma_wait3A_19 = arith.constant 6256 : i32
      %dma_wait3A_20 = tpu.memref_slice %arg4[%dma_wait3A_19] : memref<18768xf32, #tpu.memory_space<vmem>> -> memref<6256xf32, #tpu.memory_space<vmem>>
      %dma_wait3A_21 = tpu.memref_slice %arg2[%add3A_7] : memref<600000xf32, #tpu.memory_space<hbm>> -> memref<6256xf32, #tpu.memory_space<hbm>>
      tpu.wait_dma2 semaphore(%run_scoped3A : memref<!tpu.dma_semaphore, #tpu.memory_space<semaphore_mem>>) src(%dma_wait3A_21 : memref<6256xf32, #tpu.memory_space<hbm>>) dst(%dma_wait3A_20 : memref<6256xf32, #tpu.memory_space<vmem>>)
      tpu.yield
    }) : () -> ()
    %add3A_8 = arith.constant 400000 : i32
    %add3A_9 = arith.addi %add3A_8, %select_n3A : i32
    "tpu.region"() ({
      %run_scoped3A = tpu.sem_alloc : memref<!tpu.dma_semaphore, #tpu.memory_space<semaphore_mem>>
      %dma_start3A = arith.constant 12512 : i32
      %dma_start3A_12 = tpu.memref_slice %arg4[%dma_start3A] : memref<18768xf32, #tpu.memory_space<vmem>> -> memref<6256xf32, #tpu.memory_space<vmem>>
      %dma_start3A_13 = tpu.memref_slice %arg2[%add3A_9] : memref<600000xf32, #tpu.memory_space<hbm>> -> memref<6256xf32, #tpu.memory_space<hbm>>
      %dma_start3A_14 = arith.constant 12512 : i32
      %dma_start3A_15 = tpu.memref_slice %arg4[%dma_start3A_14] : memref<18768xf32, #tpu.memory_space<vmem>> -> memref<6256xf32, #tpu.memory_space<vmem>>
      %dma_start3A_16 = tpu.memref_slice %arg2[%add3A_9] : memref<600000xf32, #tpu.memory_space<hbm>> -> memref<6256xf32, #tpu.memory_space<hbm>>
      tpu.enqueue_dma source(%dma_start3A_16 : memref<6256xf32, #tpu.memory_space<hbm>>) target(%dma_start3A_15 : memref<6256xf32, #tpu.memory_space<vmem>>) target_semaphore(%run_scoped3A : memref<!tpu.dma_semaphore, #tpu.memory_space<semaphore_mem>>)
      %dma_wait3A = arith.constant 12512 : i32
      %dma_wait3A_17 = tpu.memref_slice %arg4[%dma_wait3A] : memref<18768xf32, #tpu.memory_space<vmem>> -> memref<6256xf32, #tpu.memory_space<vmem>>
      %dma_wait3A_18 = tpu.memref_slice %arg2[%add3A_9] : memref<600000xf32, #tpu.memory_space<hbm>> -> memref<6256xf32, #tpu.memory_space<hbm>>
      %dma_wait3A_19 = arith.constant 12512 : i32
      %dma_wait3A_20 = tpu.memref_slice %arg4[%dma_wait3A_19] : memref<18768xf32, #tpu.memory_space<vmem>> -> memref<6256xf32, #tpu.memory_space<vmem>>
      %dma_wait3A_21 = tpu.memref_slice %arg2[%add3A_9] : memref<600000xf32, #tpu.memory_space<hbm>> -> memref<6256xf32, #tpu.memory_space<hbm>>
      tpu.wait_dma2 semaphore(%run_scoped3A : memref<!tpu.dma_semaphore, #tpu.memory_space<semaphore_mem>>) src(%dma_wait3A_21 : memref<6256xf32, #tpu.memory_space<hbm>>) dst(%dma_wait3A_20 : memref<6256xf32, #tpu.memory_space<vmem>>)
      tpu.yield
    }) : () -> ()
    %parallel_loop3A = arith.constant 0 : i32
    %parallel_loop3A_10 = arith.constant 6256 : i32
    %parallel_loop3A_11 = arith.constant 16 : i32
    scf.for %parallel_loop3A_12 = %parallel_loop3A to %parallel_loop3A_10 step %parallel_loop3A_11  : i32 {
      %parallel_loop3A_13 = arith.index_cast %parallel_loop3A_12 : i32 to index
      %parallel_loop3A_14 = tpu.vector_load %arg4[%parallel_loop3A_13] {strides = array<i32>} : memref<18768xf32, #tpu.memory_space<vmem>>, vector<16xf32>,
      %parallel_loop3A_15 = arith.fptosi %parallel_loop3A_14 : vector<16xf32> to vector<16xi32>
      %parallel_loop3A_16 = arith.constant 6256 : i32
      %parallel_loop3A_17 = arith.addi %parallel_loop3A_16, %parallel_loop3A_12 : i32
      %parallel_loop3A_18 = arith.index_cast %parallel_loop3A_17 : i32 to index
      %parallel_loop3A_19 = tpu.vector_load %arg4[%parallel_loop3A_18] {strides = array<i32>} : memref<18768xf32, #tpu.memory_space<vmem>>, vector<16xf32>,
      %parallel_loop3A_20 = arith.fptosi %parallel_loop3A_19 : vector<16xf32> to vector<16xi32>
      %parallel_loop3A_21 = arith.constant 12512 : i32
      %parallel_loop3A_22 = arith.addi %parallel_loop3A_21, %parallel_loop3A_12 : i32
      %parallel_loop3A_23 = arith.index_cast %parallel_loop3A_22 : i32 to index
      %parallel_loop3A_24 = tpu.vector_load %arg4[%parallel_loop3A_23] {strides = array<i32>} : memref<18768xf32, #tpu.memory_space<vmem>>, vector<16xf32>,
      %parallel_loop3A_25 = arith.fptosi %parallel_loop3A_24 : vector<16xf32> to vector<16xi32>
      %parallel_loop3A_26 = arith.constant 32 : i32
      %parallel_loop3A_27 = vector.broadcast %parallel_loop3A_26 : i32 to vector<16xi32>
      %parallel_loop3A_28 = arith.muli %parallel_loop3A_15, %parallel_loop3A_27 : vector<16xi32>
      %parallel_loop3A_29 = arith.addi %parallel_loop3A_28, %parallel_loop3A_20 : vector<16xi32>
      %parallel_loop3A_30 = arith.constant 32 : i32
      %parallel_loop3A_31 = vector.broadcast %parallel_loop3A_30 : i32 to vector<16xi32>
      %parallel_loop3A_32 = arith.muli %parallel_loop3A_29, %parallel_loop3A_31 : vector<16xi32>
      %parallel_loop3A_33 = arith.addi %parallel_loop3A_32, %parallel_loop3A_25 : vector<16xi32>
      %parallel_loop3A_34 = arith.index_cast %parallel_loop3A_12 : i32 to index
      %parallel_loop3A_35 = tpu.vector_load %arg5[%parallel_loop3A_34] {strides = array<i32>} : memref<6256xi32, #tpu.memory_space<vmem>>, vector<16xi32>,
      tpu.vector_store %arg5[%parallel_loop3A_34], %parallel_loop3A_33 {strides = array<i32>} : memref<6256xi32, #tpu.memory_space<vmem>>, vector<16xi32>,
    } {sc.loop_unroll_factor = 4 : i64, sc.parallel_access}
    "tpu.region"() ({
      %run_scoped3A = tpu.sem_alloc : memref<!tpu.dma_semaphore, #tpu.memory_space<semaphore_mem>>
      %dma_start3A = tpu.memref_slice %arg3[%select_n3A] : memref<200000xi32, #tpu.memory_space<hbm>> -> memref<6256xi32, #tpu.memory_space<hbm>>
      %dma_start3A_12 = tpu.memref_slice %arg3[%select_n3A] : memref<200000xi32, #tpu.memory_space<hbm>> -> memref<6256xi32, #tpu.memory_space<hbm>>
      tpu.enqueue_dma source(%arg5 : memref<6256xi32, #tpu.memory_space<vmem>>) target(%dma_start3A_12 : memref<6256xi32, #tpu.memory_space<hbm>>) target_semaphore(%run_scoped3A : memref<!tpu.dma_semaphore, #tpu.memory_space<semaphore_mem>>)
      %dma_wait3A = tpu.memref_slice %arg3[%select_n3A] : memref<200000xi32, #tpu.memory_space<hbm>> -> memref<6256xi32, #tpu.memory_space<hbm>>
      %dma_wait3A_13 = tpu.memref_slice %arg3[%select_n3A] : memref<200000xi32, #tpu.memory_space<hbm>> -> memref<6256xi32, #tpu.memory_space<hbm>>
      tpu.wait_dma2 semaphore(%run_scoped3A : memref<!tpu.dma_semaphore, #tpu.memory_space<semaphore_mem>>) src(%arg5 : memref<6256xi32, #tpu.memory_space<vmem>>) dst(%dma_wait3A_13 : memref<6256xi32, #tpu.memory_space<hbm>>)
      tpu.yield
    }) : () -> ()
    return
  }
}

</mosaic_0001>

<sc_bundles>
// kernel: kernel.4.cloned.1.call-start
scs
__scs_entry_jumppad:
0x0: {  	(pc) =	sbr.rel $0x88, $3  }
0x1: {  	(tag) =	ssettag $0x0;
	lr =	simm.s32 $0x1  }
0x2: {  	[smem:$0x3F9F] =	sst lr;
	_ =	strace $0xD0000000  }
0x3: {  	_ = 	snop  }
0x4: {  	_ = 	snop  }
0x5: {  	_ = 	snop  }
0x6: {  	_ = 	snop  }
0x7: {  	_ = 	snop  }
__scs_overlays_trampoline_lowered:
0x8: {  	[smem:$0x3FAE] =	sst s0  }
0x9: {  	[smem:$0x3FAF] =	sst s1  }
0xa: {  	[smem:$0x3FB0] =	sst s2  }
0xb: {  	[smem:$0x3FB1] =	sst s3  }
0xc: {  	[smem:$0x3FB2] =	sst s4  }
0xd: {  	[smem:$0x3FB3] =	sst s5  }
0xe: {  	[smem:$0x3FB4] =	sst s6  }
0xf: {  	[smem:$0x3FB5] =	sst s7  }
0x10: {  	[smem:$0x3FB6] =	sst s8  }
0x11: {  	[smem:$0x3FB7] =	sst s9;
	s0 =	simm.s32 @!p0 $0x0  }
0x12: {  	s1 =	sld [smem:$0x3F9D];
	s0 =	simm.s32 @p0 $0x1  }
0x13: {  	[smem:$0x3FB8] =	sst s0;
	s0 =	simm.s32 @!p1 $0x0  }
0x14: {  	s2 =	sld [smem:$0x3F9C];
	s0 =	simm.s32 @p1 $0x1  }
0x15: {  	[smem:$0x3FB9] =	sst s0;
	s0 =	simm.s32 @!p2 $0x0  }
0x16: {  	s3 =	sld [smem:$0x3FDB];
	s0 =	simm.s32 @p2 $0x1  }
0x17: {  	s4 =	simm.s32 $0x1BF5;
	[smem:$0x3FBB] =	sst s0  }
0x18: {  	s0 =	sld [smem:$0x3F9E];
	_ =	swait.ge [sflag:s4], $0x0  }
0x19: {  	s7 =	sld [smem:$0x3F9F]  }
0x1a: {  	s8 =	sadd.s32 $0xFFFFE003, lr  }
0x1b: {  	s9 =	sadd.s32 $0xFFFFFEF7, lr;
	s5 =	simm.s32 $0xFFFFFFFF;
	p2 =	slt.u32 s8, $0xFFFFF086  }
0x1c: {  	p1 =	slt.u32 s9, $0xF7A;
	s5 =	simm.s32 @!p2 $0x0  }
0x1d: {  	s5 =	simm.s32 @p1 $0x1;
	p0 =	seq.s32 s7, s2  }
0x1e: {  	s7 =	smul.u32 @!p0 $0xF7A, s2;
	p2 =	seq.s32 @!p0 s5, $0x0  }
0x1f: {  	s9 =	smul.u32 $0xF7A, s1;
	s8 =	simm.s32 @!p0 $0x1BF5;
	p2 =	por !p2, p0  }
0x20: {  	[sflag:s8] =	ssyncset.s32 @!p0 $0xFFFFF086;
	s6 =	sadd.s32 @!p0 s3, s7;
	s7 =	simm.s32 @!p0 $0x108  }
0x21: {  	s3 =	sadd.s32 s3, s9;
	s6 =	sadd.s32 @!p0 $0x88, s6;
	s7 =	simm.s32 @p2 $0x1082  }
0x22: {  	[simem:s7], [sflag:s8] =	dma.local @!p0 [hbm:s6], $0xF7A  }
0x23: {  	s9 =	sor.u32 $0xD0000000, s2;
	s6 =	simm.s32 $0x108;
	_ =	swait.ge @!p0 [sflag:s8], $0x0  }
0x24: {  	s3 =	sadd.s32 $0x88, s3;
	s6 =	simm.s32 @!p1 $0x1082;
	[sflag:s4] =	ssyncset.s32 $0xFFFFF086  }
0x25: {  	[simem:s6], [sflag:s4] =	dma.local [hbm:s3], $0xF7A  }
0x26: {  	[smem:$0x3F9F] =	sst s1;
	(tag) =	ssettag s2;
	_ =	strace s9  }
0x27: {  	s1 =	sld [smem:$0x3FAF]  }
0x28: {  	s2 =	sld [smem:$0x3FB0]  }
0x29: {  	s4 =	sld [smem:$0x3FB2]  }
0x2a: {  	p0 =	seq.s32 s5, $0x0;
	s5 =	sld [smem:$0x3FB3]  }
0x2b: {  	s6 =	sld [smem:$0x3FB4]  }
0x2c: {  	s7 =	sld [smem:$0x3FB5]  }
0x2d: {  	s3 =	simm.s32 $0x108;
	s8 =	sld [smem:$0x3FB6]  }
0x2e: {  	s3 =	simm.s32 @!p0 $0x1082;
	s9 =	sld [smem:$0x3FB7]  }
0x2f: {  	lr =	sadd.s32 s0, s3;
	s0 =	sld [smem:$0x3FAE]  }
0x30: {  	s3 =	sld [smem:$0x3FB1]  }
0x31: {  	[smem:$0x3FBA] =	sst s10  }
0x32: {  	s10 =	sld [smem:$0x3FB8];
	_ =	sdelay $0x3  }
0x33: {  	p0 =	seq.s32 s10, $0x1;
	s10 =	sld [smem:$0x3FBA];
	_ =	sdelay $0x3  }
0x34: {  	[smem:$0x3FBA] =	sst s10  }
0x35: {  	s10 =	sld [smem:$0x3FB9];
	_ =	sdelay $0x3  }
0x36: {  	p1 =	seq.s32 s10, $0x1;
	s10 =	sld [smem:$0x3FBA];
	_ =	sdelay $0x3  }
0x37: {  	[smem:$0x3FBA] =	sst s10  }
0x38: {  	s10 =	sld [smem:$0x3FBB]  }
0x39: {  	_ = 	snop;
	(pc) =	sbr.ind lr, $3  }
0x3a: {  	_ = 	snop  }
0x3b: {  	_ = 	snop  }
0x3c: {  	p2 =	seq.s32 s10, $0x1;
	s10 =	sld [smem:$0x3FBA]  }
0x3d: {  	_ =	shalt  }
0x3e: {  	_ =	shalt  }
0x3f: {  	_ =	shalt  }
0x40: {  	_ =	shalt  }
0x41: {  	_ =	shalt  }
0x42: {  	_ =	shalt  }
0x43: {  	_ =	shalt  }
0x44: {  	_ =	shalt  }
0x45: {  	_ =	shalt  }
0x46: {  	_ =	shalt  }
0x47: {  	_ =	shalt  }
0x48: {  	_ =	shalt  }
0x49: {  	_ =	shalt  }
0x4a: {  	_ =	shalt  }
0x4b: {  	_ =	shalt  }
0x4c: {  	_ =	shalt  }
0x4d: {  	_ =	shalt  }
0x4e: {  	_ =	shalt  }
0x4f: {  	_ =	shalt  }
0x50: {  	_ =	shalt  }
0x51: {  	_ =	shalt  }
0x52: {  	_ =	shalt  }
0x53: {  	_ =	shalt  }
0x54: {  	_ =	shalt  }
0x55: {  	_ =	shalt  }
0x56: {  	_ =	shalt  }
0x57: {  	_ =	shalt  }
0x58: {  	_ =	shalt  }
0x59: {  	_ =	shalt  }
0x5a: {  	_ =	shalt  }
0x5b: {  	_ =	shalt  }
0x5c: {  	_ =	shalt  }
0x5d: {  	_ =	shalt  }
0x5e: {  	_ =	shalt  }
0x5f: {  	_ =	shalt  }
0x60: {  	_ =	shalt  }
0x61: {  	_ =	shalt  }
0x62: {  	_ =	shalt  }
0x63: {  	_ =	shalt  }
0x64: {  	_ =	shalt  }
0x65: {  	_ =	shalt  }
0x66: {  	_ =	shalt  }
0x67: {  	_ =	shalt  }
0x68: {  	_ =	shalt  }
0x69: {  	_ =	shalt  }
0x6a: {  	_ =	shalt  }
0x6b: {  	_ =	shalt  }
0x6c: {  	_ =	shalt  }
0x6d: {  	_ =	shalt  }
0x6e: {  	_ =	shalt  }
0x6f: {  	_ =	shalt  }
0x70: {  	_ =	shalt  }
0x71: {  	_ =	shalt  }
0x72: {  	_ =	shalt  }
0x73: {  	_ =	shalt  }
0x74: {  	_ =	shalt  }
0x75: {  	_ =	shalt  }
0x76: {  	_ =	shalt  }
0x77: {  	_ =	shalt  }
0x78: {  	_ =	shalt  }
0x79: {  	_ =	shalt  }
0x7a: {  	_ =	shalt  }
0x7b: {  	_ =	shalt  }
0x7c: {  	_ =	shalt  }
0x7d: {  	_ =	shalt  }
0x7e: {  	_ =	shalt  }
0x7f: {  	_ =	shalt  }
0x80: {  	_ =	shalt  }
0x81: {  	_ =	shalt  }
0x82: {  	_ =	shalt  }
0x83: {  	_ =	shalt  }
0x84: {  	_ =	shalt  }
0x85: {  	_ =	shalt  }
0x86: {  	_ =	shalt  }
0x87: {  	_ =	shalt  }
.Lfunc_end0:
.L_simem_size_0:
called_computation_lowered:
.L_overlay_start_0:
0x88: {  	s2 =	sld [smem:$0x3FD9]  }
0x89: {  	s3 =	sld [smem:$0x3FFE];
	_ =	sdelay $0x1  }
0x8a: {  	s1 =	srdreg.scid  }
0x8b: {  	s0 =	sand.u32 $0x1, s1  }
0x8c: {  	s17 =	sshll.u32 s0, $0xA;
	s2 =	sadd.s32 s3, s2  }
0x8d: {  	s2 =	sadd.s32 s2, s17  }
0x8e: {  	[smem:$0x3FC6] =	sst s2  }
0x8f: {  	_ = 	snop  }
0x90: {  	s2 =	sld [smem:$0x3FD0];
	(tm) =	ssettm $0x1  }
0x91: {  	s18 =	sld [smem:$0x3FFB];
	_ =	sdelay $0x3  }
0x92: {  	_ =	strace s18  }
0x93: {  	s3 =	sld [smem:$0x3FFC];
	_ =	sdelay $0x3  }
0x94: {  	_ =	strace s3  }
0x95: {  	s3 =	sld [smem:$0x3FFD];
	_ =	sdelay $0x3  }
0x96: {  	_ =	strace s3  }
0x97: {  	_ =	strace $0x8FFFFFFF  }
0x98: {  	s19 =	sld [smem:$0x3FDB];
	_ =	sdelay $0x1  }
0x99: {  	s4 =	simm.s32 $_scs_section_size  }
0x9a: {  	s5 =	simm.s32 $_size__tile_overlayer_lowered;
	s6 =	simm.s32 $_tile_overlayer_lowered  }
0x9b: {  	s22 =	simm.s32 $0x1BFF;
	s21 =	sshll.u32 s6, $0x1;
	s3 =	sadd.s32 s4, s19  }
0x9c: {  	s7 =	simm.s32 $0x0;
	s20 =	sshll.u32 s5, $0x1;
	s5 =	sadd.s32 s21, s3  }
0x9d: {  	[timem:s7], [sflag:s22] =	dma.local [hbm:s5], s20  }
0x9e: {  	_ =	swait.ge [sflag:s22], s20  }
0x9f: {  	s4 =	ssub.s32 $0x0, s20;
	[sflag:s22] =	ssyncset.done $0x0  }
0xa0: {  	[sflag:s22] =	ssyncadd.s32 s4;
	_ =	sdelay $0x1  }
0xa1: {  	s23 =	simm.s32 $0x1B8B  }
0xa2: {  	_ =	swait.ge [sflag:s23], $0x1  }
0xa3: {  	[sflag:s23] =	ssyncset.done $0x0  }
0xa4: {  	s25 =	simm.s32 $0x1B8E;
	s24 =	sld [smem:$0x3FFE];
	[sflag:s23] =	ssyncadd.s32 $0xFFFFFFFF  }
0xa5: {  	s26 =	simm.s32 $execute0_lowered;
	[smem:$0x3FD2] =	sst s25  }
0xa6: {  	s5 =	sshll.u32 s26, $0x1;
	_ =	strace $0x80000046;
	[dreg:$0x1] =	wrdreg $0xFFFFFFFF  }
0xa7: {  	s28 =	simm.s32 $_size_execute0_lowered;
	s3 =	sadd.s32 s3, s5;
	[dreg:$0x0] =	wrdreg $0x0  }
0xa8: {  	s5 =	sshll.u32 s28, $0x1;
	[dreg:$0x2] =	wrdreg s3  }
0xa9: {  	[dreg:$0x3] =	wrdreg s5  }
0xaa: {  	[dreg:$0x4] =	wrdreg $0xC0  }
0xab: {  	_ =	task [dreg:s7], $0x5FFFF  }
0xac: {  	[dreg:$0x1] =	wrdreg $0xFFFFFFFF  }
0xad: {  	[dreg:$0x0] =	wrdreg $0x60  }
0xae: {  	[dreg:$0x2] =	wrdreg s2  }
0xaf: {  	[dreg:$0x3] =	wrdreg s24  }
0xb0: {  	[dreg:$0x4] =	wrdreg $0x9  }
0xb1: {  	_ =	task.clear_ibuf [dreg:s7], $0x5FFFF;
	_ =	strace $0x90000046  }
0xb2: {  	s29 =	simm.s32 $0x9;
	_ =	strace $0x80000048  }
0xb3: {  	_ =	swait.ge [sflag:s29], $0x1  }
0xb4: {  	[sflag:s29] =	ssyncadd.s32 $0xFFFFFFFF  }
0xb5: {  	_ =	strace $0x90000048  }
0xb6: {  	_ =	sfence  }
0xb7: {  	s30 =	sld [smem:$0x0];
	_ =	sdelay $0x2  }
0xb8: {  	s31 =	sshll.u32 s1, $0xD;
	s1 =	sshrl.u32 s1, $0x2  }
0xb9: {  	s3 =	sand.u32 $0x4000, s31;
	s1 =	sadd.s32 s1, s30  }
0xba: {  	s0 =	sor.u32 s3, s0;
	s1 =	sshll.u32 s1, $0x11  }
0xbb: {  	s0 =	sor.u32 s1, s0  }
0xbc: {  	s0 =	sadd.s32 $0x8F2B, s0  }
0xbd: {  	[sflag:s0] =	ssyncadd.remote.s32 $0x1  }
0xbe: {  	_ =	sfence.sel $0xFFFF  }
0xbf: {  	[dreg:$0x0] =	wrdreg $0xFFFFFFFF;
	(pc) =	sbr.abs _section_cstart, $3  }
0xc0: {  	[dreg:$0x1] =	wrdreg $0xFFFFFFFF  }
0xc1: {  	_ =	task.clear_ibuf [dreg:s7], $0x2FFFF;
	_ =	strace $0x9FFFFFFF  }
0xc2: {  	(tm) =	ssettm $0x7FFFFFFF  }
0xc3: {  	_ =	shalt  }
tec
execute0_lowered:
.L_overlay_start_1:
0x0: {  	(tag) =	ssettag $0x1  }
0x1: {  	s1 =	srdreg.scid;
	s4 =	rddreg [dreg:$0x0]  }
0x2: {  	s0 =	stileid.u32;
	s6 =	rddreg [dreg:$0x1];
	s2 =	simm.s32 $0x0  }
0x3: {  	s8 =	simm.s32 $0x1;
	s3 =	sand.u32 $0x1, s1;
	s29 =	sshll.u32 s0, $0x1  }
0x4: {  	s9 =	simm.s32 $0x1870;
	s10 =	simm.s32 $0x30E0;
	s5 =	sor.u32 s3, s29  }
0x5: {  	s11 =	simm.s32 $0x4980;
	s12 =	simm.s32 $0x0;
	s7 =	smul.u32 $0x1870, s5  }
0x6: {  	s1 =	rddreg [dreg:$0x2];
	s3 =	ssub.s32 $0x2, s3;
	p0 =	seq.s32 s5, $0x1F  }
0x7: {  	[smem:$0x7FF] =	sst s2;
	s31 =	sshrl.u32 s3, $0x1;
	s7 =	simm.s32 @p0 $0x2F4D0  }
0x8: {  	_ =	strace $0x80000047;
	s30 =	sshrl.u32 s7, $0x3;
	s7 =	ssub.s32 s3, s31  }
0x9: {  	s6 =	sadd.s32 s30, s6;
	s3 =	sadd.s32 s4, s30;
	s7 =	smax.u32 s7, $0x1  }
0xa: {  	s4 =	sadd.s32 $0x61A8, s3;
	s5 =	sadd.s32 $0xC350, s3;
	s6 =	sadd.s32 $0xC00, s6  }
.LBB2_1:
0xb: {  	[tilespmem:s2], [sflag:$0x1] =	stream.linear.gather [hbm4b:s3+s2], $0x1870, $0x38;
	[tilespmem:$0x6200] =	vst v63  }
0xc: {  	_ =	swait.ge [sflag:s8], $0x1870  }
0xd: {  	[sflag:s8] =	ssyncset.done $0x0  }
0xe: {  	[sflag:s8] =	ssyncadd.s32 $0xFFFFE790  }
0xf: {  	[tilespmem:s9], [sflag:$0x1] =	stream.linear.gather [hbm4b:s4+s2], $0x1870, $0x38;
	[tilespmem:$0x6200] =	vst v63  }
0x10: {  	_ =	swait.ge [sflag:s8], $0x1870  }
0x11: {  	[sflag:s8] =	ssyncset.done $0x0  }
0x12: {  	[sflag:s8] =	ssyncadd.s32 $0xFFFFE790  }
0x13: {  	[tilespmem:s10], [sflag:$0x1] =	stream.linear.gather [hbm4b:s5+s2], $0x1870, $0x38;
	[tilespmem:$0x6200] =	vst v63  }
0x14: {  	_ =	swait.ge [sflag:s8], $0x1870  }
0x15: {  	[sflag:s8] =	ssyncset.done $0x0  }
0x16: {  	s17 =	simm.s32 $0x0;
	[sflag:s8] =	ssyncadd.s32 $0xFFFFE790  }
0x17: {  	s13 =	sand.u32 $0x1FC0, s17;
	v0 =	vld [tilespmem:s2+$0x10]  }
0x18: {  	v1 =	vld [tilespmem:s13+$0x1880]  }
0x19: {  	v2 =	vld [tilespmem:s2+$0x0]  }
0x1a: {  	v3 =	vld [tilespmem:s2+$0x30F0]  }
0x1b: {  	v4 =	vld [tilespmem:s2+$0x1870]  }
0x1c: {  	v5 =	vld [tilespmem:s2+$0x20]  }
0x1d: {  	v8 =	vld [tilespmem:s2+$0x30];
	v0 =	vtrunc.f32 v0;
	v1 =	vtrunc.f32 v1  }
0x1e: {  	v7 =	vld [tilespmem:s2+$0x1890];
	v0 =	vcvt.f32.s32 v0;
	v1 =	vcvt.f32.s32 v1  }
0x1f: {  	v6 =	vtrunc.f32 v2;
	v3 =	vtrunc.f32 v3;
	v2 =	vld [tilespmem:s2+$0x18A0]  }
0x20: {  	v3 =	vcvt.f32.s32 v3;
	v9 =	vshll.u32 v0, $0xA;
	v1 =	vshll.u32 v1, $0x5;
	v0 =	vld [tilespmem:s13+$0x3100]  }
0x21: {  	v10 =	vtrunc.f32 v4;
	v5 =	vtrunc.f32 v5;
	v4 =	vadd.s32 v9, v1;
	v1 =	vld [tilespmem:s2+$0x30E0]  }
0x22: {  	s16 =	simm.s32 $0x49A0;
	s14 =	simm.s32 $0x61C0;
	v8 =	vtrunc.f32 v8;
	v6 =	vcvt.f32.s32 v6;
	v9 =	vadd.s32 v3, v4;
	v3 =	vld [tilespmem:s2+$0x3110]  }
0x23: {  	s15 =	simm.s32 $0x4920;
	s18 =	simm.s32 $0x0;
	s13 =	simm.s32 $0x1830;
	v4 =	vtrunc.f32 v7;
	v7 =	vcvt.f32.s32 v10;
	[tilespmem:s16+$0xFFFFFFF0] =	vst v9  }
.LBB2_2:
0x24: {  	s17 =	sadd.s32 $0x40, s17;
	v6 =	vshll.u32 v6, $0xA;
	v5 =	vcvt.f32.s32 v5;
	v2 =	vtrunc.f32 v2;
	s18 =	sadd.s32 $0x40, s18  }
0x25: {  	v4 =	vcvt.f32.s32 v4;
	v8 =	vcvt.f32.s32 v8;
	v9 =	vld [tilespmem:s18+$0x10];
	s19 =	sand.u32 $0x1FC0, s17;
	p0 =	slt.u32 s17, $0x1800;
	v7 =	vshll.u32 v7, $0x5  }
0x26: {  	v0 =	vtrunc.f32 v0;
	v2 =	vcvt.f32.s32 v2;
	v10 =	vld [tilespmem:s19+$0x1880];
	v5 =	vshll.u32 v5, $0xA  }
0x27: {  	v1 =	vtrunc.f32 v1;
	v4 =	vshll.u32 v4, $0x5;
	v11 =	vld [tilespmem:s18+$0x0];
	v3 =	vtrunc.f32 v3  }
0x28: {  	v0 =	vcvt.f32.s32 v0;
	v8 =	vshll.u32 v8, $0xA;
	v2 =	vshll.u32 v2, $0x5;
	v12 =	vld [tilespmem:s18+$0x30F0]  }
0x29: {  	v6 =	vadd.s32 v6, v7;
	v1 =	vcvt.f32.s32 v1;
	v3 =	vcvt.f32.s32 v3;
	v13 =	vld [tilespmem:s18+$0x1870]  }
0x2a: {  	v4 =	vadd.s32 v5, v4;
	v5 =	vadd.s32 v8, v2;
	v7 =	vld [tilespmem:s18+$0x20]  }
0x2b: {  	v1 =	vadd.s32 v1, v6;
	v2 =	vtrunc.f32 v9;
	v8 =	vtrunc.f32 v10;
	v9 =	vld [tilespmem:s18+$0x1890]  }
0x2c: {  	v0 =	vadd.s32 v0, v4;
	v6 =	vcvt.f32.s32 v2;
	v8 =	vcvt.f32.s32 v8;
	v10 =	vld [tilespmem:s18+$0x30];
	[tilespmem:s16+$0xFFFFFFE0] =	vst v1  }
.Ltmp0:
0x2d: {  	v3 =	vadd.s32 v3, v5;
	v4 =	vtrunc.f32 v11;
	v1 =	vtrunc.f32 v12;
	v2 =	vld [tilespmem:s18+$0x18A0];
	[tilespmem:s16+$0x0] =	vst v0;
	(pc) =	sbr.rel @p0 .LBB2_2-.Ltmp0, $4  }
0x2e: {  	v5 =	vshll.u32 v6, $0xA;
	v11 =	vcvt.f32.s32 v1;
	v6 =	vshll.u32 v8, $0x5;
	v0 =	vld [tilespmem:s19+$0x3100];
	[tilespmem:s16+$0x10] =	vst v3  }
0x2f: {  	v8 =	vtrunc.f32 v13;
	v1 =	vld [tilespmem:s18+$0x30E0];
	v3 =	vadd.s32 v5, v6;
	v5 =	vtrunc.f32 v7  }
0x30: {  	s16 =	sadd.s32 $0x40, s16;
	v6 =	vcvt.f32.s32 v4;
	v11 =	vadd.s32 v11, v3;
	v4 =	vtrunc.f32 v9;
	v3 =	vld [tilespmem:s18+$0x3110]  }
0x31: {  	v7 =	vcvt.f32.s32 v8;
	[tilespmem:s16+$0xFFFFFFF0] =	vst v11;
	v8 =	vtrunc.f32 v10  }
0x32: {  	v5 =	vcvt.f32.s32 v5;
	v2 =	vtrunc.f32 v2  }
0x33: {  	v6 =	vshll.u32 v6, $0xA;
	v4 =	vcvt.f32.s32 v4;
	v8 =	vcvt.f32.s32 v8  }
0x34: {  	v7 =	vshll.u32 v7, $0x5;
	v0 =	vtrunc.f32 v0;
	v2 =	vcvt.f32.s32 v2  }
0x35: {  	v5 =	vshll.u32 v5, $0xA;
	v1 =	vtrunc.f32 v1;
	v4 =	vshll.u32 v4, $0x5  }
0x36: {  	v0 =	vcvt.f32.s32 v0;
	v8 =	vshll.u32 v8, $0xA;
	v6 =	vadd.s32 v6, v7  }
0x37: {  	v3 =	vtrunc.f32 v3;
	v1 =	vcvt.f32.s32 v1;
	v4 =	vadd.s32 v5, v4  }
0x38: {  	v2 =	vshll.u32 v2, $0x5;
	v3 =	vcvt.f32.s32 v3;
	v0 =	vadd.s32 v0, v4  }
0x39: {  	v2 =	vadd.s32 v8, v2;
	v1 =	vadd.s32 v1, v6;
	[tilespmem:s16+$0x0] =	vst v0  }
0x3a: {  	[tilespmem:s16+$0xFFFFFFE0] =	vst v1;
	v63 =	vadd.s32 v3, v2  }
0x3b: {  	[tilespmem:s16+$0x10] =	vst v63  }
.LBB2_4:
0x3c: {  	v0 =	vld [tilespmem:s15+$0xFFFFCF20]  }
0x3d: {  	v1 =	vld [tilespmem:s15+$0xFFFFE790];
	_ =	sdelay $0x1  }
0x3e: {  	v2 =	vld [tilespmem:s15+$0x0];
	_ =	sdelay $0x2  }
0x3f: {  	s13 =	sadd.s32 $0x10, s13;
	v0 =	vtrunc.f32 v0;
	v1 =	vtrunc.f32 v1  }
0x40: {  	p0 =	slt.u32 s13, $0x1860;
	v0 =	vcvt.f32.s32 v0;
	v1 =	vcvt.f32.s32 v1  }
.Ltmp1:
0x41: {  	v2 =	vtrunc.f32 v2;
	(pc) =	sbr.rel @p0 .LBB2_4-.Ltmp1, $4  }
0x42: {  	v2 =	vcvt.f32.s32 v2;
	v0 =	vshll.u32 v0, $0xA;
	v1 =	vshll.u32 v1, $0x5  }
0x43: {  	v0 =	vadd.s32 v0, v1  }
0x44: {  	v0 =	vadd.s32 v2, v0  }
0x45: {  	s15 =	sadd.s32 $0x10, s15;
	[tilespmem:s14+$0x0] =	vst v0;
	s14 =	sadd.s32 $0x10, s14  }
0x46: {  	s12 =	sadd.s32 $0x1, s12  }
0x47: {  	p0 =	sne.s32 s12, s7  }
.Ltmp2:
0x48: {  	_ = 	snop;
	(pc) =	sbr.rel @p0 .LBB2_1-.Ltmp2, $4  }
0x49: {  	[hbm4b:s6+s2] =	stream.linear.scatter [tilespmem:s11], [sflag:$0x1], $0x1870, $0x38;
	[tilespmem:$0x6200] =	vst v63  }
0x4a: {  	_ =	swait.ge [sflag:s8], $0x1870  }
0x4b: {  	[sflag:s8] =	ssyncset.done $0x0  }
0x4c: {  	[sflag:s8] =	ssyncadd.s32 $0xFFFFE790  }
0x4d: {  	_ =	sfence.sel $0x180000  }
0x4e: {  	[bflag:$0x0] =	sbarrier.arrive $0xFFFF  }
0x4f: {  	p0 =	sne.s32 s0, $0x0;
	_ =	strace $0x90000047  }
0x50: {  	s0 =	sadd.s32 @!p0 $0x100000, s1;
	[bflag:$0x2] =	sbarrier.arrive $0xFFFF  }
0x51: {  	[sflag:s0] =	ssyncadd.tile.s32 @!p0 $0x1;
	_ =	shalt  }
.Lfunc_end2:
_tile_overlayer_lowered:
.L_overlay_start_2:
0x52: {  	(tag) =	ssettag $0x2  }
0x53: {  	s0 =	rddreg [dreg:$0x0];
	s2 =	stileid.u32  }
0x54: {  	s1 =	rddreg [dreg:$0x1];
	p0 =	sne.s32 s2, $0x0  }
0x55: {  	s3 =	rddreg [dreg:$0x2];
	[bflag:$0x3] =	sbarrier.arrive $0xFFFF;
	s2 =	simm.s32 @!p0 $0x1C01  }
0x56: {  	[timem:s3], [sflag:s2] =	dma.local @!p0 [hbm:s0], s1  }
0x57: {  	s0 =	simm.s32 @!p0 $0x1  }
0x58: {  	_ =	swait.ge @!p0 [sflag:s0], s1  }
0x59: {  	s1 =	ssub.s32 @!p0 $0x0, s1;
	[sflag:s0] =	ssyncset.done @!p0 $0x0  }
0x5a: {  	[sflag:s0] =	ssyncadd.s32 @!p0 s1  }
0x5b: {  	[bflag:$0x3] =	sbarrier.arrive $0xFFFF  }
0x5c: {  	_ =	shalt  }

// kernel: kernel.7.cloned.1.call-start
scs
__scs_entry_jumppad:
0x0: {  	(pc) =	sbr.rel $0x88, $3  }
0x1: {  	(tag) =	ssettag $0x0;
	lr =	simm.s32 $0x1  }
0x2: {  	[smem:$0x3F9F] =	sst lr;
	_ =	strace $0xD0000000  }
0x3: {  	_ = 	snop  }
0x4: {  	_ = 	snop  }
0x5: {  	_ = 	snop  }
0x6: {  	_ = 	snop  }
0x7: {  	_ = 	snop  }
__scs_overlays_trampoline_lowered:
0x8: {  	[smem:$0x3FAE] =	sst s0  }
0x9: {  	[smem:$0x3FAF] =	sst s1  }
0xa: {  	[smem:$0x3FB0] =	sst s2  }
0xb: {  	[smem:$0x3FB1] =	sst s3  }
0xc: {  	[smem:$0x3FB2] =	sst s4  }
0xd: {  	[smem:$0x3FB3] =	sst s5  }
0xe: {  	[smem:$0x3FB4] =	sst s6  }
0xf: {  	[smem:$0x3FB5] =	sst s7  }
0x10: {  	[smem:$0x3FB6] =	sst s8  }
0x11: {  	[smem:$0x3FB7] =	sst s9;
	s0 =	simm.s32 @!p0 $0x0  }
0x12: {  	s1 =	sld [smem:$0x3F9D];
	s0 =	simm.s32 @p0 $0x1  }
0x13: {  	[smem:$0x3FB8] =	sst s0;
	s0 =	simm.s32 @!p1 $0x0  }
0x14: {  	s2 =	sld [smem:$0x3F9C];
	s0 =	simm.s32 @p1 $0x1  }
0x15: {  	[smem:$0x3FB9] =	sst s0;
	s0 =	simm.s32 @!p2 $0x0  }
0x16: {  	s3 =	sld [smem:$0x3FDB];
	s0 =	simm.s32 @p2 $0x1  }
0x17: {  	s4 =	simm.s32 $0x1BF5;
	[smem:$0x3FBB] =	sst s0  }
0x18: {  	s0 =	sld [smem:$0x3F9E];
	_ =	swait.ge [sflag:s4], $0x0  }
0x19: {  	s7 =	sld [smem:$0x3F9F]  }
0x1a: {  	s8 =	sadd.s32 $0xFFFFE003, lr  }
0x1b: {  	s9 =	sadd.s32 $0xFFFFFEF7, lr;
	s5 =	simm.s32 $0xFFFFFFFF;
	p2 =	slt.u32 s8, $0xFFFFF086  }
0x1c: {  	p1 =	slt.u32 s9, $0xF7A;
	s5 =	simm.s32 @!p2 $0x0  }
0x1d: {  	s5 =	simm.s32 @p1 $0x1;
	p0 =	seq.s32 s7, s2  }
0x1e: {  	s7 =	smul.u32 @!p0 $0xF7A, s2;
	p2 =	seq.s32 @!p0 s5, $0x0  }
0x1f: {  	s9 =	smul.u32 $0xF7A, s1;
	s8 =	simm.s32 @!p0 $0x1BF5;
	p2 =	por !p2, p0  }
0x20: {  	[sflag:s8] =	ssyncset.s32 @!p0 $0xFFFFF086;
	s6 =	sadd.s32 @!p0 s3, s7;
	s7 =	simm.s32 @!p0 $0x108  }
0x21: {  	s3 =	sadd.s32 s3, s9;
	s6 =	sadd.s32 @!p0 $0x88, s6;
	s7 =	simm.s32 @p2 $0x1082  }
0x22: {  	[simem:s7], [sflag:s8] =	dma.local @!p0 [hbm:s6], $0xF7A  }
0x23: {  	s9 =	sor.u32 $0xD0000000, s2;
	s6 =	simm.s32 $0x108;
	_ =	swait.ge @!p0 [sflag:s8], $0x0  }
0x24: {  	s3 =	sadd.s32 $0x88, s3;
	s6 =	simm.s32 @!p1 $0x1082;
	[sflag:s4] =	ssyncset.s32 $0xFFFFF086  }
0x25: {  	[simem:s6], [sflag:s4] =	dma.local [hbm:s3], $0xF7A  }
0x26: {  	[smem:$0x3F9F] =	sst s1;
	(tag) =	ssettag s2;
	_ =	strace s9  }
0x27: {  	s1 =	sld [smem:$0x3FAF]  }
0x28: {  	s2 =	sld [smem:$0x3FB0]  }
0x29: {  	s4 =	sld [smem:$0x3FB2]  }
0x2a: {  	p0 =	seq.s32 s5, $0x0;
	s5 =	sld [smem:$0x3FB3]  }
0x2b: {  	s6 =	sld [smem:$0x3FB4]  }
0x2c: {  	s7 =	sld [smem:$0x3FB5]  }
0x2d: {  	s3 =	simm.s32 $0x108;
	s8 =	sld [smem:$0x3FB6]  }
0x2e: {  	s3 =	simm.s32 @!p0 $0x1082;
	s9 =	sld [smem:$0x3FB7]  }
0x2f: {  	lr =	sadd.s32 s0, s3;
	s0 =	sld [smem:$0x3FAE]  }
0x30: {  	s3 =	sld [smem:$0x3FB1]  }
0x31: {  	[smem:$0x3FBA] =	sst s10  }
0x32: {  	s10 =	sld [smem:$0x3FB8];
	_ =	sdelay $0x3  }
0x33: {  	p0 =	seq.s32 s10, $0x1;
	s10 =	sld [smem:$0x3FBA];
	_ =	sdelay $0x3  }
0x34: {  	[smem:$0x3FBA] =	sst s10  }
0x35: {  	s10 =	sld [smem:$0x3FB9];
	_ =	sdelay $0x3  }
0x36: {  	p1 =	seq.s32 s10, $0x1;
	s10 =	sld [smem:$0x3FBA];
	_ =	sdelay $0x3  }
0x37: {  	[smem:$0x3FBA] =	sst s10  }
0x38: {  	s10 =	sld [smem:$0x3FBB]  }
0x39: {  	_ = 	snop;
	(pc) =	sbr.ind lr, $3  }
0x3a: {  	_ = 	snop  }
0x3b: {  	_ = 	snop  }
0x3c: {  	p2 =	seq.s32 s10, $0x1;
	s10 =	sld [smem:$0x3FBA]  }
0x3d: {  	_ =	shalt  }
0x3e: {  	_ =	shalt  }
0x3f: {  	_ =	shalt  }
0x40: {  	_ =	shalt  }
0x41: {  	_ =	shalt  }
0x42: {  	_ =	shalt  }
0x43: {  	_ =	shalt  }
0x44: {  	_ =	shalt  }
0x45: {  	_ =	shalt  }
0x46: {  	_ =	shalt  }
0x47: {  	_ =	shalt  }
0x48: {  	_ =	shalt  }
0x49: {  	_ =	shalt  }
0x4a: {  	_ =	shalt  }
0x4b: {  	_ =	shalt  }
0x4c: {  	_ =	shalt  }
0x4d: {  	_ =	shalt  }
0x4e: {  	_ =	shalt  }
0x4f: {  	_ =	shalt  }
0x50: {  	_ =	shalt  }
0x51: {  	_ =	shalt  }
0x52: {  	_ =	shalt  }
0x53: {  	_ =	shalt  }
0x54: {  	_ =	shalt  }
0x55: {  	_ =	shalt  }
0x56: {  	_ =	shalt  }
0x57: {  	_ =	shalt  }
0x58: {  	_ =	shalt  }
0x59: {  	_ =	shalt  }
0x5a: {  	_ =	shalt  }
0x5b: {  	_ =	shalt  }
0x5c: {  	_ =	shalt  }
0x5d: {  	_ =	shalt  }
0x5e: {  	_ =	shalt  }
0x5f: {  	_ =	shalt  }
0x60: {  	_ =	shalt  }
0x61: {  	_ =	shalt  }
0x62: {  	_ =	shalt  }
0x63: {  	_ =	shalt  }
0x64: {  	_ =	shalt  }
0x65: {  	_ =	shalt  }
0x66: {  	_ =	shalt  }
0x67: {  	_ =	shalt  }
0x68: {  	_ =	shalt  }
0x69: {  	_ =	shalt  }
0x6a: {  	_ =	shalt  }
0x6b: {  	_ =	shalt  }
0x6c: {  	_ =	shalt  }
0x6d: {  	_ =	shalt  }
0x6e: {  	_ =	shalt  }
0x6f: {  	_ =	shalt  }
0x70: {  	_ =	shalt  }
0x71: {  	_ =	shalt  }
0x72: {  	_ =	shalt  }
0x73: {  	_ =	shalt  }
0x74: {  	_ =	shalt  }
0x75: {  	_ =	shalt  }
0x76: {  	_ =	shalt  }
0x77: {  	_ =	shalt  }
0x78: {  	_ =	shalt  }
0x79: {  	_ =	shalt  }
0x7a: {  	_ =	shalt  }
0x7b: {  	_ =	shalt  }
0x7c: {  	_ =	shalt  }
0x7d: {  	_ =	shalt  }
0x7e: {  	_ =	shalt  }
0x7f: {  	_ =	shalt  }
0x80: {  	_ =	shalt  }
0x81: {  	_ =	shalt  }
0x82: {  	_ =	shalt  }
0x83: {  	_ =	shalt  }
0x84: {  	_ =	shalt  }
0x85: {  	_ =	shalt  }
0x86: {  	_ =	shalt  }
0x87: {  	_ =	shalt  }
.Lfunc_end0:
.L_simem_size_0:
called_computation.1_lowered:
.L_overlay_start_0:
0x88: {  	s2 =	sld [smem:$0x3FD9]  }
0x89: {  	s3 =	sld [smem:$0x3FFE];
	_ =	sdelay $0x1  }
0x8a: {  	s1 =	srdreg.scid  }
0x8b: {  	s0 =	sand.u32 $0x1, s1  }
0x8c: {  	s17 =	sshll.u32 s0, $0xA;
	s2 =	sadd.s32 s3, s2  }
0x8d: {  	s2 =	sadd.s32 s2, s17  }
0x8e: {  	[smem:$0x3FC6] =	sst s2  }
0x8f: {  	_ = 	snop  }
0x90: {  	s2 =	sld [smem:$0x3FD0];
	(tm) =	ssettm $0x1  }
0x91: {  	s18 =	sld [smem:$0x3FFB];
	_ =	sdelay $0x3  }
0x92: {  	_ =	strace s18  }
0x93: {  	s3 =	sld [smem:$0x3FFC];
	_ =	sdelay $0x3  }
0x94: {  	_ =	strace s3  }
0x95: {  	s3 =	sld [smem:$0x3FFD];
	_ =	sdelay $0x3  }
0x96: {  	_ =	strace s3  }
0x97: {  	_ =	strace $0x8FFFFFFF  }
0x98: {  	s19 =	sld [smem:$0x3FDB];
	_ =	sdelay $0x1  }
0x99: {  	s4 =	simm.s32 $_scs_section_size  }
0x9a: {  	s5 =	simm.s32 $_size__tile_overlayer_lowered;
	s6 =	simm.s32 $_tile_overlayer_lowered  }
0x9b: {  	s22 =	simm.s32 $0x1BFF;
	s21 =	sshll.u32 s6, $0x1;
	s3 =	sadd.s32 s4, s19  }
0x9c: {  	s7 =	simm.s32 $0x0;
	s20 =	sshll.u32 s5, $0x1;
	s5 =	sadd.s32 s21, s3  }
0x9d: {  	[timem:s7], [sflag:s22] =	dma.local [hbm:s5], s20  }
0x9e: {  	_ =	swait.ge [sflag:s22], s20  }
0x9f: {  	s4 =	ssub.s32 $0x0, s20;
	[sflag:s22] =	ssyncset.done $0x0  }
0xa0: {  	[sflag:s22] =	ssyncadd.s32 s4;
	_ =	sdelay $0x1  }
0xa1: {  	s23 =	simm.s32 $0x1B8B  }
0xa2: {  	_ =	swait.ge [sflag:s23], $0x1  }
0xa3: {  	[sflag:s23] =	ssyncset.done $0x0  }
0xa4: {  	s25 =	simm.s32 $0x1B8E;
	s24 =	sld [smem:$0x3FFE];
	[sflag:s23] =	ssyncadd.s32 $0xFFFFFFFF  }
0xa5: {  	s26 =	simm.s32 $execute0_lowered;
	[smem:$0x3FD2] =	sst s25  }
0xa6: {  	s5 =	sshll.u32 s26, $0x1;
	_ =	strace $0x80000049;
	[dreg:$0x1] =	wrdreg $0xFFFFFFFF  }
0xa7: {  	s28 =	simm.s32 $_size_execute0_lowered;
	s3 =	sadd.s32 s3, s5;
	[dreg:$0x0] =	wrdreg $0x0  }
0xa8: {  	s5 =	sshll.u32 s28, $0x1;
	[dreg:$0x2] =	wrdreg s3  }
0xa9: {  	[dreg:$0x3] =	wrdreg s5  }
0xaa: {  	[dreg:$0x4] =	wrdreg $0xC0  }
0xab: {  	_ =	task [dreg:s7], $0x5FFFF  }
0xac: {  	[dreg:$0x1] =	wrdreg $0xFFFFFFFF  }
0xad: {  	[dreg:$0x0] =	wrdreg $0x60  }
0xae: {  	[dreg:$0x2] =	wrdreg s24  }
0xaf: {  	[dreg:$0x3] =	wrdreg s2  }
0xb0: {  	[dreg:$0x4] =	wrdreg $0x9  }
0xb1: {  	_ =	task.clear_ibuf [dreg:s7], $0x5FFFF;
	_ =	strace $0x90000049  }
0xb2: {  	s29 =	simm.s32 $0x9;
	_ =	strace $0x8000004B  }
0xb3: {  	_ =	swait.ge [sflag:s29], $0x1  }
0xb4: {  	[sflag:s29] =	ssyncadd.s32 $0xFFFFFFFF  }
0xb5: {  	_ =	strace $0x9000004B  }
0xb6: {  	_ =	sfence  }
0xb7: {  	s30 =	sld [smem:$0x0];
	_ =	sdelay $0x2  }
0xb8: {  	s31 =	sshll.u32 s1, $0xD;
	s1 =	sshrl.u32 s1, $0x2  }
0xb9: {  	s3 =	sand.u32 $0x4000, s31;
	s1 =	sadd.s32 s1, s30  }
0xba: {  	s0 =	sor.u32 s3, s0;
	s1 =	sshll.u32 s1, $0x11  }
0xbb: {  	s0 =	sor.u32 s1, s0  }
0xbc: {  	s0 =	sadd.s32 $0x8F2B, s0  }
0xbd: {  	[sflag:s0] =	ssyncadd.remote.s32 $0x1  }
0xbe: {  	_ =	sfence.sel $0xFFFF  }
0xbf: {  	[dreg:$0x0] =	wrdreg $0xFFFFFFFF;
	(pc) =	sbr.abs _section_cstart, $3  }
0xc0: {  	[dreg:$0x1] =	wrdreg $0xFFFFFFFF  }
0xc1: {  	_ =	task.clear_ibuf [dreg:s7], $0x2FFFF;
	_ =	strace $0x9FFFFFFF  }
0xc2: {  	(tm) =	ssettm $0x7FFFFFFF  }
0xc3: {  	_ =	shalt  }
tec
execute0_lowered:
.L_overlay_start_1:
0x0: {  	(tag) =	ssettag $0x1  }
0x1: {  	s0 =	rddreg [dreg:$0x0]  }
0x2: {  	s2 =	rddreg [dreg:$0x1];
	s4 =	simm.s32 $0x0;
	s1 =	srdreg.scid  }
0x3: {  	s3 =	stileid.u32;
	s28 =	simm.s32 $0x9;
	s29 =	simm.s32 $0x8  }
0x4: {  	s30 =	simm.s32 $0xA;
	[smem:$0x7FF] =	sst s4;
	s1 =	sand.u32 $0x1, s1  }
0x5: {  	s3 =	sshll.u32 s3, $0x1;
	s4 =	sadd.s32 $0x6E00, s0;
	s6 =	sadd.s32 $0xC00, s0  }
0x6: {  	_ =	strace $0x8000004A;
	s10 =	sor.u32 s1, s3;
	s1 =	ssub.s32 $0x2, s1  }
0x7: {  	s3 =	sshll.u32 s10, $0xA;
	s5 =	sor.u32 $0x20, s10;
	[dreg:$0x3] =	wrdreg s10  }
0x8: {  	s19 =	sor.u32 $0x40, s10;
	[dreg:$0x4] =	wrdreg s3;
	s18 =	sshll.u32 s5, $0x7  }
0x9: {  	s20 =	sor.u32 $0x60, s10;
	s7 =	sshll.u32 s19, $0x7;
	[dreg:$0x5] =	wrdreg s18  }
0xa: {  	s8 =	sor.u32 $0x80, s10;
	s9 =	sshll.u32 s20, $0x7;
	[dreg:$0x6] =	wrdreg s7  }
0xb: {  	s22 =	sor.u32 $0xA0, s10;
	s21 =	sshll.u32 s8, $0x7;
	[dreg:$0x7] =	wrdreg s9  }
0xc: {  	s17 =	sshrl.u32 s1, $0x1;
	s11 =	sshll.u32 s22, $0x7;
	[dreg:$0x8] =	wrdreg s21  }
0xd: {  	s23 =	sor.u32 $0xC0, s10;
	s5 =	sshll.u32 s5, $0xA;
	[dreg:$0x9] =	wrdreg s11  }
0xe: {  	s25 =	sor.u32 $0xE0, s10;
	s24 =	sshll.u32 s23, $0x7;
	[dreg:$0xa] =	wrdreg s5  }
0xf: {  	s0 =	sadd.s32 s3, s0;
	s3 =	sshll.u32 s19, $0xA;
	[dreg:$0xb] =	wrdreg s24  }
0x10: {  	s31 =	sor.u32 $0x100, s10;
	s26 =	sshll.u32 s25, $0x7;
	[dreg:$0xc] =	wrdreg s3  }
0x11: {  	s13 =	sor.u32 $0x120, s10;
	s8 =	sshll.u32 s8, $0xA;
	[dreg:$0xd] =	wrdreg s26  }
0x12: {  	s16 =	sor.u32 $0x140, s10;
	s12 =	sshll.u32 s31, $0x7;
	[dreg:$0xf] =	wrdreg s8  }
0x13: {  	s1 =	ssub.s32 s1, s17;
	s14 =	sshll.u32 s31, $0xA;
	[dreg:$0x13] =	wrdreg s12  }
0x14: {  	s15 =	sshll.u32 s13, $0x7;
	s17 =	sor.u32 $0x160, s10;
	[dreg:$0x14] =	wrdreg s14  }
0x15: {  	s19 =	sshll.u32 s16, $0x7;
	s31 =	sshll.u32 s10, $0xF;
	[dreg:$0x15] =	wrdreg s15  }
0x16: {  	s7 =	sshll.u32 s20, $0xA;
	s11 =	sshll.u32 s22, $0xA;
	[dreg:$0x17] =	wrdreg s19  }
0x17: {  	s8 =	sor.u32 $0x180, s10;
	s5 =	sshll.u32 s23, $0xA;
	[dreg:$0xe] =	wrdreg s7  }
0x18: {  	s3 =	sshll.u32 s25, $0xA;
	s18 =	smul.u32 $0xC350, s10;
	[dreg:$0x10] =	wrdreg s11  }
0x19: {  	s20 =	sshll.u32 s17, $0x7;
	s21 =	sshll.u32 s17, $0xA;
	[dreg:$0x11] =	wrdreg s5  }
0x1a: {  	s1 =	smax.u32 s1, $0x1;
	s0 =	sadd.s32 $0x206E00, s0;
	[dreg:$0x12] =	wrdreg s3  }
0x1b: {  	s26 =	sshll.u32 s10, $0x7;
	s9 =	simm.s32 $0x1;
	[dreg:$0x19] =	wrdreg s20  }
0x1c: {  	s12 =	simm.s32 $0x2;
	s14 =	simm.s32 $0x4400;
	[dreg:$0x1a] =	wrdreg s21  }
0x1d: {  	s15 =	simm.s32 $0x3;
	s17 =	simm.s32 $0x8400;
	[dreg:$0x1d] =	wrdreg s1  }
0x1e: {  	s19 =	simm.s32 $0x61C00;
	p0 =	sgt.u32 s8, $0x185;
	[dreg:$0x1f] =	wrdreg s0  }
0x1f: {  	s3 =	sshll.u32 s13, $0xA;
	[smem:$0x7FD] =	sst s26;
	s11 =	simm.s32 $0x400  }
0x20: {  	s20 =	simm.s32 $0x10400;
	s21 =	simm.s32 $0x4;
	s26 =	simm.s32 $0x7  }
0x21: {  	s8 =	smov.u32 @p0 s10;
	[dreg:$0x16] =	wrdreg s3;
	s3 =	sshll.u32 s16, $0xA  }
0x22: {  	v0 =	vlaneseq.u32;
	s22 =	sshrl.u32 s18, $0x3;
	s10 =	simm.s32 $0x200;
	s18 =	simm.s32 $0x5  }
.Ltmp0:
0x23: {  	v0 =	vmul.u32 $0x80, v0;
	[dreg:$0x18] =	wrdreg s3;
	s23 =	sshll.u32 s8, $0x7;
	(pc) =	sbr.rel .LBB2_1-.Ltmp0, $4  }
0x24: {  	s24 =	sshll.u32 s8, $0xA;
	s25 =	sadd.s32 s6, s22;
	[dreg:$0x1b] =	wrdreg s23  }
0x25: {  	v2 =	vor.u32 $0x800, v0;
	v3 =	vor.u32 $0x1000, v0;
	s3 =	simm.s32 $0x80;
	s22 =	simm.s32 $0x380;
	[dreg:$0x1c] =	wrdreg s24  }
0x26: {  	v4 =	vor.u32 $0x1800, v0;
	v5 =	vor.u32 $0x2000, v0;
	v6 =	vor.u32 $0x2800, v0;
	s1 =	sadd.s32 $0x185A, s25;
	s23 =	simm.s32 $0xC400;
	s24 =	simm.s32 $0x6  }
0x27: {  	v7 =	vor.u32 $0x3000, v0;
	v8 =	vor.u32 $0x3800, v0;
	v1 =	vmov s31;
	s25 =	simm.s32 $0x12400;
	[dreg:$0x1e] =	wrdreg s1;
	s1 =	simm.s32 $0x0  }
.LBB2_63:
0x28: {  	s1 =	sld [smem:$0x7FC];
	_ =	sdelay $0x2  }
0x29: {  	s0 =	rddreg [dreg:$0x1d];
	s1 =	sadd.s32 $0x1, s1  }
0x2a: {  	p0 =	sne.s32 s1, s0  }
.Ltmp1:
0x2b: {  	_ = 	snop;
	(pc) =	sbr.rel @!p0 .LBB2_64-.Ltmp1, $1  }
0x2c: {  	_ =	sdelay $0x3  }
.LBB2_1:
0x2d: {  	[smem:$0x7FC] =	sst s1;
	s5 =	simm.s32 $0x0  }
.LBB2_2:
0x2e: {  	s1 =	sld [smem:$0x7FD]  }
0x2f: {  	s0 =	smul.u32 $0xC350, s5;
	_ =	sdelay $0x1  }
0x30: {  	s1 =	sadd.s32 s1, s0  }
0x31: {  	s1 =	sshrl.u32 s1, $0x3  }
0x32: {  	s31 =	rddreg [dreg:$0x5];
	s7 =	sadd.s32 s6, s1;
	s1 =	simm.s32 $0x0  }
0x33: {  	[tilespmem:s1], [sflag:$0x1] =	stream.linear.gather [hbm4b:s7+s1], $0x80, $0x38;
	[tilespmem:$0x14400] =	vst v63  }
0x34: {  	s7 =	sadd.s32 s31, s0  }
0x35: {  	s7 =	sshrl.u32 s7, $0x3  }
0x36: {  	s8 =	rddreg [dreg:$0x6];
	s7 =	sadd.s32 s6, s7  }
0x37: {  	[tilespmem:s3], [sflag:$0x2] =	stream.linear.gather [hbm4b:s7+s1], $0x80, $0x38;
	[tilespmem:$0x14400] =	vst v63  }
0x38: {  	s7 =	sadd.s32 s8, s0  }
0x39: {  	s7 =	sshrl.u32 s7, $0x3  }
0x3a: {  	s13 =	rddreg [dreg:$0x7];
	s8 =	simm.s32 $0x100;
	s7 =	sadd.s32 s6, s7  }
0x3b: {  	[tilespmem:s8], [sflag:$0x3] =	stream.linear.gather [hbm4b:s7+s1], $0x80, $0x38;
	[tilespmem:$0x14400] =	vst v63  }
0x3c: {  	s7 =	sadd.s32 s13, s0  }
0x3d: {  	s7 =	sshrl.u32 s7, $0x3  }
0x3e: {  	s16 =	simm.s32 $0x180;
	s7 =	sadd.s32 s6, s7  }
0x3f: {  	[tilespmem:s16], [sflag:$0x4] =	stream.linear.gather [hbm4b:s7+s1], $0x80, $0x38;
	[tilespmem:$0x14400] =	vst v63  }
0x40: {  	_ =	swait.ge [sflag:s9], $0x80  }
0x41: {  	s31 =	sshll.u32 s5, $0xF;
	[sflag:s9] =	ssyncset.done $0x0  }
0x42: {  	p0 =	por $0x1, $0x1;
	v9 =	vmov s31;
	[sflag:s9] =	ssyncadd.s32 $0xFFFFFF80  }
.LBB2_3:
0x43: {  	v10 =	vld [tilespmem:s1+$0x0];
	s7 =	sor.u32 $0x10, s1  }
0x44: {  	s16 =	sor.u32 $0x20, s1;
	v11 =	vld [tilespmem:s7+$0x0]  }
0x45: {  	s31 =	sor.u32 $0x30, s1;
	v12 =	vld [tilespmem:s16+$0x0]  }
0x46: {  	v13 =	vld [tilespmem:s31+$0x0]  }
0x47: {  	p1 =	por p0, p0  }
.Ltmp2:
0x48: {  	v10 =	vadd.s32 v9, v10;
	(pc) =	sbr.rel @p1 .LBB2_3-.Ltmp2, $4  }
0x49: {  	[tilespmem:s1+$0x200] =	vst v10;
	v10 =	vadd.s32 v9, v11  }
0x4a: {  	[tilespmem:s1+$0x210] =	vst v10;
	v10 =	vadd.s32 v9, v12  }
0x4b: {  	[tilespmem:s1+$0x220] =	vst v10;
	v10 =	vadd.s32 v9, v13  }
0x4c: {  	p0 =	por $0x0, $0x0;
	[tilespmem:s1+$0x230] =	vst v10;
	s1 =	simm.s32 $0x40  }
0x4d: {  	[tilespmem:s11], [sflag:$0x5] =	stream.indirect.gather [hbm4b:s4+s3], $0x80, s10, s3, $0xb8;
	[tilespmem:$0x14400] =	vst v63  }
0x4e: {  	_ =	swait.ge [sflag:s12], $0x80  }
0x4f: {  	[sflag:s12] =	ssyncset.done $0x0  }
0x50: {  	s1 =	simm.s32 $0x0;
	p0 =	por $0x1, $0x1;
	[sflag:s12] =	ssyncadd.s32 $0xFFFFFF80  }
.LBB2_5:
0x51: {  	v10 =	vld [tilespmem:s1+$0x80]  }
0x52: {  	v11 =	vld [tilespmem:s1+$0x90]  }
0x53: {  	v12 =	vld [tilespmem:s1+$0xA0]  }
0x54: {  	v13 =	vld [tilespmem:s1+$0xB0]  }
0x55: {  	p1 =	por p0, p0  }
.Ltmp3:
0x56: {  	v10 =	vadd.s32 v9, v10;
	(pc) =	sbr.rel @p1 .LBB2_5-.Ltmp3, $4  }
0x57: {  	[tilespmem:s1+$0x280] =	vst v10;
	v10 =	vadd.s32 v9, v11  }
0x58: {  	[tilespmem:s1+$0x290] =	vst v10;
	v10 =	vadd.s32 v9, v12  }
0x59: {  	[tilespmem:s1+$0x2A0] =	vst v10;
	v10 =	vadd.s32 v9, v13  }
0x5a: {  	p0 =	por $0x0, $0x0;
	[tilespmem:s1+$0x2B0] =	vst v10;
	s1 =	simm.s32 $0x40  }
0x5b: {  	s1 =	simm.s32 $0x280  }
0x5c: {  	[tilespmem:s14], [sflag:$0x6] =	stream.indirect.gather [hbm4b:s4+s3], $0x80, s1, s3, $0xb8;
	[tilespmem:$0x14400] =	vst v63  }
0x5d: {  	_ =	swait.ge [sflag:s15], $0x80  }
0x5e: {  	[sflag:s15] =	ssyncset.done $0x0  }
0x5f: {  	p0 =	por $0x1, $0x1;
	s1 =	simm.s32 $0x0;
	[sflag:s15] =	ssyncadd.s32 $0xFFFFFF80  }
.LBB2_7:
0x60: {  	v10 =	vld [tilespmem:s1+$0x100]  }
0x61: {  	v11 =	vld [tilespmem:s1+$0x110]  }
0x62: {  	v12 =	vld [tilespmem:s1+$0x120]  }
0x63: {  	v13 =	vld [tilespmem:s1+$0x130]  }
0x64: {  	p1 =	por p0, p0  }
.Ltmp4:
0x65: {  	v10 =	vadd.s32 v9, v10;
	(pc) =	sbr.rel @p1 .LBB2_7-.Ltmp4, $4  }
0x66: {  	[tilespmem:s1+$0x300] =	vst v10;
	v10 =	vadd.s32 v9, v11  }
0x67: {  	[tilespmem:s1+$0x310] =	vst v10;
	v10 =	vadd.s32 v9, v12  }
0x68: {  	[tilespmem:s1+$0x320] =	vst v10;
	v10 =	vadd.s32 v9, v13  }
0x69: {  	p0 =	por $0x0, $0x0;
	[tilespmem:s1+$0x330] =	vst v10;
	s1 =	simm.s32 $0x40  }
0x6a: {  	s1 =	simm.s32 $0x0  }
0x6b: {  	s7 =	simm.s32 $0x300;
	s13 =	rddreg [dreg:$0x8];
	v10 =	vmov s1  }
0x6c: {  	[tilespmem:s17], [sflag:$0x7] =	stream.indirect.gather [hbm4b:s4+s3], $0x80, s7, s3, $0xb8;
	v10 =	vand.u32 $0x7F, v10;
	[tilespmem:$0x14400] =	vst v63  }
0x6d: {  	s7 =	sadd.s32 s13, s0;
	v10 =	vbroadcast v10, $0x0  }
0x6e: {  	s7 =	sshrl.u32 s7, $0x3  }
0x6f: {  	s7 =	sadd.s32 s6, s7;
	v11 =	vor.u32 v0, v10  }
0x70: {  	[tilespmem:s1], [sflag:$0x1] =	stream.linear.gather [hbm4b:s7+s1], $0x80, $0x38;
	v12 =	vor.u32 v8, v10;
	[tilespmem:$0x14400] =	vst v63  }
0x71: {  	_ =	swait.ge [sflag:s18], $0x4000;
	v13 =	vor.u32 v6, v10  }
0x72: {  	s16 =	simm.s32 $0x1;
	v14 =	vor.u32 v2, v10;
	[sflag:s18] =	ssyncset.done $0x0  }
0x73: {  	v16 =	vmov s16;
	v15 =	vor.u32 v7, v10;
	[sflag:s18] =	ssyncadd.s32 $0xFFFFC000  }
0x74: {  	v16 =	vand.u32 $0x7F, v16;
	v17 =	vor.u32 v3, v10;
	v11 =	vld.idx.msk [tilespmem:v11+s11+$0x0], $0xffff  }
0x75: {  	v16 =	vbroadcast v16, $0x0;
	v18 =	vor.u32 v4, v10;
	v12 =	vld.idx.msk [tilespmem:v12+s11+$0x0], $0xffff  }
0x76: {  	v10 =	vor.u32 v5, v10;
	v19 =	vld.idx.msk [tilespmem:v13+s11+$0x0], $0xffff  }
0x77: {  	v21 =	vor.u32 v0, v16;
	v22 =	vld.idx.msk [tilespmem:v14+s11+$0x0], $0xffff  }
0x78: {  	v23 =	vor.u32 v8, v16;
	v25 =	vld.idx.msk [tilespmem:v15+s11+$0x0], $0xffff  }
0x79: {  	s31 =	simm.s32 $0x10440;
	v26 =	vor.u32 v6, v16;
	v27 =	vld.idx.msk [tilespmem:v17+s11+$0x0], $0xffff  }
0x7a: {  	s1 =	simm.s32 $0x2;
	v28 =	vor.u32 v2, v16;
	v13 =	vld.idx.msk [tilespmem:v18+s11+$0x0], $0xffff;
	[tilespmem:s31+$0x30] =	vst v12  }
0x7b: {  	v20 =	vld.idx.msk [tilespmem:v10+s11+$0x0], $0xffff;
	v12 =	vmov s1;
	[tilespmem:s31+$0x10] =	vst v19  }
0x7c: {  	v10 =	vld.idx.msk [tilespmem:v21+s11+$0x0], $0xffff;
	v17 =	vor.u32 v7, v16;
	[tilespmem:s31+$0xFFFFFFC0] =	vst v11;
	v15 =	vand.u32 $0x7F, v12  }
0x7d: {  	v14 =	vor.u32 v3, v16;
	v21 =	vld.idx.msk [tilespmem:v23+s11+$0x0], $0xffff;
	[tilespmem:s31+$0xFFFFFFD0] =	vst v22;
	v24 =	vbroadcast v15, $0x0  }
0x7e: {  	v22 =	vld.idx.msk [tilespmem:v26+s11+$0x0], $0xffff;
	[tilespmem:s31+$0x20] =	vst v25;
	v12 =	vor.u32 v4, v16;
	v15 =	vor.u32 v5, v16  }
0x7f: {  	v19 =	vld.idx.msk [tilespmem:v28+s11+$0x0], $0xffff;
	v16 =	vor.u32 v0, v24;
	v11 =	vor.u32 v2, v24;
	v18 =	vor.u32 v8, v24  }
0x80: {  	s8 =	simm.s32 $0x104C0;
	s13 =	simm.s32 $0x100;
	s7 =	simm.s32 $0x104C0;
	[tilespmem:s31+$0xFFFFFFE0] =	vst v27;
	v25 =	vor.u32 v3, v24;
	v23 =	vor.u32 v4, v24;
	v26 =	vor.u32 v7, v24  }
.LBB2_9:
0x81: {  	s13 =	sadd.s32 $0x80, s13;
	v27 =	vor.u32 v5, v24;
	v28 =	vor.u32 v6, v24;
	v29 =	vld.idx.msk [tilespmem:v17+s11+$0x0], $0xffff;
	s7 =	sadd.s32 $0x80, s7;
	[tilespmem:s31+$0x0] =	vst v20;
	v17 =	vmov v26  }
0x82: {  	p0 =	slt.u32 s13, $0x1F80;
	v30 =	vld.idx.msk [tilespmem:v14+s11+$0x0], $0xffff;
	[tilespmem:s31+$0xFFFFFFF0] =	vst v13;
	v14 =	vmov v25;
	s31 =	smov.u32 s8;
	s8 =	smov.u32 s7  }
0x83: {  	s1 =	sadd.s32 $0x1, s1;
	v13 =	vld.idx.msk [tilespmem:v12+s11+$0x0], $0xffff;
	[tilespmem:s31+$0x30] =	vst v21;
	v12 =	vmov v23  }
0x84: {  	v21 =	vmov s1;
	v20 =	vld.idx.msk [tilespmem:v15+s11+$0x0], $0xffff;
	[tilespmem:s31+$0x10] =	vst v22;
	v15 =	vmov v27  }
.Ltmp5:
0x85: {  	v21 =	vand.u32 $0x7F, v21;
	[tilespmem:s31+$0xFFFFFFC0] =	vst v10;
	v10 =	vld.idx.msk [tilespmem:v16+s11+$0x0], $0xffff;
	(pc) =	sbr.rel @p0 .LBB2_9-.Ltmp5, $4  }
0x86: {  	v24 =	vbroadcast v21, $0x0;
	v21 =	vld.idx.msk [tilespmem:v18+s11+$0x0], $0xffff;
	[tilespmem:s31+$0xFFFFFFD0] =	vst v19  }
0x87: {  	v22 =	vld.idx.msk [tilespmem:v28+s11+$0x0], $0xffff;
	[tilespmem:s31+$0x20] =	vst v29  }
0x88: {  	v16 =	vor.u32 v0, v24;
	v18 =	vor.u32 v8, v24;
	v19 =	vld.idx.msk [tilespmem:v11+s11+$0x0], $0xffff;
	v11 =	vor.u32 v2, v24  }
0x89: {  	v25 =	vor.u32 v3, v24;
	v23 =	vor.u32 v4, v24;
	v26 =	vor.u32 v7, v24;
	[tilespmem:s31+$0xFFFFFFE0] =	vst v30  }
0x8a: {  	_ =	sdelay $0x2  }
0x8b: {  	[tilespmem:s31+$0x0] =	vst v20  }
0x8c: {  	v17 =	vld.idx.msk [tilespmem:v17+s11+$0x0], $0xffff;
	[tilespmem:s31+$0xFFFFFFF0] =	vst v13  }
0x8d: {  	v57 =	vld.idx.msk [tilespmem:v14+s11+$0x0], $0xffff;
	[tilespmem:s8+$0xFFFFFFC0] =	vst v10  }
0x8e: {  	v58 =	vld.idx.msk [tilespmem:v15+s11+$0x0], $0xffff;
	[tilespmem:s8+$0x30] =	vst v21  }
0x8f: {  	v12 =	vld.idx.msk [tilespmem:v12+s11+$0x0], $0xffff;
	[tilespmem:s8+$0x10] =	vst v22  }
0x90: {  	v56 =	vor.u32 v6, v24;
	v10 =	vld.idx.msk [tilespmem:v18+s11+$0x0], $0xffff;
	[tilespmem:s8+$0xFFFFFFD0] =	vst v19  }
0x91: {  	v16 =	vld.idx.msk [tilespmem:v16+s11+$0x0], $0xffff;
	[tilespmem:s8+$0x20] =	vst v17  }
0x92: {  	v11 =	vld.idx.msk [tilespmem:v11+s11+$0x0], $0xffff;
	[tilespmem:s8+$0xFFFFFFE0] =	vst v57  }
0x93: {  	v59 =	vor.u32 v5, v24;
	v61 =	vld.idx.msk [tilespmem:v26+s11+$0x0], $0xffff;
	[tilespmem:s8+$0x0] =	vst v58  }
0x94: {  	s1 =	sadd.s32 $0x80, s7;
	v62 =	vld.idx.msk [tilespmem:v25+s11+$0x0], $0xffff;
	[tilespmem:s8+$0xFFFFFFF0] =	vst v12  }
0x95: {  	v60 =	vld.idx.msk [tilespmem:v56+s11+$0x0], $0xffff;
	[tilespmem:s1+$0x30] =	vst v10  }
0x96: {  	[tilespmem:s1+$0xFFFFFFC0] =	vst v16  }
0x97: {  	[tilespmem:s1+$0xFFFFFFD0] =	vst v11  }
0x98: {  	v10 =	vld.idx.msk [tilespmem:v59+s11+$0x0], $0xffff;
	[tilespmem:s1+$0x20] =	vst v61  }
0x99: {  	v63 =	vld.idx.msk [tilespmem:v23+s11+$0x0], $0xffff;
	[tilespmem:s1+$0xFFFFFFE0] =	vst v62  }
0x9a: {  	s31 =	smul.u32 $0x30E000, s5;
	[tilespmem:s1+$0x10] =	vst v60  }
0x9b: {  	s13 =	rddreg [dreg:$0x4]  }
0x9c: {  	s7 =	sadd.s32 s13, s31  }
0x9d: {  	[tilespmem:s1+$0x0] =	vst v10;
	s7 =	sshrl.u32 s7, $0x3  }
0x9e: {  	[tilespmem:s1+$0xFFFFFFF0] =	vst v63;
	s16 =	sadd.s32 s2, s7  }
0x9f: {  	[hbm4b:s16+s11] =	stream.strided.scatter [tilespmem:s20], [sflag:$0x9], $0x2000, s19, s11, $0x38;
	[tilespmem:$0x14400] =	vst v63  }
0xa0: {  	_ =	swait.ge [sflag:s21], $0x80  }
0xa1: {  	[sflag:s21] =	ssyncset.done $0x0  }
0xa2: {  	p0 =	por $0x1, $0x1;
	s1 =	simm.s32 $0x0;
	[sflag:s21] =	ssyncadd.s32 $0xFFFFFF80  }
.LBB2_11:
0xa3: {  	v10 =	vld [tilespmem:s1+$0x180]  }
0xa4: {  	v11 =	vld [tilespmem:s1+$0x190]  }
0xa5: {  	v12 =	vld [tilespmem:s1+$0x1A0]  }
0xa6: {  	v13 =	vld [tilespmem:s1+$0x1B0]  }
0xa7: {  	p1 =	por p0, p0  }
.Ltmp6:
0xa8: {  	v10 =	vadd.s32 v9, v10;
	(pc) =	sbr.rel @p1 .LBB2_11-.Ltmp6, $4  }
0xa9: {  	[tilespmem:s1+$0x380] =	vst v10;
	v10 =	vadd.s32 v9, v11  }
0xaa: {  	[tilespmem:s1+$0x390] =	vst v10;
	v10 =	vadd.s32 v9, v12  }
0xab: {  	[tilespmem:s1+$0x3A0] =	vst v10;
	v10 =	vadd.s32 v9, v13  }
0xac: {  	p0 =	por $0x0, $0x0;
	[tilespmem:s1+$0x3B0] =	vst v10;
	s1 =	simm.s32 $0x40  }
0xad: {  	s1 =	simm.s32 $0x0  }
0xae: {  	[tilespmem:s23], [sflag:$0x8] =	stream.indirect.gather [hbm4b:s4+s3], $0x80, s22, s3, $0xb8;
	v10 =	vmov s1;
	[tilespmem:$0x14400] =	vst v63  }
0xaf: {  	s7 =	rddreg [dreg:$0x9];
	v10 =	vand.u32 $0x7F, v10  }
0xb0: {  	s7 =	sadd.s32 s7, s0;
	v10 =	vbroadcast v10, $0x0  }
0xb1: {  	s7 =	sshrl.u32 s7, $0x3  }
0xb2: {  	s7 =	sadd.s32 s6, s7;
	v11 =	vor.u32 v0, v10  }
0xb3: {  	[tilespmem:s3], [sflag:$0x2] =	stream.linear.gather [hbm4b:s7+s1], $0x80, $0x38;
	v12 =	vor.u32 v8, v10;
	[tilespmem:$0x14400] =	vst v63  }
0xb4: {  	_ =	swait.ge [sflag:s24], $0x4000;
	v13 =	vor.u32 v6, v10  }
0xb5: {  	s16 =	simm.s32 $0x1;
	v14 =	vor.u32 v2, v10;
	[sflag:s24] =	ssyncset.done $0x0  }
0xb6: {  	v16 =	vmov s16;
	v15 =	vor.u32 v7, v10;
	[sflag:s24] =	ssyncadd.s32 $0xFFFFC000  }
0xb7: {  	v16 =	vand.u32 $0x7F, v16;
	v17 =	vor.u32 v3, v10;
	v11 =	vld.idx.msk [tilespmem:v11+s14+$0x0], $0xffff  }
0xb8: {  	v16 =	vbroadcast v16, $0x0;
	v18 =	vor.u32 v4, v10;
	v12 =	vld.idx.msk [tilespmem:v12+s14+$0x0], $0xffff  }
0xb9: {  	v10 =	vor.u32 v5, v10;
	v19 =	vld.idx.msk [tilespmem:v13+s14+$0x0], $0xffff  }
0xba: {  	v21 =	vor.u32 v0, v16;
	v22 =	vld.idx.msk [tilespmem:v14+s14+$0x0], $0xffff  }
0xbb: {  	v23 =	vor.u32 v8, v16;
	v25 =	vld.idx.msk [tilespmem:v15+s14+$0x0], $0xffff  }
0xbc: {  	s1 =	simm.s32 $0x12440;
	v26 =	vor.u32 v6, v16;
	v27 =	vld.idx.msk [tilespmem:v17+s14+$0x0], $0xffff  }
0xbd: {  	s7 =	simm.s32 $0x2;
	v28 =	vor.u32 v2, v16;
	v13 =	vld.idx.msk [tilespmem:v18+s14+$0x0], $0xffff;
	[tilespmem:s1+$0x30] =	vst v12  }
0xbe: {  	v20 =	vld.idx.msk [tilespmem:v10+s14+$0x0], $0xffff;
	v12 =	vmov s7;
	[tilespmem:s1+$0x10] =	vst v19  }
0xbf: {  	v10 =	vld.idx.msk [tilespmem:v21+s14+$0x0], $0xffff;
	v17 =	vor.u32 v7, v16;
	[tilespmem:s1+$0xFFFFFFC0] =	vst v11;
	v15 =	vand.u32 $0x7F, v12  }
0xc0: {  	v14 =	vor.u32 v3, v16;
	v21 =	vld.idx.msk [tilespmem:v23+s14+$0x0], $0xffff;
	[tilespmem:s1+$0xFFFFFFD0] =	vst v22;
	v24 =	vbroadcast v15, $0x0  }
0xc1: {  	v22 =	vld.idx.msk [tilespmem:v26+s14+$0x0], $0xffff;
	[tilespmem:s1+$0x20] =	vst v25;
	v12 =	vor.u32 v4, v16;
	v15 =	vor.u32 v5, v16  }
0xc2: {  	v19 =	vld.idx.msk [tilespmem:v28+s14+$0x0], $0xffff;
	v16 =	vor.u32 v0, v24;
	v11 =	vor.u32 v2, v24;
	v18 =	vor.u32 v8, v24  }
0xc3: {  	s8 =	simm.s32 $0x124C0;
	s13 =	simm.s32 $0x124C0;
	s16 =	simm.s32 $0x100;
	[tilespmem:s1+$0xFFFFFFE0] =	vst v27;
	v25 =	vor.u32 v3, v24;
	v23 =	vor.u32 v4, v24;
	v26 =	vor.u32 v7, v24  }
.LBB2_13:
0xc4: {  	s16 =	sadd.s32 $0x80, s16;
	v27 =	vor.u32 v5, v24;
	v28 =	vor.u32 v6, v24;
	v29 =	vld.idx.msk [tilespmem:v17+s14+$0x0], $0xffff;
	s8 =	sadd.s32 $0x80, s8;
	[tilespmem:s1+$0x0] =	vst v20;
	v17 =	vmov v26  }
0xc5: {  	p0 =	slt.u32 s16, $0x1F80;
	v30 =	vld.idx.msk [tilespmem:v14+s14+$0x0], $0xffff;
	[tilespmem:s1+$0xFFFFFFF0] =	vst v13;
	v14 =	vmov v25;
	s1 =	smov.u32 s13;
	s13 =	smov.u32 s8  }
0xc6: {  	s7 =	sadd.s32 $0x1, s7;
	v13 =	vld.idx.msk [tilespmem:v12+s14+$0x0], $0xffff;
	[tilespmem:s1+$0x30] =	vst v21;
	v12 =	vmov v23  }
0xc7: {  	v21 =	vmov s7;
	v20 =	vld.idx.msk [tilespmem:v15+s14+$0x0], $0xffff;
	[tilespmem:s1+$0x10] =	vst v22;
	v15 =	vmov v27  }
.Ltmp7:
0xc8: {  	v21 =	vand.u32 $0x7F, v21;
	[tilespmem:s1+$0xFFFFFFC0] =	vst v10;
	v10 =	vld.idx.msk [tilespmem:v16+s14+$0x0], $0xffff;
	(pc) =	sbr.rel @p0 .LBB2_13-.Ltmp7, $4  }
0xc9: {  	v24 =	vbroadcast v21, $0x0;
	v21 =	vld.idx.msk [tilespmem:v18+s14+$0x0], $0xffff;
	[tilespmem:s1+$0xFFFFFFD0] =	vst v19  }
0xca: {  	v22 =	vld.idx.msk [tilespmem:v28+s14+$0x0], $0xffff;
	[tilespmem:s1+$0x20] =	vst v29  }
0xcb: {  	v16 =	vor.u32 v0, v24;
	v18 =	vor.u32 v8, v24;
	v19 =	vld.idx.msk [tilespmem:v11+s14+$0x0], $0xffff;
	v11 =	vor.u32 v2, v24  }
0xcc: {  	v25 =	vor.u32 v3, v24;
	v23 =	vor.u32 v4, v24;
	v26 =	vor.u32 v7, v24;
	[tilespmem:s1+$0xFFFFFFE0] =	vst v30  }
0xcd: {  	_ =	sdelay $0x2  }
0xce: {  	[tilespmem:s1+$0x0] =	vst v20  }
0xcf: {  	v17 =	vld.idx.msk [tilespmem:v17+s14+$0x0], $0xffff;
	[tilespmem:s1+$0xFFFFFFF0] =	vst v13  }
0xd0: {  	v57 =	vld.idx.msk [tilespmem:v14+s14+$0x0], $0xffff;
	[tilespmem:s13+$0xFFFFFFC0] =	vst v10  }
0xd1: {  	v58 =	vld.idx.msk [tilespmem:v15+s14+$0x0], $0xffff;
	[tilespmem:s13+$0x30] =	vst v21  }
0xd2: {  	v12 =	vld.idx.msk [tilespmem:v12+s14+$0x0], $0xffff;
	[tilespmem:s13+$0x10] =	vst v22  }
0xd3: {  	v56 =	vor.u32 v6, v24;
	v10 =	vld.idx.msk [tilespmem:v18+s14+$0x0], $0xffff;
	[tilespmem:s13+$0xFFFFFFD0] =	vst v19  }
0xd4: {  	v16 =	vld.idx.msk [tilespmem:v16+s14+$0x0], $0xffff;
	[tilespmem:s13+$0x20] =	vst v17  }
0xd5: {  	v11 =	vld.idx.msk [tilespmem:v11+s14+$0x0], $0xffff;
	[tilespmem:s13+$0xFFFFFFE0] =	vst v57  }
0xd6: {  	v59 =	vor.u32 v5, v24;
	v61 =	vld.idx.msk [tilespmem:v26+s14+$0x0], $0xffff;
	[tilespmem:s13+$0x0] =	vst v58  }
0xd7: {  	s8 =	sadd.s32 $0x80, s8;
	v62 =	vld.idx.msk [tilespmem:v25+s14+$0x0], $0xffff;
	[tilespmem:s13+$0xFFFFFFF0] =	vst v12  }
0xd8: {  	v60 =	vld.idx.msk [tilespmem:v56+s14+$0x0], $0xffff;
	[tilespmem:s8+$0x30] =	vst v10  }
0xd9: {  	[tilespmem:s8+$0xFFFFFFC0] =	vst v16  }
0xda: {  	[tilespmem:s8+$0xFFFFFFD0] =	vst v11  }
0xdb: {  	v10 =	vld.idx.msk [tilespmem:v59+s14+$0x0], $0xffff;
	[tilespmem:s8+$0x20] =	vst v61  }
0xdc: {  	v63 =	vld.idx.msk [tilespmem:v23+s14+$0x0], $0xffff;
	[tilespmem:s8+$0xFFFFFFE0] =	vst v62  }
0xdd: {  	[tilespmem:s8+$0x10] =	vst v60  }
0xde: {  	s7 =	rddreg [dreg:$0xa]  }
0xdf: {  	s7 =	sadd.s32 s7, s31  }
0xe0: {  	[tilespmem:s8+$0x0] =	vst v10;
	s7 =	sshrl.u32 s7, $0x3  }
0xe1: {  	[tilespmem:s8+$0xFFFFFFF0] =	vst v63;
	s16 =	sadd.s32 s2, s7  }
0xe2: {  	[hbm4b:s16+s11] =	stream.strided.scatter [tilespmem:s25], [sflag:$0xA], $0x2000, s19, s11, $0x38;
	[tilespmem:$0x14400] =	vst v63  }
0xe3: {  	_ =	swait.ge [sflag:s9], $0x80  }
0xe4: {  	[sflag:s9] =	ssyncset.done $0x0  }
0xe5: {  	s1 =	simm.s32 $0x0;
	p0 =	por $0x1, $0x1;
	[sflag:s9] =	ssyncadd.s32 $0xFFFFFF80  }
.LBB2_15:
0xe6: {  	v10 =	vld [tilespmem:s1+$0x0];
	s7 =	sor.u32 $0x10, s1  }
0xe7: {  	s13 =	sor.u32 $0x20, s1;
	v11 =	vld [tilespmem:s7+$0x0]  }
0xe8: {  	s16 =	sor.u32 $0x30, s1;
	v12 =	vld [tilespmem:s13+$0x0]  }
0xe9: {  	v13 =	vld [tilespmem:s16+$0x0]  }
0xea: {  	p1 =	por p0, p0  }
.Ltmp8:
0xeb: {  	v10 =	vadd.s32 v9, v10;
	(pc) =	sbr.rel @p1 .LBB2_15-.Ltmp8, $4  }
0xec: {  	[tilespmem:s1+$0x200] =	vst v10;
	v10 =	vadd.s32 v9, v11  }
0xed: {  	[tilespmem:s1+$0x210] =	vst v10;
	v10 =	vadd.s32 v9, v12  }
0xee: {  	[tilespmem:s1+$0x220] =	vst v10;
	v10 =	vadd.s32 v9, v13  }
0xef: {  	p0 =	por $0x0, $0x0;
	[tilespmem:s1+$0x230] =	vst v10;
	s1 =	simm.s32 $0x40  }
0xf0: {  	[tilespmem:s11], [sflag:$0x5] =	stream.indirect.gather [hbm4b:s4+s3], $0x80, s10, s3, $0xb8;
	[tilespmem:$0x14400] =	vst v63  }
0xf1: {  	s1 =	rddreg [dreg:$0xb]  }
0xf2: {  	s7 =	simm.s32 $0x0;
	s1 =	sadd.s32 s1, s0  }
0xf3: {  	v10 =	vmov s7;
	s1 =	sshrl.u32 s1, $0x3  }
0xf4: {  	s8 =	simm.s32 $0x100;
	v10 =	vand.u32 $0x7F, v10;
	s1 =	sadd.s32 s6, s1  }
0xf5: {  	v10 =	vbroadcast v10, $0x0;
	[tilespmem:s8], [sflag:$0x3] =	stream.linear.gather [hbm4b:s1+s7], $0x80, $0x38;
	[tilespmem:$0x14400] =	vst v63  }
0xf6: {  	_ =	swait.ge [sflag:s26], $0x4000  }
0xf7: {  	v11 =	vor.u32 v0, v10;
	[sflag:s26] =	ssyncset.done $0x0  }
0xf8: {  	v12 =	vor.u32 v8, v10;
	[sflag:s26] =	ssyncadd.s32 $0xFFFFC000  }
0xf9: {  	v13 =	vor.u32 v6, v10;
	_ =	swait.ge [sflag:s28], $0x2000  }
0xfa: {  	s16 =	simm.s32 $0x1;
	v14 =	vor.u32 v2, v10;
	[sflag:s28] =	ssyncset.done $0x0  }
0xfb: {  	v16 =	vmov s16;
	v15 =	vor.u32 v7, v10;
	[sflag:s28] =	ssyncadd.s32 $0xFFFFE000  }
0xfc: {  	v16 =	vand.u32 $0x7F, v16;
	v17 =	vor.u32 v3, v10;
	v11 =	vld.idx.msk [tilespmem:v11+s17+$0x0], $0xffff  }
0xfd: {  	v16 =	vbroadcast v16, $0x0;
	v18 =	vor.u32 v4, v10;
	v12 =	vld.idx.msk [tilespmem:v12+s17+$0x0], $0xffff  }
0xfe: {  	v10 =	vor.u32 v5, v10;
	v19 =	vld.idx.msk [tilespmem:v13+s17+$0x0], $0xffff  }
0xff: {  	v21 =	vor.u32 v0, v16;
	v22 =	vld.idx.msk [tilespmem:v14+s17+$0x0], $0xffff  }
0x100: {  	v23 =	vor.u32 v8, v16;
	v25 =	vld.idx.msk [tilespmem:v15+s17+$0x0], $0xffff  }
0x101: {  	s1 =	simm.s32 $0x10440;
	v26 =	vor.u32 v6, v16;
	v27 =	vld.idx.msk [tilespmem:v17+s17+$0x0], $0xffff  }
0x102: {  	s7 =	simm.s32 $0x2;
	v28 =	vor.u32 v2, v16;
	v13 =	vld.idx.msk [tilespmem:v18+s17+$0x0], $0xffff;
	[tilespmem:s1+$0x30] =	vst v12  }
0x103: {  	v20 =	vld.idx.msk [tilespmem:v10+s17+$0x0], $0xffff;
	v12 =	vmov s7;
	[tilespmem:s1+$0x10] =	vst v19  }
0x104: {  	v10 =	vld.idx.msk [tilespmem:v21+s17+$0x0], $0xffff;
	v17 =	vor.u32 v7, v16;
	[tilespmem:s1+$0xFFFFFFC0] =	vst v11;
	v15 =	vand.u32 $0x7F, v12  }
0x105: {  	v14 =	vor.u32 v3, v16;
	v21 =	vld.idx.msk [tilespmem:v23+s17+$0x0], $0xffff;
	[tilespmem:s1+$0xFFFFFFD0] =	vst v22;
	v24 =	vbroadcast v15, $0x0  }
0x106: {  	v22 =	vld.idx.msk [tilespmem:v26+s17+$0x0], $0xffff;
	[tilespmem:s1+$0x20] =	vst v25;
	v12 =	vor.u32 v4, v16;
	v15 =	vor.u32 v5, v16  }
0x107: {  	v19 =	vld.idx.msk [tilespmem:v28+s17+$0x0], $0xffff;
	v16 =	vor.u32 v0, v24;
	v11 =	vor.u32 v2, v24;
	v18 =	vor.u32 v8, v24  }
0x108: {  	s13 =	simm.s32 $0x104C0;
	s16 =	simm.s32 $0x100;
	s8 =	simm.s32 $0x104C0;
	[tilespmem:s1+$0xFFFFFFE0] =	vst v27;
	v25 =	vor.u32 v3, v24;
	v23 =	vor.u32 v4, v24;
	v26 =	vor.u32 v7, v24  }
.LBB2_17:
0x109: {  	s16 =	sadd.s32 $0x80, s16;
	v27 =	vor.u32 v5, v24;
	v28 =	vor.u32 v6, v24;
	v29 =	vld.idx.msk [tilespmem:v17+s17+$0x0], $0xffff;
	s8 =	sadd.s32 $0x80, s8;
	[tilespmem:s1+$0x0] =	vst v20;
	v17 =	vmov v26  }
0x10a: {  	p0 =	slt.u32 s16, $0x1F80;
	v30 =	vld.idx.msk [tilespmem:v14+s17+$0x0], $0xffff;
	[tilespmem:s1+$0xFFFFFFF0] =	vst v13;
	v14 =	vmov v25;
	s1 =	smov.u32 s13;
	s13 =	smov.u32 s8  }
0x10b: {  	s7 =	sadd.s32 $0x1, s7;
	v13 =	vld.idx.msk [tilespmem:v12+s17+$0x0], $0xffff;
	[tilespmem:s1+$0x30] =	vst v21;
	v12 =	vmov v23  }
0x10c: {  	v21 =	vmov s7;
	v20 =	vld.idx.msk [tilespmem:v15+s17+$0x0], $0xffff;
	[tilespmem:s1+$0x10] =	vst v22;
	v15 =	vmov v27  }
.Ltmp9:
0x10d: {  	v21 =	vand.u32 $0x7F, v21;
	[tilespmem:s1+$0xFFFFFFC0] =	vst v10;
	v10 =	vld.idx.msk [tilespmem:v16+s17+$0x0], $0xffff;
	(pc) =	sbr.rel @p0 .LBB2_17-.Ltmp9, $4  }
0x10e: {  	v24 =	vbroadcast v21, $0x0;
	v21 =	vld.idx.msk [tilespmem:v18+s17+$0x0], $0xffff;
	[tilespmem:s1+$0xFFFFFFD0] =	vst v19  }
0x10f: {  	v22 =	vld.idx.msk [tilespmem:v28+s17+$0x0], $0xffff;
	[tilespmem:s1+$0x20] =	vst v29  }
0x110: {  	v16 =	vor.u32 v0, v24;
	v18 =	vor.u32 v8, v24;
	v19 =	vld.idx.msk [tilespmem:v11+s17+$0x0], $0xffff;
	v11 =	vor.u32 v2, v24  }
0x111: {  	v25 =	vor.u32 v3, v24;
	v23 =	vor.u32 v4, v24;
	v26 =	vor.u32 v7, v24;
	[tilespmem:s1+$0xFFFFFFE0] =	vst v30  }
0x112: {  	_ =	sdelay $0x2  }
0x113: {  	[tilespmem:s1+$0x0] =	vst v20  }
0x114: {  	v17 =	vld.idx.msk [tilespmem:v17+s17+$0x0], $0xffff;
	[tilespmem:s1+$0xFFFFFFF0] =	vst v13  }
0x115: {  	v57 =	vld.idx.msk [tilespmem:v14+s17+$0x0], $0xffff;
	[tilespmem:s13+$0xFFFFFFC0] =	vst v10  }
0x116: {  	v58 =	vld.idx.msk [tilespmem:v15+s17+$0x0], $0xffff;
	[tilespmem:s13+$0x30] =	vst v21  }
0x117: {  	v12 =	vld.idx.msk [tilespmem:v12+s17+$0x0], $0xffff;
	[tilespmem:s13+$0x10] =	vst v22  }
0x118: {  	v56 =	vor.u32 v6, v24;
	v10 =	vld.idx.msk [tilespmem:v18+s17+$0x0], $0xffff;
	[tilespmem:s13+$0xFFFFFFD0] =	vst v19  }
0x119: {  	v16 =	vld.idx.msk [tilespmem:v16+s17+$0x0], $0xffff;
	[tilespmem:s13+$0x20] =	vst v17  }
0x11a: {  	v11 =	vld.idx.msk [tilespmem:v11+s17+$0x0], $0xffff;
	[tilespmem:s13+$0xFFFFFFE0] =	vst v57  }
0x11b: {  	v59 =	vor.u32 v5, v24;
	v61 =	vld.idx.msk [tilespmem:v26+s17+$0x0], $0xffff;
	[tilespmem:s13+$0x0] =	vst v58  }
0x11c: {  	s8 =	sadd.s32 $0x80, s8;
	v62 =	vld.idx.msk [tilespmem:v25+s17+$0x0], $0xffff;
	[tilespmem:s13+$0xFFFFFFF0] =	vst v12  }
0x11d: {  	v60 =	vld.idx.msk [tilespmem:v56+s17+$0x0], $0xffff;
	[tilespmem:s8+$0x30] =	vst v10  }
0x11e: {  	[tilespmem:s8+$0xFFFFFFC0] =	vst v16  }
0x11f: {  	[tilespmem:s8+$0xFFFFFFD0] =	vst v11  }
0x120: {  	v10 =	vld.idx.msk [tilespmem:v59+s17+$0x0], $0xffff;
	[tilespmem:s8+$0x20] =	vst v61  }
0x121: {  	v63 =	vld.idx.msk [tilespmem:v23+s17+$0x0], $0xffff;
	[tilespmem:s8+$0xFFFFFFE0] =	vst v62  }
0x122: {  	[tilespmem:s8+$0x10] =	vst v60  }
0x123: {  	s7 =	rddreg [dreg:$0xc]  }
0x124: {  	s7 =	sadd.s32 s7, s31  }
0x125: {  	[tilespmem:s8+$0x0] =	vst v10;
	s7 =	sshrl.u32 s7, $0x3  }
0x126: {  	[tilespmem:s8+$0xFFFFFFF0] =	vst v63;
	s16 =	sadd.s32 s2, s7  }
0x127: {  	[hbm4b:s16+s11] =	stream.strided.scatter [tilespmem:s20], [sflag:$0x9], $0x2000, s19, s11, $0x38;
	[tilespmem:$0x14400] =	vst v63  }
0x128: {  	_ =	swait.ge [sflag:s12], $0x80  }
0x129: {  	[sflag:s12] =	ssyncset.done $0x0  }
0x12a: {  	s1 =	simm.s32 $0x0;
	p0 =	por $0x1, $0x1;
	[sflag:s12] =	ssyncadd.s32 $0xFFFFFF80  }
.LBB2_19:
0x12b: {  	v10 =	vld [tilespmem:s1+$0x80]  }
0x12c: {  	v11 =	vld [tilespmem:s1+$0x90]  }
0x12d: {  	v12 =	vld [tilespmem:s1+$0xA0]  }
0x12e: {  	v13 =	vld [tilespmem:s1+$0xB0]  }
0x12f: {  	p1 =	por p0, p0  }
.Ltmp10:
0x130: {  	v10 =	vadd.s32 v9, v10;
	(pc) =	sbr.rel @p1 .LBB2_19-.Ltmp10, $4  }
0x131: {  	[tilespmem:s1+$0x280] =	vst v10;
	v10 =	vadd.s32 v9, v11  }
0x132: {  	[tilespmem:s1+$0x290] =	vst v10;
	v10 =	vadd.s32 v9, v12  }
0x133: {  	[tilespmem:s1+$0x2A0] =	vst v10;
	v10 =	vadd.s32 v9, v13  }
0x134: {  	p0 =	por $0x0, $0x0;
	[tilespmem:s1+$0x2B0] =	vst v10;
	s1 =	simm.s32 $0x40  }
0x135: {  	s1 =	simm.s32 $0x280;
	s13 =	rddreg [dreg:$0xd]  }
0x136: {  	[tilespmem:s14], [sflag:$0x6] =	stream.indirect.gather [hbm4b:s4+s3], $0x80, s1, s3, $0xb8;
	[tilespmem:$0x14400] =	vst v63  }
0x137: {  	s7 =	simm.s32 $0x0;
	s1 =	sadd.s32 s13, s0  }
0x138: {  	v10 =	vmov s7;
	s1 =	sshrl.u32 s1, $0x3  }
0x139: {  	s8 =	simm.s32 $0x180;
	v10 =	vand.u32 $0x7F, v10;
	s1 =	sadd.s32 s6, s1  }
0x13a: {  	v10 =	vbroadcast v10, $0x0;
	[tilespmem:s8], [sflag:$0x4] =	stream.linear.gather [hbm4b:s1+s7], $0x80, $0x38;
	[tilespmem:$0x14400] =	vst v63  }
0x13b: {  	_ =	swait.ge [sflag:s29], $0x4000  }
0x13c: {  	v11 =	vor.u32 v0, v10;
	[sflag:s29] =	ssyncset.done $0x0  }
0x13d: {  	v12 =	vor.u32 v8, v10;
	[sflag:s29] =	ssyncadd.s32 $0xFFFFC000  }
0x13e: {  	v13 =	vor.u32 v6, v10;
	_ =	swait.ge [sflag:s30], $0x2000  }
0x13f: {  	s16 =	simm.s32 $0x1;
	v14 =	vor.u32 v2, v10;
	[sflag:s30] =	ssyncset.done $0x0  }
0x140: {  	v16 =	vmov s16;
	v15 =	vor.u32 v7, v10;
	[sflag:s30] =	ssyncadd.s32 $0xFFFFE000  }
0x141: {  	v16 =	vand.u32 $0x7F, v16;
	v17 =	vor.u32 v3, v10;
	v11 =	vld.idx.msk [tilespmem:v11+s23+$0x0], $0xffff  }
0x142: {  	v16 =	vbroadcast v16, $0x0;
	v18 =	vor.u32 v4, v10;
	v12 =	vld.idx.msk [tilespmem:v12+s23+$0x0], $0xffff  }
0x143: {  	v10 =	vor.u32 v5, v10;
	v19 =	vld.idx.msk [tilespmem:v13+s23+$0x0], $0xffff  }
0x144: {  	v21 =	vor.u32 v0, v16;
	v22 =	vld.idx.msk [tilespmem:v14+s23+$0x0], $0xffff  }
0x145: {  	v23 =	vor.u32 v8, v16;
	v25 =	vld.idx.msk [tilespmem:v15+s23+$0x0], $0xffff  }
0x146: {  	s1 =	simm.s32 $0x12440;
	v26 =	vor.u32 v6, v16;
	v27 =	vld.idx.msk [tilespmem:v17+s23+$0x0], $0xffff  }
0x147: {  	s7 =	simm.s32 $0x2;
	v28 =	vor.u32 v2, v16;
	v13 =	vld.idx.msk [tilespmem:v18+s23+$0x0], $0xffff;
	[tilespmem:s1+$0x30] =	vst v12  }
0x148: {  	v20 =	vld.idx.msk [tilespmem:v10+s23+$0x0], $0xffff;
	v12 =	vmov s7;
	[tilespmem:s1+$0x10] =	vst v19  }
0x149: {  	v10 =	vld.idx.msk [tilespmem:v21+s23+$0x0], $0xffff;
	v17 =	vor.u32 v7, v16;
	[tilespmem:s1+$0xFFFFFFC0] =	vst v11;
	v15 =	vand.u32 $0x7F, v12  }
0x14a: {  	v14 =	vor.u32 v3, v16;
	v21 =	vld.idx.msk [tilespmem:v23+s23+$0x0], $0xffff;
	[tilespmem:s1+$0xFFFFFFD0] =	vst v22;
	v24 =	vbroadcast v15, $0x0  }
0x14b: {  	v22 =	vld.idx.msk [tilespmem:v26+s23+$0x0], $0xffff;
	[tilespmem:s1+$0x20] =	vst v25;
	v12 =	vor.u32 v4, v16;
	v15 =	vor.u32 v5, v16  }
0x14c: {  	v19 =	vld.idx.msk [tilespmem:v28+s23+$0x0], $0xffff;
	v16 =	vor.u32 v0, v24;
	v11 =	vor.u32 v2, v24;
	v18 =	vor.u32 v8, v24  }
0x14d: {  	s16 =	simm.s32 $0x100;
	s13 =	simm.s32 $0x124C0;
	s8 =	simm.s32 $0x124C0;
	[tilespmem:s1+$0xFFFFFFE0] =	vst v27;
	v25 =	vor.u32 v3, v24;
	v23 =	vor.u32 v4, v24;
	v26 =	vor.u32 v7, v24  }
.LBB2_21:
0x14e: {  	s16 =	sadd.s32 $0x80, s16;
	v27 =	vor.u32 v5, v24;
	v28 =	vor.u32 v6, v24;
	v29 =	vld.idx.msk [tilespmem:v17+s23+$0x0], $0xffff;
	s8 =	sadd.s32 $0x80, s8;
	[tilespmem:s1+$0x0] =	vst v20;
	v17 =	vmov v26  }
0x14f: {  	p0 =	slt.u32 s16, $0x1F80;
	v30 =	vld.idx.msk [tilespmem:v14+s23+$0x0], $0xffff;
	[tilespmem:s1+$0xFFFFFFF0] =	vst v13;
	v14 =	vmov v25;
	s1 =	smov.u32 s13;
	s13 =	smov.u32 s8  }
0x150: {  	s7 =	sadd.s32 $0x1, s7;
	v13 =	vld.idx.msk [tilespmem:v12+s23+$0x0], $0xffff;
	[tilespmem:s1+$0x30] =	vst v21;
	v12 =	vmov v23  }
0x151: {  	v21 =	vmov s7;
	v20 =	vld.idx.msk [tilespmem:v15+s23+$0x0], $0xffff;
	[tilespmem:s1+$0x10] =	vst v22;
	v15 =	vmov v27  }
.Ltmp11:
0x152: {  	v21 =	vand.u32 $0x7F, v21;
	[tilespmem:s1+$0xFFFFFFC0] =	vst v10;
	v10 =	vld.idx.msk [tilespmem:v16+s23+$0x0], $0xffff;
	(pc) =	sbr.rel @p0 .LBB2_21-.Ltmp11, $4  }
0x153: {  	v24 =	vbroadcast v21, $0x0;
	v21 =	vld.idx.msk [tilespmem:v18+s23+$0x0], $0xffff;
	[tilespmem:s1+$0xFFFFFFD0] =	vst v19  }
0x154: {  	v22 =	vld.idx.msk [tilespmem:v28+s23+$0x0], $0xffff;
	[tilespmem:s1+$0x20] =	vst v29  }
0x155: {  	v16 =	vor.u32 v0, v24;
	v18 =	vor.u32 v8, v24;
	v19 =	vld.idx.msk [tilespmem:v11+s23+$0x0], $0xffff;
	v11 =	vor.u32 v2, v24  }
0x156: {  	v25 =	vor.u32 v3, v24;
	v23 =	vor.u32 v4, v24;
	v26 =	vor.u32 v7, v24;
	[tilespmem:s1+$0xFFFFFFE0] =	vst v30  }
0x157: {  	_ =	sdelay $0x2  }
0x158: {  	[tilespmem:s1+$0x0] =	vst v20  }
0x159: {  	v17 =	vld.idx.msk [tilespmem:v17+s23+$0x0], $0xffff;
	[tilespmem:s1+$0xFFFFFFF0] =	vst v13  }
0x15a: {  	v57 =	vld.idx.msk [tilespmem:v14+s23+$0x0], $0xffff;
	[tilespmem:s13+$0xFFFFFFC0] =	vst v10  }
0x15b: {  	v58 =	vld.idx.msk [tilespmem:v15+s23+$0x0], $0xffff;
	[tilespmem:s13+$0x30] =	vst v21  }
0x15c: {  	v12 =	vld.idx.msk [tilespmem:v12+s23+$0x0], $0xffff;
	[tilespmem:s13+$0x10] =	vst v22  }
0x15d: {  	v56 =	vor.u32 v6, v24;
	v10 =	vld.idx.msk [tilespmem:v18+s23+$0x0], $0xffff;
	[tilespmem:s13+$0xFFFFFFD0] =	vst v19  }
0x15e: {  	v16 =	vld.idx.msk [tilespmem:v16+s23+$0x0], $0xffff;
	[tilespmem:s13+$0x20] =	vst v17  }
0x15f: {  	v11 =	vld.idx.msk [tilespmem:v11+s23+$0x0], $0xffff;
	[tilespmem:s13+$0xFFFFFFE0] =	vst v57  }
0x160: {  	v59 =	vor.u32 v5, v24;
	v61 =	vld.idx.msk [tilespmem:v26+s23+$0x0], $0xffff;
	[tilespmem:s13+$0x0] =	vst v58  }
0x161: {  	s8 =	sadd.s32 $0x80, s8;
	v62 =	vld.idx.msk [tilespmem:v25+s23+$0x0], $0xffff;
	[tilespmem:s13+$0xFFFFFFF0] =	vst v12  }
0x162: {  	v60 =	vld.idx.msk [tilespmem:v56+s23+$0x0], $0xffff;
	[tilespmem:s8+$0x30] =	vst v10  }
0x163: {  	[tilespmem:s8+$0xFFFFFFC0] =	vst v16  }
0x164: {  	[tilespmem:s8+$0xFFFFFFD0] =	vst v11  }
0x165: {  	v10 =	vld.idx.msk [tilespmem:v59+s23+$0x0], $0xffff;
	[tilespmem:s8+$0x20] =	vst v61  }
0x166: {  	v63 =	vld.idx.msk [tilespmem:v23+s23+$0x0], $0xffff;
	[tilespmem:s8+$0xFFFFFFE0] =	vst v62  }
0x167: {  	[tilespmem:s8+$0x10] =	vst v60  }
0x168: {  	s7 =	rddreg [dreg:$0xe]  }
0x169: {  	s7 =	sadd.s32 s7, s31  }
0x16a: {  	[tilespmem:s8+$0x0] =	vst v10;
	s7 =	sshrl.u32 s7, $0x3  }
0x16b: {  	[tilespmem:s8+$0xFFFFFFF0] =	vst v63;
	s16 =	sadd.s32 s2, s7  }
0x16c: {  	[hbm4b:s16+s11] =	stream.strided.scatter [tilespmem:s25], [sflag:$0xA], $0x2000, s19, s11, $0x38;
	[tilespmem:$0x14400] =	vst v63  }
0x16d: {  	_ =	swait.ge [sflag:s15], $0x80  }
0x16e: {  	[sflag:s15] =	ssyncset.done $0x0  }
0x16f: {  	s1 =	simm.s32 $0x0;
	p0 =	por $0x1, $0x1;
	[sflag:s15] =	ssyncadd.s32 $0xFFFFFF80  }
.LBB2_23:
0x170: {  	v10 =	vld [tilespmem:s1+$0x100]  }
0x171: {  	v11 =	vld [tilespmem:s1+$0x110]  }
0x172: {  	v12 =	vld [tilespmem:s1+$0x120]  }
0x173: {  	v13 =	vld [tilespmem:s1+$0x130]  }
0x174: {  	p1 =	por p0, p0  }
.Ltmp12:
0x175: {  	v10 =	vadd.s32 v9, v10;
	(pc) =	sbr.rel @p1 .LBB2_23-.Ltmp12, $4  }
0x176: {  	[tilespmem:s1+$0x300] =	vst v10;
	v10 =	vadd.s32 v9, v11  }
0x177: {  	[tilespmem:s1+$0x310] =	vst v10;
	v10 =	vadd.s32 v9, v12  }
0x178: {  	[tilespmem:s1+$0x320] =	vst v10;
	v10 =	vadd.s32 v9, v13  }
0x179: {  	p0 =	por $0x0, $0x0;
	[tilespmem:s1+$0x330] =	vst v10;
	s1 =	simm.s32 $0x40  }
0x17a: {  	s1 =	simm.s32 $0x300;
	s13 =	rddreg [dreg:$0x13]  }
0x17b: {  	[tilespmem:s17], [sflag:$0x7] =	stream.indirect.gather [hbm4b:s4+s3], $0x80, s1, s3, $0xb8;
	[tilespmem:$0x14400] =	vst v63  }
0x17c: {  	s7 =	simm.s32 $0x0;
	s1 =	sadd.s32 s13, s0  }
0x17d: {  	v10 =	vmov s7;
	s1 =	sshrl.u32 s1, $0x3  }
0x17e: {  	v10 =	vand.u32 $0x7F, v10;
	s1 =	sadd.s32 s6, s1  }
0x17f: {  	v10 =	vbroadcast v10, $0x0;
	[tilespmem:s7], [sflag:$0x1] =	stream.linear.gather [hbm4b:s1+s7], $0x80, $0x38;
	[tilespmem:$0x14400] =	vst v63  }
0x180: {  	_ =	swait.ge [sflag:s18], $0x4000  }
0x181: {  	v11 =	vor.u32 v0, v10;
	[sflag:s18] =	ssyncset.done $0x0  }
0x182: {  	v12 =	vor.u32 v8, v10;
	[sflag:s18] =	ssyncadd.s32 $0xFFFFC000  }
0x183: {  	v13 =	vor.u32 v6, v10;
	_ =	swait.ge [sflag:s28], $0x2000  }
0x184: {  	s16 =	simm.s32 $0x1;
	v14 =	vor.u32 v2, v10;
	[sflag:s28] =	ssyncset.done $0x0  }
0x185: {  	v16 =	vmov s16;
	v15 =	vor.u32 v7, v10;
	[sflag:s28] =	ssyncadd.s32 $0xFFFFE000  }
0x186: {  	v16 =	vand.u32 $0x7F, v16;
	v17 =	vor.u32 v3, v10;
	v11 =	vld.idx.msk [tilespmem:v11+s11+$0x0], $0xffff  }
0x187: {  	v16 =	vbroadcast v16, $0x0;
	v18 =	vor.u32 v4, v10;
	v12 =	vld.idx.msk [tilespmem:v12+s11+$0x0], $0xffff  }
0x188: {  	v10 =	vor.u32 v5, v10;
	v19 =	vld.idx.msk [tilespmem:v13+s11+$0x0], $0xffff  }
0x189: {  	v21 =	vor.u32 v0, v16;
	v22 =	vld.idx.msk [tilespmem:v14+s11+$0x0], $0xffff  }
0x18a: {  	v23 =	vor.u32 v8, v16;
	v25 =	vld.idx.msk [tilespmem:v15+s11+$0x0], $0xffff  }
0x18b: {  	s1 =	simm.s32 $0x10440;
	v26 =	vor.u32 v6, v16;
	v27 =	vld.idx.msk [tilespmem:v17+s11+$0x0], $0xffff  }
0x18c: {  	s7 =	simm.s32 $0x2;
	v28 =	vor.u32 v2, v16;
	v13 =	vld.idx.msk [tilespmem:v18+s11+$0x0], $0xffff;
	[tilespmem:s1+$0x30] =	vst v12  }
0x18d: {  	v20 =	vld.idx.msk [tilespmem:v10+s11+$0x0], $0xffff;
	v12 =	vmov s7;
	[tilespmem:s1+$0x10] =	vst v19  }
0x18e: {  	v10 =	vld.idx.msk [tilespmem:v21+s11+$0x0], $0xffff;
	v17 =	vor.u32 v7, v16;
	[tilespmem:s1+$0xFFFFFFC0] =	vst v11;
	v15 =	vand.u32 $0x7F, v12  }
0x18f: {  	v14 =	vor.u32 v3, v16;
	v21 =	vld.idx.msk [tilespmem:v23+s11+$0x0], $0xffff;
	[tilespmem:s1+$0xFFFFFFD0] =	vst v22;
	v24 =	vbroadcast v15, $0x0  }
0x190: {  	v22 =	vld.idx.msk [tilespmem:v26+s11+$0x0], $0xffff;
	[tilespmem:s1+$0x20] =	vst v25;
	v12 =	vor.u32 v4, v16;
	v15 =	vor.u32 v5, v16  }
0x191: {  	v19 =	vld.idx.msk [tilespmem:v28+s11+$0x0], $0xffff;
	v16 =	vor.u32 v0, v24;
	v11 =	vor.u32 v2, v24;
	v18 =	vor.u32 v8, v24  }
0x192: {  	s8 =	simm.s32 $0x104C0;
	s16 =	simm.s32 $0x100;
	s13 =	simm.s32 $0x104C0;
	[tilespmem:s1+$0xFFFFFFE0] =	vst v27;
	v25 =	vor.u32 v3, v24;
	v23 =	vor.u32 v4, v24;
	v26 =	vor.u32 v7, v24  }
.LBB2_25:
0x193: {  	s16 =	sadd.s32 $0x80, s16;
	v27 =	vor.u32 v5, v24;
	v28 =	vor.u32 v6, v24;
	v29 =	vld.idx.msk [tilespmem:v17+s11+$0x0], $0xffff;
	s8 =	sadd.s32 $0x80, s8;
	[tilespmem:s1+$0x0] =	vst v20;
	v17 =	vmov v26  }
0x194: {  	p0 =	slt.u32 s16, $0x1F80;
	v30 =	vld.idx.msk [tilespmem:v14+s11+$0x0], $0xffff;
	[tilespmem:s1+$0xFFFFFFF0] =	vst v13;
	v14 =	vmov v25;
	s1 =	smov.u32 s13;
	s13 =	smov.u32 s8  }
0x195: {  	s7 =	sadd.s32 $0x1, s7;
	v13 =	vld.idx.msk [tilespmem:v12+s11+$0x0], $0xffff;
	[tilespmem:s1+$0x30] =	vst v21;
	v12 =	vmov v23  }
0x196: {  	v21 =	vmov s7;
	v20 =	vld.idx.msk [tilespmem:v15+s11+$0x0], $0xffff;
	[tilespmem:s1+$0x10] =	vst v22;
	v15 =	vmov v27  }
.Ltmp13:
0x197: {  	v21 =	vand.u32 $0x7F, v21;
	[tilespmem:s1+$0xFFFFFFC0] =	vst v10;
	v10 =	vld.idx.msk [tilespmem:v16+s11+$0x0], $0xffff;
	(pc) =	sbr.rel @p0 .LBB2_25-.Ltmp13, $4  }
0x198: {  	v24 =	vbroadcast v21, $0x0;
	v21 =	vld.idx.msk [tilespmem:v18+s11+$0x0], $0xffff;
	[tilespmem:s1+$0xFFFFFFD0] =	vst v19  }
0x199: {  	v22 =	vld.idx.msk [tilespmem:v28+s11+$0x0], $0xffff;
	[tilespmem:s1+$0x20] =	vst v29  }
0x19a: {  	v16 =	vor.u32 v0, v24;
	v18 =	vor.u32 v8, v24;
	v19 =	vld.idx.msk [tilespmem:v11+s11+$0x0], $0xffff;
	v11 =	vor.u32 v2, v24  }
0x19b: {  	v25 =	vor.u32 v3, v24;
	v23 =	vor.u32 v4, v24;
	v26 =	vor.u32 v7, v24;
	[tilespmem:s1+$0xFFFFFFE0] =	vst v30  }
0x19c: {  	_ =	sdelay $0x2  }
0x19d: {  	[tilespmem:s1+$0x0] =	vst v20  }
0x19e: {  	v17 =	vld.idx.msk [tilespmem:v17+s11+$0x0], $0xffff;
	[tilespmem:s1+$0xFFFFFFF0] =	vst v13  }
0x19f: {  	v57 =	vld.idx.msk [tilespmem:v14+s11+$0x0], $0xffff;
	[tilespmem:s13+$0xFFFFFFC0] =	vst v10  }
0x1a0: {  	v58 =	vld.idx.msk [tilespmem:v15+s11+$0x0], $0xffff;
	[tilespmem:s13+$0x30] =	vst v21  }
0x1a1: {  	v12 =	vld.idx.msk [tilespmem:v12+s11+$0x0], $0xffff;
	[tilespmem:s13+$0x10] =	vst v22  }
0x1a2: {  	v56 =	vor.u32 v6, v24;
	v10 =	vld.idx.msk [tilespmem:v18+s11+$0x0], $0xffff;
	[tilespmem:s13+$0xFFFFFFD0] =	vst v19  }
0x1a3: {  	v16 =	vld.idx.msk [tilespmem:v16+s11+$0x0], $0xffff;
	[tilespmem:s13+$0x20] =	vst v17  }
0x1a4: {  	v11 =	vld.idx.msk [tilespmem:v11+s11+$0x0], $0xffff;
	[tilespmem:s13+$0xFFFFFFE0] =	vst v57  }
0x1a5: {  	v59 =	vor.u32 v5, v24;
	v61 =	vld.idx.msk [tilespmem:v26+s11+$0x0], $0xffff;
	[tilespmem:s13+$0x0] =	vst v58  }
0x1a6: {  	s8 =	sadd.s32 $0x80, s8;
	v62 =	vld.idx.msk [tilespmem:v25+s11+$0x0], $0xffff;
	[tilespmem:s13+$0xFFFFFFF0] =	vst v12  }
0x1a7: {  	v60 =	vld.idx.msk [tilespmem:v56+s11+$0x0], $0xffff;
	[tilespmem:s8+$0x30] =	vst v10  }
0x1a8: {  	[tilespmem:s8+$0xFFFFFFC0] =	vst v16  }
0x1a9: {  	[tilespmem:s8+$0xFFFFFFD0] =	vst v11  }
0x1aa: {  	v10 =	vld.idx.msk [tilespmem:v59+s11+$0x0], $0xffff;
	[tilespmem:s8+$0x20] =	vst v61  }
0x1ab: {  	v63 =	vld.idx.msk [tilespmem:v23+s11+$0x0], $0xffff;
	[tilespmem:s8+$0xFFFFFFE0] =	vst v62  }
0x1ac: {  	[tilespmem:s8+$0x10] =	vst v60  }
0x1ad: {  	s7 =	rddreg [dreg:$0xf]  }
0x1ae: {  	s7 =	sadd.s32 s7, s31  }
0x1af: {  	[tilespmem:s8+$0x0] =	vst v10;
	s7 =	sshrl.u32 s7, $0x3  }
0x1b0: {  	[tilespmem:s8+$0xFFFFFFF0] =	vst v63;
	s16 =	sadd.s32 s2, s7  }
0x1b1: {  	[hbm4b:s16+s11] =	stream.strided.scatter [tilespmem:s20], [sflag:$0x9], $0x2000, s19, s11, $0x38;
	[tilespmem:$0x14400] =	vst v63  }
0x1b2: {  	_ =	swait.ge [sflag:s21], $0x80  }
0x1b3: {  	[sflag:s21] =	ssyncset.done $0x0  }
0x1b4: {  	s1 =	simm.s32 $0x0;
	p0 =	por $0x1, $0x1;
	[sflag:s21] =	ssyncadd.s32 $0xFFFFFF80  }
.LBB2_27:
0x1b5: {  	v10 =	vld [tilespmem:s1+$0x180]  }
0x1b6: {  	v11 =	vld [tilespmem:s1+$0x190]  }
0x1b7: {  	v12 =	vld [tilespmem:s1+$0x1A0]  }
0x1b8: {  	v13 =	vld [tilespmem:s1+$0x1B0]  }
0x1b9: {  	p1 =	por p0, p0  }
.Ltmp14:
0x1ba: {  	v10 =	vadd.s32 v9, v10;
	(pc) =	sbr.rel @p1 .LBB2_27-.Ltmp14, $4  }
0x1bb: {  	[tilespmem:s1+$0x380] =	vst v10;
	v10 =	vadd.s32 v9, v11  }
0x1bc: {  	[tilespmem:s1+$0x390] =	vst v10;
	v10 =	vadd.s32 v9, v12  }
0x1bd: {  	[tilespmem:s1+$0x3A0] =	vst v10;
	v10 =	vadd.s32 v9, v13  }
0x1be: {  	p0 =	por $0x0, $0x0;
	[tilespmem:s1+$0x3B0] =	vst v10;
	s1 =	simm.s32 $0x40  }
0x1bf: {  	[tilespmem:s23], [sflag:$0x8] =	stream.indirect.gather [hbm4b:s4+s3], $0x80, s22, s3, $0xb8;
	[tilespmem:$0x14400] =	vst v63  }
0x1c0: {  	s1 =	rddreg [dreg:$0x15]  }
0x1c1: {  	s7 =	simm.s32 $0x0;
	s1 =	sadd.s32 s1, s0  }
0x1c2: {  	v10 =	vmov s7;
	s1 =	sshrl.u32 s1, $0x3  }
0x1c3: {  	v10 =	vand.u32 $0x7F, v10;
	s1 =	sadd.s32 s6, s1  }
0x1c4: {  	v10 =	vbroadcast v10, $0x0;
	[tilespmem:s3], [sflag:$0x2] =	stream.linear.gather [hbm4b:s1+s7], $0x80, $0x38;
	[tilespmem:$0x14400] =	vst v63  }
0x1c5: {  	_ =	swait.ge [sflag:s24], $0x4000  }
0x1c6: {  	v11 =	vor.u32 v0, v10;
	[sflag:s24] =	ssyncset.done $0x0  }
0x1c7: {  	v12 =	vor.u32 v8, v10;
	[sflag:s24] =	ssyncadd.s32 $0xFFFFC000  }
0x1c8: {  	v13 =	vor.u32 v6, v10;
	_ =	swait.ge [sflag:s30], $0x2000  }
0x1c9: {  	s16 =	simm.s32 $0x1;
	v14 =	vor.u32 v2, v10;
	[sflag:s30] =	ssyncset.done $0x0  }
0x1ca: {  	v16 =	vmov s16;
	v15 =	vor.u32 v7, v10;
	[sflag:s30] =	ssyncadd.s32 $0xFFFFE000  }
0x1cb: {  	v16 =	vand.u32 $0x7F, v16;
	v17 =	vor.u32 v3, v10;
	v11 =	vld.idx.msk [tilespmem:v11+s14+$0x0], $0xffff  }
0x1cc: {  	v16 =	vbroadcast v16, $0x0;
	v18 =	vor.u32 v4, v10;
	v12 =	vld.idx.msk [tilespmem:v12+s14+$0x0], $0xffff  }
0x1cd: {  	v10 =	vor.u32 v5, v10;
	v19 =	vld.idx.msk [tilespmem:v13+s14+$0x0], $0xffff  }
0x1ce: {  	v21 =	vor.u32 v0, v16;
	v22 =	vld.idx.msk [tilespmem:v14+s14+$0x0], $0xffff  }
0x1cf: {  	v23 =	vor.u32 v8, v16;
	v25 =	vld.idx.msk [tilespmem:v15+s14+$0x0], $0xffff  }
0x1d0: {  	s1 =	simm.s32 $0x12440;
	v26 =	vor.u32 v6, v16;
	v27 =	vld.idx.msk [tilespmem:v17+s14+$0x0], $0xffff  }
0x1d1: {  	s7 =	simm.s32 $0x2;
	v28 =	vor.u32 v2, v16;
	v13 =	vld.idx.msk [tilespmem:v18+s14+$0x0], $0xffff;
	[tilespmem:s1+$0x30] =	vst v12  }
0x1d2: {  	v20 =	vld.idx.msk [tilespmem:v10+s14+$0x0], $0xffff;
	v12 =	vmov s7;
	[tilespmem:s1+$0x10] =	vst v19  }
0x1d3: {  	v10 =	vld.idx.msk [tilespmem:v21+s14+$0x0], $0xffff;
	v17 =	vor.u32 v7, v16;
	[tilespmem:s1+$0xFFFFFFC0] =	vst v11;
	v15 =	vand.u32 $0x7F, v12  }
0x1d4: {  	v14 =	vor.u32 v3, v16;
	v21 =	vld.idx.msk [tilespmem:v23+s14+$0x0], $0xffff;
	[tilespmem:s1+$0xFFFFFFD0] =	vst v22;
	v24 =	vbroadcast v15, $0x0  }
0x1d5: {  	v22 =	vld.idx.msk [tilespmem:v26+s14+$0x0], $0xffff;
	[tilespmem:s1+$0x20] =	vst v25;
	v12 =	vor.u32 v4, v16;
	v15 =	vor.u32 v5, v16  }
0x1d6: {  	v19 =	vld.idx.msk [tilespmem:v28+s14+$0x0], $0xffff;
	v16 =	vor.u32 v0, v24;
	v11 =	vor.u32 v2, v24;
	v18 =	vor.u32 v8, v24  }
0x1d7: {  	s8 =	simm.s32 $0x124C0;
	s13 =	simm.s32 $0x124C0;
	s16 =	simm.s32 $0x100;
	[tilespmem:s1+$0xFFFFFFE0] =	vst v27;
	v25 =	vor.u32 v3, v24;
	v23 =	vor.u32 v4, v24;
	v26 =	vor.u32 v7, v24  }
.LBB2_29:
0x1d8: {  	s16 =	sadd.s32 $0x80, s16;
	v27 =	vor.u32 v5, v24;
	v28 =	vor.u32 v6, v24;
	v29 =	vld.idx.msk [tilespmem:v17+s14+$0x0], $0xffff;
	s8 =	sadd.s32 $0x80, s8;
	[tilespmem:s1+$0x0] =	vst v20;
	v17 =	vmov v26  }
0x1d9: {  	p0 =	slt.u32 s16, $0x1F80;
	v30 =	vld.idx.msk [tilespmem:v14+s14+$0x0], $0xffff;
	[tilespmem:s1+$0xFFFFFFF0] =	vst v13;
	v14 =	vmov v25;
	s1 =	smov.u32 s13;
	s13 =	smov.u32 s8  }
0x1da: {  	s7 =	sadd.s32 $0x1, s7;
	v13 =	vld.idx.msk [tilespmem:v12+s14+$0x0], $0xffff;
	[tilespmem:s1+$0x30] =	vst v21;
	v12 =	vmov v23  }
0x1db: {  	v21 =	vmov s7;
	v20 =	vld.idx.msk [tilespmem:v15+s14+$0x0], $0xffff;
	[tilespmem:s1+$0x10] =	vst v22;
	v15 =	vmov v27  }
.Ltmp15:
0x1dc: {  	v21 =	vand.u32 $0x7F, v21;
	[tilespmem:s1+$0xFFFFFFC0] =	vst v10;
	v10 =	vld.idx.msk [tilespmem:v16+s14+$0x0], $0xffff;
	(pc) =	sbr.rel @p0 .LBB2_29-.Ltmp15, $4  }
0x1dd: {  	v24 =	vbroadcast v21, $0x0;
	v21 =	vld.idx.msk [tilespmem:v18+s14+$0x0], $0xffff;
	[tilespmem:s1+$0xFFFFFFD0] =	vst v19  }
0x1de: {  	v22 =	vld.idx.msk [tilespmem:v28+s14+$0x0], $0xffff;
	[tilespmem:s1+$0x20] =	vst v29  }
0x1df: {  	v16 =	vor.u32 v0, v24;
	v18 =	vor.u32 v8, v24;
	v19 =	vld.idx.msk [tilespmem:v11+s14+$0x0], $0xffff;
	v11 =	vor.u32 v2, v24  }
0x1e0: {  	v25 =	vor.u32 v3, v24;
	v23 =	vor.u32 v4, v24;
	v26 =	vor.u32 v7, v24;
	[tilespmem:s1+$0xFFFFFFE0] =	vst v30  }
0x1e1: {  	_ =	sdelay $0x2  }
0x1e2: {  	[tilespmem:s1+$0x0] =	vst v20  }
0x1e3: {  	v17 =	vld.idx.msk [tilespmem:v17+s14+$0x0], $0xffff;
	[tilespmem:s1+$0xFFFFFFF0] =	vst v13  }
0x1e4: {  	v57 =	vld.idx.msk [tilespmem:v14+s14+$0x0], $0xffff;
	[tilespmem:s13+$0xFFFFFFC0] =	vst v10  }
0x1e5: {  	v58 =	vld.idx.msk [tilespmem:v15+s14+$0x0], $0xffff;
	[tilespmem:s13+$0x30] =	vst v21  }
0x1e6: {  	v12 =	vld.idx.msk [tilespmem:v12+s14+$0x0], $0xffff;
	[tilespmem:s13+$0x10] =	vst v22  }
0x1e7: {  	v56 =	vor.u32 v6, v24;
	v10 =	vld.idx.msk [tilespmem:v18+s14+$0x0], $0xffff;
	[tilespmem:s13+$0xFFFFFFD0] =	vst v19  }
0x1e8: {  	v16 =	vld.idx.msk [tilespmem:v16+s14+$0x0], $0xffff;
	[tilespmem:s13+$0x20] =	vst v17  }
0x1e9: {  	v11 =	vld.idx.msk [tilespmem:v11+s14+$0x0], $0xffff;
	[tilespmem:s13+$0xFFFFFFE0] =	vst v57  }
0x1ea: {  	v59 =	vor.u32 v5, v24;
	v61 =	vld.idx.msk [tilespmem:v26+s14+$0x0], $0xffff;
	[tilespmem:s13+$0x0] =	vst v58  }
0x1eb: {  	s8 =	sadd.s32 $0x80, s8;
	v62 =	vld.idx.msk [tilespmem:v25+s14+$0x0], $0xffff;
	[tilespmem:s13+$0xFFFFFFF0] =	vst v12  }
0x1ec: {  	v60 =	vld.idx.msk [tilespmem:v56+s14+$0x0], $0xffff;
	[tilespmem:s8+$0x30] =	vst v10  }
0x1ed: {  	[tilespmem:s8+$0xFFFFFFC0] =	vst v16  }
0x1ee: {  	[tilespmem:s8+$0xFFFFFFD0] =	vst v11  }
0x1ef: {  	v10 =	vld.idx.msk [tilespmem:v59+s14+$0x0], $0xffff;
	[tilespmem:s8+$0x20] =	vst v61  }
0x1f0: {  	v63 =	vld.idx.msk [tilespmem:v23+s14+$0x0], $0xffff;
	[tilespmem:s8+$0xFFFFFFE0] =	vst v62  }
0x1f1: {  	[tilespmem:s8+$0x10] =	vst v60  }
0x1f2: {  	s7 =	rddreg [dreg:$0x10]  }
0x1f3: {  	s7 =	sadd.s32 s7, s31  }
0x1f4: {  	[tilespmem:s8+$0x0] =	vst v10;
	s7 =	sshrl.u32 s7, $0x3  }
0x1f5: {  	[tilespmem:s8+$0xFFFFFFF0] =	vst v63;
	s16 =	sadd.s32 s2, s7  }
0x1f6: {  	[hbm4b:s16+s11] =	stream.strided.scatter [tilespmem:s25], [sflag:$0xA], $0x2000, s19, s11, $0x38;
	[tilespmem:$0x14400] =	vst v63  }
0x1f7: {  	_ =	swait.ge [sflag:s9], $0x80  }
0x1f8: {  	[sflag:s9] =	ssyncset.done $0x0  }
0x1f9: {  	s1 =	simm.s32 $0x0;
	p0 =	por $0x1, $0x1;
	[sflag:s9] =	ssyncadd.s32 $0xFFFFFF80  }
.LBB2_31:
0x1fa: {  	v10 =	vld [tilespmem:s1+$0x0];
	s7 =	sor.u32 $0x10, s1  }
0x1fb: {  	s13 =	sor.u32 $0x20, s1;
	v11 =	vld [tilespmem:s7+$0x0]  }
0x1fc: {  	s16 =	sor.u32 $0x30, s1;
	v12 =	vld [tilespmem:s13+$0x0]  }
0x1fd: {  	v13 =	vld [tilespmem:s16+$0x0]  }
0x1fe: {  	p1 =	por p0, p0  }
.Ltmp16:
0x1ff: {  	v10 =	vadd.s32 v9, v10;
	(pc) =	sbr.rel @p1 .LBB2_31-.Ltmp16, $4  }
0x200: {  	[tilespmem:s1+$0x200] =	vst v10;
	v10 =	vadd.s32 v9, v11  }
0x201: {  	[tilespmem:s1+$0x210] =	vst v10;
	v10 =	vadd.s32 v9, v12  }
0x202: {  	[tilespmem:s1+$0x220] =	vst v10;
	v10 =	vadd.s32 v9, v13  }
0x203: {  	p0 =	por $0x0, $0x0;
	[tilespmem:s1+$0x230] =	vst v10;
	s1 =	simm.s32 $0x40  }
0x204: {  	[tilespmem:s11], [sflag:$0x5] =	stream.indirect.gather [hbm4b:s4+s3], $0x80, s10, s3, $0xb8;
	[tilespmem:$0x14400] =	vst v63  }
0x205: {  	s1 =	rddreg [dreg:$0x17]  }
0x206: {  	s7 =	simm.s32 $0x0;
	s1 =	sadd.s32 s1, s0  }
0x207: {  	v10 =	vmov s7;
	s1 =	sshrl.u32 s1, $0x3  }
0x208: {  	s8 =	simm.s32 $0x100;
	v10 =	vand.u32 $0x7F, v10;
	s1 =	sadd.s32 s6, s1  }
0x209: {  	v10 =	vbroadcast v10, $0x0;
	[tilespmem:s8], [sflag:$0x3] =	stream.linear.gather [hbm4b:s1+s7], $0x80, $0x38;
	[tilespmem:$0x14400] =	vst v63  }
0x20a: {  	_ =	swait.ge [sflag:s26], $0x4000  }
0x20b: {  	v11 =	vor.u32 v0, v10;
	[sflag:s26] =	ssyncset.done $0x0  }
0x20c: {  	v12 =	vor.u32 v8, v10;
	[sflag:s26] =	ssyncadd.s32 $0xFFFFC000  }
0x20d: {  	v13 =	vor.u32 v6, v10;
	_ =	swait.ge [sflag:s28], $0x2000  }
0x20e: {  	s16 =	simm.s32 $0x1;
	v14 =	vor.u32 v2, v10;
	[sflag:s28] =	ssyncset.done $0x0  }
0x20f: {  	v16 =	vmov s16;
	v15 =	vor.u32 v7, v10;
	[sflag:s28] =	ssyncadd.s32 $0xFFFFE000  }
0x210: {  	v16 =	vand.u32 $0x7F, v16;
	v17 =	vor.u32 v3, v10;
	v11 =	vld.idx.msk [tilespmem:v11+s17+$0x0], $0xffff  }
0x211: {  	v16 =	vbroadcast v16, $0x0;
	v18 =	vor.u32 v4, v10;
	v12 =	vld.idx.msk [tilespmem:v12+s17+$0x0], $0xffff  }
0x212: {  	v10 =	vor.u32 v5, v10;
	v19 =	vld.idx.msk [tilespmem:v13+s17+$0x0], $0xffff  }
0x213: {  	v21 =	vor.u32 v0, v16;
	v22 =	vld.idx.msk [tilespmem:v14+s17+$0x0], $0xffff  }
0x214: {  	v23 =	vor.u32 v8, v16;
	v25 =	vld.idx.msk [tilespmem:v15+s17+$0x0], $0xffff  }
0x215: {  	s1 =	simm.s32 $0x10440;
	v26 =	vor.u32 v6, v16;
	v27 =	vld.idx.msk [tilespmem:v17+s17+$0x0], $0xffff  }
0x216: {  	s7 =	simm.s32 $0x2;
	v28 =	vor.u32 v2, v16;
	v13 =	vld.idx.msk [tilespmem:v18+s17+$0x0], $0xffff;
	[tilespmem:s1+$0x30] =	vst v12  }
0x217: {  	v20 =	vld.idx.msk [tilespmem:v10+s17+$0x0], $0xffff;
	v12 =	vmov s7;
	[tilespmem:s1+$0x10] =	vst v19  }
0x218: {  	v10 =	vld.idx.msk [tilespmem:v21+s17+$0x0], $0xffff;
	v17 =	vor.u32 v7, v16;
	[tilespmem:s1+$0xFFFFFFC0] =	vst v11;
	v15 =	vand.u32 $0x7F, v12  }
0x219: {  	v14 =	vor.u32 v3, v16;
	v21 =	vld.idx.msk [tilespmem:v23+s17+$0x0], $0xffff;
	[tilespmem:s1+$0xFFFFFFD0] =	vst v22;
	v24 =	vbroadcast v15, $0x0  }
0x21a: {  	v22 =	vld.idx.msk [tilespmem:v26+s17+$0x0], $0xffff;
	[tilespmem:s1+$0x20] =	vst v25;
	v12 =	vor.u32 v4, v16;
	v15 =	vor.u32 v5, v16  }
0x21b: {  	v19 =	vld.idx.msk [tilespmem:v28+s17+$0x0], $0xffff;
	v16 =	vor.u32 v0, v24;
	v11 =	vor.u32 v2, v24;
	v18 =	vor.u32 v8, v24  }
0x21c: {  	s13 =	simm.s32 $0x104C0;
	s16 =	simm.s32 $0x100;
	s8 =	simm.s32 $0x104C0;
	[tilespmem:s1+$0xFFFFFFE0] =	vst v27;
	v25 =	vor.u32 v3, v24;
	v23 =	vor.u32 v4, v24;
	v26 =	vor.u32 v7, v24  }
.LBB2_33:
0x21d: {  	s16 =	sadd.s32 $0x80, s16;
	v27 =	vor.u32 v5, v24;
	v28 =	vor.u32 v6, v24;
	v29 =	vld.idx.msk [tilespmem:v17+s17+$0x0], $0xffff;
	s8 =	sadd.s32 $0x80, s8;
	[tilespmem:s1+$0x0] =	vst v20;
	v17 =	vmov v26  }
0x21e: {  	p0 =	slt.u32 s16, $0x1F80;
	v30 =	vld.idx.msk [tilespmem:v14+s17+$0x0], $0xffff;
	[tilespmem:s1+$0xFFFFFFF0] =	vst v13;
	v14 =	vmov v25;
	s1 =	smov.u32 s13;
	s13 =	smov.u32 s8  }
0x21f: {  	s7 =	sadd.s32 $0x1, s7;
	v13 =	vld.idx.msk [tilespmem:v12+s17+$0x0], $0xffff;
	[tilespmem:s1+$0x30] =	vst v21;
	v12 =	vmov v23  }
0x220: {  	v21 =	vmov s7;
	v20 =	vld.idx.msk [tilespmem:v15+s17+$0x0], $0xffff;
	[tilespmem:s1+$0x10] =	vst v22;
	v15 =	vmov v27  }
.Ltmp17:
0x221: {  	v21 =	vand.u32 $0x7F, v21;
	[tilespmem:s1+$0xFFFFFFC0] =	vst v10;
	v10 =	vld.idx.msk [tilespmem:v16+s17+$0x0], $0xffff;
	(pc) =	sbr.rel @p0 .LBB2_33-.Ltmp17, $4  }
0x222: {  	v24 =	vbroadcast v21, $0x0;
	v21 =	vld.idx.msk [tilespmem:v18+s17+$0x0], $0xffff;
	[tilespmem:s1+$0xFFFFFFD0] =	vst v19  }
0x223: {  	v22 =	vld.idx.msk [tilespmem:v28+s17+$0x0], $0xffff;
	[tilespmem:s1+$0x20] =	vst v29  }
0x224: {  	v16 =	vor.u32 v0, v24;
	v18 =	vor.u32 v8, v24;
	v19 =	vld.idx.msk [tilespmem:v11+s17+$0x0], $0xffff;
	v11 =	vor.u32 v2, v24  }
0x225: {  	v25 =	vor.u32 v3, v24;
	v23 =	vor.u32 v4, v24;
	v26 =	vor.u32 v7, v24;
	[tilespmem:s1+$0xFFFFFFE0] =	vst v30  }
0x226: {  	_ =	sdelay $0x2  }
0x227: {  	[tilespmem:s1+$0x0] =	vst v20  }
0x228: {  	v17 =	vld.idx.msk [tilespmem:v17+s17+$0x0], $0xffff;
	[tilespmem:s1+$0xFFFFFFF0] =	vst v13  }
0x229: {  	v57 =	vld.idx.msk [tilespmem:v14+s17+$0x0], $0xffff;
	[tilespmem:s13+$0xFFFFFFC0] =	vst v10  }
0x22a: {  	v58 =	vld.idx.msk [tilespmem:v15+s17+$0x0], $0xffff;
	[tilespmem:s13+$0x30] =	vst v21  }
0x22b: {  	v12 =	vld.idx.msk [tilespmem:v12+s17+$0x0], $0xffff;
	[tilespmem:s13+$0x10] =	vst v22  }
0x22c: {  	v56 =	vor.u32 v6, v24;
	v10 =	vld.idx.msk [tilespmem:v18+s17+$0x0], $0xffff;
	[tilespmem:s13+$0xFFFFFFD0] =	vst v19  }
0x22d: {  	v16 =	vld.idx.msk [tilespmem:v16+s17+$0x0], $0xffff;
	[tilespmem:s13+$0x20] =	vst v17  }
0x22e: {  	v11 =	vld.idx.msk [tilespmem:v11+s17+$0x0], $0xffff;
	[tilespmem:s13+$0xFFFFFFE0] =	vst v57  }
0x22f: {  	v59 =	vor.u32 v5, v24;
	v61 =	vld.idx.msk [tilespmem:v26+s17+$0x0], $0xffff;
	[tilespmem:s13+$0x0] =	vst v58  }
0x230: {  	s8 =	sadd.s32 $0x80, s8;
	v62 =	vld.idx.msk [tilespmem:v25+s17+$0x0], $0xffff;
	[tilespmem:s13+$0xFFFFFFF0] =	vst v12  }
0x231: {  	v60 =	vld.idx.msk [tilespmem:v56+s17+$0x0], $0xffff;
	[tilespmem:s8+$0x30] =	vst v10  }
0x232: {  	[tilespmem:s8+$0xFFFFFFC0] =	vst v16  }
0x233: {  	[tilespmem:s8+$0xFFFFFFD0] =	vst v11  }
0x234: {  	v10 =	vld.idx.msk [tilespmem:v59+s17+$0x0], $0xffff;
	[tilespmem:s8+$0x20] =	vst v61  }
0x235: {  	v63 =	vld.idx.msk [tilespmem:v23+s17+$0x0], $0xffff;
	[tilespmem:s8+$0xFFFFFFE0] =	vst v62  }
0x236: {  	[tilespmem:s8+$0x10] =	vst v60  }
0x237: {  	s7 =	rddreg [dreg:$0x11]  }
0x238: {  	s7 =	sadd.s32 s7, s31  }
0x239: {  	[tilespmem:s8+$0x0] =	vst v10;
	s7 =	sshrl.u32 s7, $0x3  }
0x23a: {  	[tilespmem:s8+$0xFFFFFFF0] =	vst v63;
	s16 =	sadd.s32 s2, s7  }
0x23b: {  	[hbm4b:s16+s11] =	stream.strided.scatter [tilespmem:s20], [sflag:$0x9], $0x2000, s19, s11, $0x38;
	[tilespmem:$0x14400] =	vst v63  }
0x23c: {  	_ =	swait.ge [sflag:s12], $0x80  }
0x23d: {  	[sflag:s12] =	ssyncset.done $0x0  }
0x23e: {  	s1 =	simm.s32 $0x0;
	p0 =	por $0x1, $0x1;
	[sflag:s12] =	ssyncadd.s32 $0xFFFFFF80  }
.LBB2_35:
0x23f: {  	v10 =	vld [tilespmem:s1+$0x80]  }
0x240: {  	v11 =	vld [tilespmem:s1+$0x90]  }
0x241: {  	v12 =	vld [tilespmem:s1+$0xA0]  }
0x242: {  	v13 =	vld [tilespmem:s1+$0xB0]  }
0x243: {  	p1 =	por p0, p0  }
.Ltmp18:
0x244: {  	v10 =	vadd.s32 v9, v10;
	(pc) =	sbr.rel @p1 .LBB2_35-.Ltmp18, $4  }
0x245: {  	[tilespmem:s1+$0x280] =	vst v10;
	v10 =	vadd.s32 v9, v11  }
0x246: {  	[tilespmem:s1+$0x290] =	vst v10;
	v10 =	vadd.s32 v9, v12  }
0x247: {  	[tilespmem:s1+$0x2A0] =	vst v10;
	v10 =	vadd.s32 v9, v13  }
0x248: {  	p0 =	por $0x0, $0x0;
	[tilespmem:s1+$0x2B0] =	vst v10;
	s1 =	simm.s32 $0x40  }
0x249: {  	s1 =	simm.s32 $0x280;
	s13 =	rddreg [dreg:$0x19]  }
0x24a: {  	[tilespmem:s14], [sflag:$0x6] =	stream.indirect.gather [hbm4b:s4+s3], $0x80, s1, s3, $0xb8;
	[tilespmem:$0x14400] =	vst v63  }
0x24b: {  	s7 =	simm.s32 $0x0;
	s1 =	sadd.s32 s13, s0  }
0x24c: {  	v10 =	vmov s7;
	s1 =	sshrl.u32 s1, $0x3  }
0x24d: {  	s8 =	simm.s32 $0x180;
	v10 =	vand.u32 $0x7F, v10;
	s1 =	sadd.s32 s6, s1  }
0x24e: {  	v10 =	vbroadcast v10, $0x0;
	[tilespmem:s8], [sflag:$0x4] =	stream.linear.gather [hbm4b:s1+s7], $0x80, $0x38;
	[tilespmem:$0x14400] =	vst v63  }
0x24f: {  	_ =	swait.ge [sflag:s29], $0x4000  }
0x250: {  	v11 =	vor.u32 v0, v10;
	[sflag:s29] =	ssyncset.done $0x0  }
0x251: {  	v12 =	vor.u32 v8, v10;
	[sflag:s29] =	ssyncadd.s32 $0xFFFFC000  }
0x252: {  	v13 =	vor.u32 v6, v10;
	_ =	swait.ge [sflag:s30], $0x2000  }
0x253: {  	s16 =	simm.s32 $0x1;
	v14 =	vor.u32 v2, v10;
	[sflag:s30] =	ssyncset.done $0x0  }
0x254: {  	v16 =	vmov s16;
	v15 =	vor.u32 v7, v10;
	[sflag:s30] =	ssyncadd.s32 $0xFFFFE000  }
0x255: {  	v16 =	vand.u32 $0x7F, v16;
	v17 =	vor.u32 v3, v10;
	v11 =	vld.idx.msk [tilespmem:v11+s23+$0x0], $0xffff  }
0x256: {  	v16 =	vbroadcast v16, $0x0;
	v18 =	vor.u32 v4, v10;
	v12 =	vld.idx.msk [tilespmem:v12+s23+$0x0], $0xffff  }
0x257: {  	v10 =	vor.u32 v5, v10;
	v19 =	vld.idx.msk [tilespmem:v13+s23+$0x0], $0xffff  }
0x258: {  	v21 =	vor.u32 v0, v16;
	v22 =	vld.idx.msk [tilespmem:v14+s23+$0x0], $0xffff  }
0x259: {  	v23 =	vor.u32 v8, v16;
	v25 =	vld.idx.msk [tilespmem:v15+s23+$0x0], $0xffff  }
0x25a: {  	s1 =	simm.s32 $0x12440;
	v26 =	vor.u32 v6, v16;
	v27 =	vld.idx.msk [tilespmem:v17+s23+$0x0], $0xffff  }
0x25b: {  	s7 =	simm.s32 $0x2;
	v28 =	vor.u32 v2, v16;
	v13 =	vld.idx.msk [tilespmem:v18+s23+$0x0], $0xffff;
	[tilespmem:s1+$0x30] =	vst v12  }
0x25c: {  	v20 =	vld.idx.msk [tilespmem:v10+s23+$0x0], $0xffff;
	v12 =	vmov s7;
	[tilespmem:s1+$0x10] =	vst v19  }
0x25d: {  	v10 =	vld.idx.msk [tilespmem:v21+s23+$0x0], $0xffff;
	v17 =	vor.u32 v7, v16;
	[tilespmem:s1+$0xFFFFFFC0] =	vst v11;
	v15 =	vand.u32 $0x7F, v12  }
0x25e: {  	v14 =	vor.u32 v3, v16;
	v21 =	vld.idx.msk [tilespmem:v23+s23+$0x0], $0xffff;
	[tilespmem:s1+$0xFFFFFFD0] =	vst v22;
	v24 =	vbroadcast v15, $0x0  }
0x25f: {  	v22 =	vld.idx.msk [tilespmem:v26+s23+$0x0], $0xffff;
	[tilespmem:s1+$0x20] =	vst v25;
	v12 =	vor.u32 v4, v16;
	v15 =	vor.u32 v5, v16  }
0x260: {  	v19 =	vld.idx.msk [tilespmem:v28+s23+$0x0], $0xffff;
	v16 =	vor.u32 v0, v24;
	v11 =	vor.u32 v2, v24;
	v18 =	vor.u32 v8, v24  }
0x261: {  	s16 =	simm.s32 $0x100;
	s13 =	simm.s32 $0x124C0;
	s8 =	simm.s32 $0x124C0;
	[tilespmem:s1+$0xFFFFFFE0] =	vst v27;
	v25 =	vor.u32 v3, v24;
	v23 =	vor.u32 v4, v24;
	v26 =	vor.u32 v7, v24  }
.LBB2_37:
0x262: {  	s16 =	sadd.s32 $0x80, s16;
	v27 =	vor.u32 v5, v24;
	v28 =	vor.u32 v6, v24;
	v29 =	vld.idx.msk [tilespmem:v17+s23+$0x0], $0xffff;
	s8 =	sadd.s32 $0x80, s8;
	[tilespmem:s1+$0x0] =	vst v20;
	v17 =	vmov v26  }
0x263: {  	p0 =	slt.u32 s16, $0x1F80;
	v30 =	vld.idx.msk [tilespmem:v14+s23+$0x0], $0xffff;
	[tilespmem:s1+$0xFFFFFFF0] =	vst v13;
	v14 =	vmov v25;
	s1 =	smov.u32 s13;
	s13 =	smov.u32 s8  }
0x264: {  	s7 =	sadd.s32 $0x1, s7;
	v13 =	vld.idx.msk [tilespmem:v12+s23+$0x0], $0xffff;
	[tilespmem:s1+$0x30] =	vst v21;
	v12 =	vmov v23  }
0x265: {  	v21 =	vmov s7;
	v20 =	vld.idx.msk [tilespmem:v15+s23+$0x0], $0xffff;
	[tilespmem:s1+$0x10] =	vst v22;
	v15 =	vmov v27  }
.Ltmp19:
0x266: {  	v21 =	vand.u32 $0x7F, v21;
	[tilespmem:s1+$0xFFFFFFC0] =	vst v10;
	v10 =	vld.idx.msk [tilespmem:v16+s23+$0x0], $0xffff;
	(pc) =	sbr.rel @p0 .LBB2_37-.Ltmp19, $4  }
0x267: {  	v24 =	vbroadcast v21, $0x0;
	v21 =	vld.idx.msk [tilespmem:v18+s23+$0x0], $0xffff;
	[tilespmem:s1+$0xFFFFFFD0] =	vst v19  }
0x268: {  	v22 =	vld.idx.msk [tilespmem:v28+s23+$0x0], $0xffff;
	[tilespmem:s1+$0x20] =	vst v29  }
0x269: {  	v16 =	vor.u32 v0, v24;
	v18 =	vor.u32 v8, v24;
	v19 =	vld.idx.msk [tilespmem:v11+s23+$0x0], $0xffff;
	v11 =	vor.u32 v2, v24  }
0x26a: {  	v25 =	vor.u32 v3, v24;
	v23 =	vor.u32 v4, v24;
	v26 =	vor.u32 v7, v24;
	[tilespmem:s1+$0xFFFFFFE0] =	vst v30  }
0x26b: {  	_ =	sdelay $0x2  }
0x26c: {  	[tilespmem:s1+$0x0] =	vst v20  }
0x26d: {  	v17 =	vld.idx.msk [tilespmem:v17+s23+$0x0], $0xffff;
	[tilespmem:s1+$0xFFFFFFF0] =	vst v13  }
0x26e: {  	v57 =	vld.idx.msk [tilespmem:v14+s23+$0x0], $0xffff;
	[tilespmem:s13+$0xFFFFFFC0] =	vst v10  }
0x26f: {  	v58 =	vld.idx.msk [tilespmem:v15+s23+$0x0], $0xffff;
	[tilespmem:s13+$0x30] =	vst v21  }
0x270: {  	v12 =	vld.idx.msk [tilespmem:v12+s23+$0x0], $0xffff;
	[tilespmem:s13+$0x10] =	vst v22  }
0x271: {  	v56 =	vor.u32 v6, v24;
	v10 =	vld.idx.msk [tilespmem:v18+s23+$0x0], $0xffff;
	[tilespmem:s13+$0xFFFFFFD0] =	vst v19  }
0x272: {  	v16 =	vld.idx.msk [tilespmem:v16+s23+$0x0], $0xffff;
	[tilespmem:s13+$0x20] =	vst v17  }
0x273: {  	v11 =	vld.idx.msk [tilespmem:v11+s23+$0x0], $0xffff;
	[tilespmem:s13+$0xFFFFFFE0] =	vst v57  }
0x274: {  	v59 =	vor.u32 v5, v24;
	v61 =	vld.idx.msk [tilespmem:v26+s23+$0x0], $0xffff;
	[tilespmem:s13+$0x0] =	vst v58  }
0x275: {  	s8 =	sadd.s32 $0x80, s8;
	v62 =	vld.idx.msk [tilespmem:v25+s23+$0x0], $0xffff;
	[tilespmem:s13+$0xFFFFFFF0] =	vst v12  }
0x276: {  	v60 =	vld.idx.msk [tilespmem:v56+s23+$0x0], $0xffff;
	[tilespmem:s8+$0x30] =	vst v10  }
0x277: {  	[tilespmem:s8+$0xFFFFFFC0] =	vst v16  }
0x278: {  	[tilespmem:s8+$0xFFFFFFD0] =	vst v11  }
0x279: {  	v10 =	vld.idx.msk [tilespmem:v59+s23+$0x0], $0xffff;
	[tilespmem:s8+$0x20] =	vst v61  }
0x27a: {  	v63 =	vld.idx.msk [tilespmem:v23+s23+$0x0], $0xffff;
	[tilespmem:s8+$0xFFFFFFE0] =	vst v62  }
0x27b: {  	[tilespmem:s8+$0x10] =	vst v60  }
0x27c: {  	s7 =	rddreg [dreg:$0x12]  }
0x27d: {  	s7 =	sadd.s32 s7, s31  }
0x27e: {  	[tilespmem:s8+$0x0] =	vst v10;
	s7 =	sshrl.u32 s7, $0x3  }
0x27f: {  	[tilespmem:s8+$0xFFFFFFF0] =	vst v63;
	s16 =	sadd.s32 s2, s7  }
0x280: {  	[hbm4b:s16+s11] =	stream.strided.scatter [tilespmem:s25], [sflag:$0xA], $0x2000, s19, s11, $0x38;
	[tilespmem:$0x14400] =	vst v63  }
0x281: {  	_ =	swait.ge [sflag:s15], $0x80  }
0x282: {  	[sflag:s15] =	ssyncset.done $0x0  }
0x283: {  	s1 =	simm.s32 $0x0;
	p0 =	por $0x1, $0x1;
	[sflag:s15] =	ssyncadd.s32 $0xFFFFFF80  }
.LBB2_39:
0x284: {  	v10 =	vld [tilespmem:s1+$0x100]  }
0x285: {  	v11 =	vld [tilespmem:s1+$0x110]  }
0x286: {  	v12 =	vld [tilespmem:s1+$0x120]  }
0x287: {  	v13 =	vld [tilespmem:s1+$0x130]  }
0x288: {  	p1 =	por p0, p0  }
.Ltmp20:
0x289: {  	v10 =	vadd.s32 v9, v10;
	(pc) =	sbr.rel @p1 .LBB2_39-.Ltmp20, $4  }
0x28a: {  	[tilespmem:s1+$0x300] =	vst v10;
	v10 =	vadd.s32 v9, v11  }
0x28b: {  	[tilespmem:s1+$0x310] =	vst v10;
	v10 =	vadd.s32 v9, v12  }
0x28c: {  	[tilespmem:s1+$0x320] =	vst v10;
	v10 =	vadd.s32 v9, v13  }
0x28d: {  	p0 =	por $0x0, $0x0;
	[tilespmem:s1+$0x330] =	vst v10;
	s1 =	simm.s32 $0x40  }
0x28e: {  	s1 =	simm.s32 $0x300;
	s8 =	rddreg [dreg:$0x1b]  }
0x28f: {  	[tilespmem:s17], [sflag:$0x7] =	stream.indirect.gather [hbm4b:s4+s3], $0x80, s1, s3, $0xb8;
	[tilespmem:$0x14400] =	vst v63  }
0x290: {  	s13 =	simm.s32 $0x0;
	s0 =	sadd.s32 s8, s0  }
0x291: {  	v10 =	vmov s13;
	s0 =	sshrl.u32 s0, $0x3  }
0x292: {  	v10 =	vand.u32 $0x7F, v10;
	s0 =	sadd.s32 s6, s0  }
0x293: {  	v10 =	vbroadcast v10, $0x0;
	[tilespmem:s13], [sflag:$0x1] =	stream.linear.gather [hbm4b:s0+s13], $0x80, $0x38;
	[tilespmem:$0x14400] =	vst v63  }
0x294: {  	_ =	swait.ge [sflag:s18], $0x4000  }
0x295: {  	v11 =	vor.u32 v0, v10;
	[sflag:s18] =	ssyncset.done $0x0  }
0x296: {  	v12 =	vor.u32 v8, v10;
	[sflag:s18] =	ssyncadd.s32 $0xFFFFC000  }
0x297: {  	v13 =	vor.u32 v6, v10;
	_ =	swait.ge [sflag:s28], $0x2000  }
0x298: {  	s16 =	simm.s32 $0x1;
	v14 =	vor.u32 v2, v10;
	[sflag:s28] =	ssyncset.done $0x0  }
0x299: {  	v16 =	vmov s16;
	v15 =	vor.u32 v7, v10;
	[sflag:s28] =	ssyncadd.s32 $0xFFFFE000  }
0x29a: {  	v16 =	vand.u32 $0x7F, v16;
	v17 =	vor.u32 v3, v10;
	v11 =	vld.idx.msk [tilespmem:v11+s11+$0x0], $0xffff  }
0x29b: {  	v16 =	vbroadcast v16, $0x0;
	v18 =	vor.u32 v4, v10;
	v12 =	vld.idx.msk [tilespmem:v12+s11+$0x0], $0xffff  }
0x29c: {  	v10 =	vor.u32 v5, v10;
	v19 =	vld.idx.msk [tilespmem:v13+s11+$0x0], $0xffff  }
0x29d: {  	v21 =	vor.u32 v0, v16;
	v22 =	vld.idx.msk [tilespmem:v14+s11+$0x0], $0xffff  }
0x29e: {  	v23 =	vor.u32 v8, v16;
	v25 =	vld.idx.msk [tilespmem:v15+s11+$0x0], $0xffff  }
0x29f: {  	s0 =	simm.s32 $0x10440;
	v26 =	vor.u32 v6, v16;
	v27 =	vld.idx.msk [tilespmem:v17+s11+$0x0], $0xffff  }
0x2a0: {  	s1 =	simm.s32 $0x2;
	v28 =	vor.u32 v2, v16;
	v13 =	vld.idx.msk [tilespmem:v18+s11+$0x0], $0xffff;
	[tilespmem:s0+$0x30] =	vst v12  }
0x2a1: {  	v20 =	vld.idx.msk [tilespmem:v10+s11+$0x0], $0xffff;
	v12 =	vmov s1;
	[tilespmem:s0+$0x10] =	vst v19  }
0x2a2: {  	v10 =	vld.idx.msk [tilespmem:v21+s11+$0x0], $0xffff;
	v17 =	vor.u32 v7, v16;
	[tilespmem:s0+$0xFFFFFFC0] =	vst v11;
	v15 =	vand.u32 $0x7F, v12  }
0x2a3: {  	v14 =	vor.u32 v3, v16;
	v21 =	vld.idx.msk [tilespmem:v23+s11+$0x0], $0xffff;
	[tilespmem:s0+$0xFFFFFFD0] =	vst v22;
	v24 =	vbroadcast v15, $0x0  }
0x2a4: {  	v22 =	vld.idx.msk [tilespmem:v26+s11+$0x0], $0xffff;
	[tilespmem:s0+$0x20] =	vst v25;
	v12 =	vor.u32 v4, v16;
	v15 =	vor.u32 v5, v16  }
0x2a5: {  	v19 =	vld.idx.msk [tilespmem:v28+s11+$0x0], $0xffff;
	v16 =	vor.u32 v0, v24;
	v11 =	vor.u32 v2, v24;
	v18 =	vor.u32 v8, v24  }
0x2a6: {  	s7 =	simm.s32 $0x104C0;
	s8 =	simm.s32 $0x104C0;
	s13 =	simm.s32 $0x100;
	[tilespmem:s0+$0xFFFFFFE0] =	vst v27;
	v25 =	vor.u32 v3, v24;
	v23 =	vor.u32 v4, v24;
	v26 =	vor.u32 v7, v24  }
.LBB2_41:
0x2a7: {  	s13 =	sadd.s32 $0x80, s13;
	v27 =	vor.u32 v5, v24;
	v28 =	vor.u32 v6, v24;
	v29 =	vld.idx.msk [tilespmem:v17+s11+$0x0], $0xffff;
	s7 =	sadd.s32 $0x80, s7;
	[tilespmem:s0+$0x0] =	vst v20;
	v17 =	vmov v26  }
0x2a8: {  	p0 =	slt.u32 s13, $0x1F80;
	v30 =	vld.idx.msk [tilespmem:v14+s11+$0x0], $0xffff;
	[tilespmem:s0+$0xFFFFFFF0] =	vst v13;
	v14 =	vmov v25;
	s0 =	smov.u32 s8;
	s8 =	smov.u32 s7  }
0x2a9: {  	s1 =	sadd.s32 $0x1, s1;
	v13 =	vld.idx.msk [tilespmem:v12+s11+$0x0], $0xffff;
	[tilespmem:s0+$0x30] =	vst v21;
	v12 =	vmov v23  }
0x2aa: {  	v21 =	vmov s1;
	v20 =	vld.idx.msk [tilespmem:v15+s11+$0x0], $0xffff;
	[tilespmem:s0+$0x10] =	vst v22;
	v15 =	vmov v27  }
.Ltmp21:
0x2ab: {  	v21 =	vand.u32 $0x7F, v21;
	[tilespmem:s0+$0xFFFFFFC0] =	vst v10;
	v10 =	vld.idx.msk [tilespmem:v16+s11+$0x0], $0xffff;
	(pc) =	sbr.rel @p0 .LBB2_41-.Ltmp21, $4  }
0x2ac: {  	v24 =	vbroadcast v21, $0x0;
	v21 =	vld.idx.msk [tilespmem:v18+s11+$0x0], $0xffff;
	[tilespmem:s0+$0xFFFFFFD0] =	vst v19  }
0x2ad: {  	v22 =	vld.idx.msk [tilespmem:v28+s11+$0x0], $0xffff;
	[tilespmem:s0+$0x20] =	vst v29  }
0x2ae: {  	v16 =	vor.u32 v0, v24;
	v18 =	vor.u32 v8, v24;
	v19 =	vld.idx.msk [tilespmem:v11+s11+$0x0], $0xffff;
	v11 =	vor.u32 v2, v24  }
0x2af: {  	v25 =	vor.u32 v3, v24;
	v23 =	vor.u32 v4, v24;
	v26 =	vor.u32 v7, v24;
	[tilespmem:s0+$0xFFFFFFE0] =	vst v30  }
0x2b0: {  	_ =	sdelay $0x2  }
0x2b1: {  	[tilespmem:s0+$0x0] =	vst v20  }
0x2b2: {  	v17 =	vld.idx.msk [tilespmem:v17+s11+$0x0], $0xffff;
	[tilespmem:s0+$0xFFFFFFF0] =	vst v13  }
0x2b3: {  	v57 =	vld.idx.msk [tilespmem:v14+s11+$0x0], $0xffff;
	[tilespmem:s8+$0xFFFFFFC0] =	vst v10  }
0x2b4: {  	v58 =	vld.idx.msk [tilespmem:v15+s11+$0x0], $0xffff;
	[tilespmem:s8+$0x30] =	vst v21  }
0x2b5: {  	v12 =	vld.idx.msk [tilespmem:v12+s11+$0x0], $0xffff;
	[tilespmem:s8+$0x10] =	vst v22  }
0x2b6: {  	v56 =	vor.u32 v6, v24;
	v10 =	vld.idx.msk [tilespmem:v18+s11+$0x0], $0xffff;
	[tilespmem:s8+$0xFFFFFFD0] =	vst v19  }
0x2b7: {  	v16 =	vld.idx.msk [tilespmem:v16+s11+$0x0], $0xffff;
	[tilespmem:s8+$0x20] =	vst v17  }
0x2b8: {  	v11 =	vld.idx.msk [tilespmem:v11+s11+$0x0], $0xffff;
	[tilespmem:s8+$0xFFFFFFE0] =	vst v57  }
0x2b9: {  	v59 =	vor.u32 v5, v24;
	v61 =	vld.idx.msk [tilespmem:v26+s11+$0x0], $0xffff;
	[tilespmem:s8+$0x0] =	vst v58  }
0x2ba: {  	s13 =	sadd.s32 $0x80, s7;
	v62 =	vld.idx.msk [tilespmem:v25+s11+$0x0], $0xffff;
	[tilespmem:s8+$0xFFFFFFF0] =	vst v12  }
0x2bb: {  	v60 =	vld.idx.msk [tilespmem:v56+s11+$0x0], $0xffff;
	[tilespmem:s13+$0x30] =	vst v10  }
0x2bc: {  	[tilespmem:s13+$0xFFFFFFC0] =	vst v16  }
0x2bd: {  	[tilespmem:s13+$0xFFFFFFD0] =	vst v11  }
0x2be: {  	v10 =	vld.idx.msk [tilespmem:v59+s11+$0x0], $0xffff;
	[tilespmem:s13+$0x20] =	vst v61  }
0x2bf: {  	v63 =	vld.idx.msk [tilespmem:v23+s11+$0x0], $0xffff;
	[tilespmem:s13+$0xFFFFFFE0] =	vst v62  }
0x2c0: {  	[tilespmem:s13+$0x10] =	vst v60  }
0x2c1: {  	s1 =	rddreg [dreg:$0x14]  }
0x2c2: {  	s1 =	sadd.s32 s1, s31  }
0x2c3: {  	[tilespmem:s13+$0x0] =	vst v10;
	s1 =	sshrl.u32 s1, $0x3  }
0x2c4: {  	[tilespmem:s13+$0xFFFFFFF0] =	vst v63;
	s16 =	sadd.s32 s2, s1  }
0x2c5: {  	[hbm4b:s16+s11] =	stream.strided.scatter [tilespmem:s20], [sflag:$0x9], $0x2000, s19, s11, $0x38;
	[tilespmem:$0x14400] =	vst v63  }
0x2c6: {  	_ =	swait.ge [sflag:s21], $0x80  }
0x2c7: {  	[sflag:s21] =	ssyncset.done $0x0  }
0x2c8: {  	s0 =	simm.s32 $0x0;
	p0 =	por $0x1, $0x1;
	[sflag:s21] =	ssyncadd.s32 $0xFFFFFF80  }
.LBB2_43:
0x2c9: {  	v10 =	vld [tilespmem:s0+$0x180]  }
0x2ca: {  	v11 =	vld [tilespmem:s0+$0x190]  }
0x2cb: {  	v12 =	vld [tilespmem:s0+$0x1A0]  }
0x2cc: {  	v13 =	vld [tilespmem:s0+$0x1B0]  }
0x2cd: {  	p1 =	por p0, p0  }
.Ltmp22:
0x2ce: {  	v10 =	vadd.s32 v9, v10;
	(pc) =	sbr.rel @p1 .LBB2_43-.Ltmp22, $4  }
0x2cf: {  	[tilespmem:s0+$0x380] =	vst v10;
	v10 =	vadd.s32 v9, v11  }
0x2d0: {  	[tilespmem:s0+$0x390] =	vst v10;
	v10 =	vadd.s32 v9, v12  }
0x2d1: {  	[tilespmem:s0+$0x3A0] =	vst v10;
	v10 =	vadd.s32 v9, v13  }
0x2d2: {  	p0 =	por $0x0, $0x0;
	[tilespmem:s0+$0x3B0] =	vst v10;
	s0 =	simm.s32 $0x40  }
0x2d3: {  	s0 =	simm.s32 $0x0  }
0x2d4: {  	v10 =	vmov s0  }
0x2d5: {  	v10 =	vand.u32 $0x7F, v10  }
0x2d6: {  	[tilespmem:s23], [sflag:$0x8] =	stream.indirect.gather [hbm4b:s4+s3], $0x80, s22, s3, $0xb8;
	v10 =	vbroadcast v10, $0x0;
	[tilespmem:$0x14400] =	vst v63  }
0x2d7: {  	_ =	swait.ge [sflag:s24], $0x4000  }
0x2d8: {  	[sflag:s24] =	ssyncset.done $0x0;
	v11 =	vor.u32 v0, v10  }
0x2d9: {  	[sflag:s24] =	ssyncadd.s32 $0xFFFFC000;
	v12 =	vor.u32 v8, v10  }
0x2da: {  	_ =	swait.ge [sflag:s30], $0x2000;
	v13 =	vor.u32 v6, v10  }
0x2db: {  	s16 =	simm.s32 $0x1;
	[sflag:s30] =	ssyncset.done $0x0;
	v14 =	vor.u32 v2, v10  }
0x2dc: {  	v16 =	vmov s16;
	v15 =	vor.u32 v7, v10;
	[sflag:s30] =	ssyncadd.s32 $0xFFFFE000  }
0x2dd: {  	v16 =	vand.u32 $0x7F, v16;
	v17 =	vor.u32 v3, v10;
	v11 =	vld.idx.msk [tilespmem:v11+s14+$0x0], $0xffff  }
0x2de: {  	v16 =	vbroadcast v16, $0x0;
	v18 =	vor.u32 v4, v10;
	v12 =	vld.idx.msk [tilespmem:v12+s14+$0x0], $0xffff  }
0x2df: {  	v10 =	vor.u32 v5, v10;
	v19 =	vld.idx.msk [tilespmem:v13+s14+$0x0], $0xffff  }
0x2e0: {  	v21 =	vor.u32 v0, v16;
	v22 =	vld.idx.msk [tilespmem:v14+s14+$0x0], $0xffff  }
0x2e1: {  	v23 =	vor.u32 v8, v16;
	v25 =	vld.idx.msk [tilespmem:v15+s14+$0x0], $0xffff  }
0x2e2: {  	s0 =	simm.s32 $0x12440;
	v26 =	vor.u32 v6, v16;
	v27 =	vld.idx.msk [tilespmem:v17+s14+$0x0], $0xffff  }
0x2e3: {  	s1 =	simm.s32 $0x2;
	v28 =	vor.u32 v2, v16;
	v13 =	vld.idx.msk [tilespmem:v18+s14+$0x0], $0xffff;
	[tilespmem:s0+$0x30] =	vst v12  }
0x2e4: {  	v20 =	vld.idx.msk [tilespmem:v10+s14+$0x0], $0xffff;
	v12 =	vmov s1;
	[tilespmem:s0+$0x10] =	vst v19  }
0x2e5: {  	v10 =	vld.idx.msk [tilespmem:v21+s14+$0x0], $0xffff;
	v17 =	vor.u32 v7, v16;
	[tilespmem:s0+$0xFFFFFFC0] =	vst v11;
	v15 =	vand.u32 $0x7F, v12  }
0x2e6: {  	v14 =	vor.u32 v3, v16;
	v21 =	vld.idx.msk [tilespmem:v23+s14+$0x0], $0xffff;
	[tilespmem:s0+$0xFFFFFFD0] =	vst v22;
	v24 =	vbroadcast v15, $0x0  }
0x2e7: {  	v22 =	vld.idx.msk [tilespmem:v26+s14+$0x0], $0xffff;
	[tilespmem:s0+$0x20] =	vst v25;
	v12 =	vor.u32 v4, v16;
	v15 =	vor.u32 v5, v16  }
0x2e8: {  	v19 =	vld.idx.msk [tilespmem:v28+s14+$0x0], $0xffff;
	v16 =	vor.u32 v0, v24;
	v11 =	vor.u32 v2, v24;
	v18 =	vor.u32 v8, v24  }
0x2e9: {  	s13 =	simm.s32 $0x100;
	s7 =	simm.s32 $0x124C0;
	s8 =	simm.s32 $0x124C0;
	[tilespmem:s0+$0xFFFFFFE0] =	vst v27;
	v25 =	vor.u32 v3, v24;
	v23 =	vor.u32 v4, v24;
	v26 =	vor.u32 v7, v24  }
.LBB2_45:
0x2ea: {  	s13 =	sadd.s32 $0x80, s13;
	v27 =	vor.u32 v5, v24;
	v28 =	vor.u32 v6, v24;
	v29 =	vld.idx.msk [tilespmem:v17+s14+$0x0], $0xffff;
	s7 =	sadd.s32 $0x80, s7;
	[tilespmem:s0+$0x0] =	vst v20;
	v17 =	vmov v26  }
0x2eb: {  	p0 =	slt.u32 s13, $0x1F80;
	v30 =	vld.idx.msk [tilespmem:v14+s14+$0x0], $0xffff;
	[tilespmem:s0+$0xFFFFFFF0] =	vst v13;
	v14 =	vmov v25;
	s0 =	smov.u32 s8;
	s8 =	smov.u32 s7  }
0x2ec: {  	s1 =	sadd.s32 $0x1, s1;
	v13 =	vld.idx.msk [tilespmem:v12+s14+$0x0], $0xffff;
	[tilespmem:s0+$0x30] =	vst v21;
	v12 =	vmov v23  }
0x2ed: {  	v21 =	vmov s1;
	v20 =	vld.idx.msk [tilespmem:v15+s14+$0x0], $0xffff;
	[tilespmem:s0+$0x10] =	vst v22;
	v15 =	vmov v27  }
.Ltmp23:
0x2ee: {  	v21 =	vand.u32 $0x7F, v21;
	[tilespmem:s0+$0xFFFFFFC0] =	vst v10;
	v10 =	vld.idx.msk [tilespmem:v16+s14+$0x0], $0xffff;
	(pc) =	sbr.rel @p0 .LBB2_45-.Ltmp23, $4  }
0x2ef: {  	v24 =	vbroadcast v21, $0x0;
	v21 =	vld.idx.msk [tilespmem:v18+s14+$0x0], $0xffff;
	[tilespmem:s0+$0xFFFFFFD0] =	vst v19  }
0x2f0: {  	v22 =	vld.idx.msk [tilespmem:v28+s14+$0x0], $0xffff;
	[tilespmem:s0+$0x20] =	vst v29  }
0x2f1: {  	v16 =	vor.u32 v0, v24;
	v18 =	vor.u32 v8, v24;
	v19 =	vld.idx.msk [tilespmem:v11+s14+$0x0], $0xffff;
	v11 =	vor.u32 v2, v24  }
0x2f2: {  	v25 =	vor.u32 v3, v24;
	v23 =	vor.u32 v4, v24;
	v26 =	vor.u32 v7, v24;
	[tilespmem:s0+$0xFFFFFFE0] =	vst v30  }
0x2f3: {  	_ =	sdelay $0x2  }
0x2f4: {  	[tilespmem:s0+$0x0] =	vst v20  }
0x2f5: {  	v17 =	vld.idx.msk [tilespmem:v17+s14+$0x0], $0xffff;
	[tilespmem:s0+$0xFFFFFFF0] =	vst v13  }
0x2f6: {  	v57 =	vld.idx.msk [tilespmem:v14+s14+$0x0], $0xffff;
	[tilespmem:s8+$0xFFFFFFC0] =	vst v10  }
0x2f7: {  	v58 =	vld.idx.msk [tilespmem:v15+s14+$0x0], $0xffff;
	[tilespmem:s8+$0x30] =	vst v21  }
0x2f8: {  	v12 =	vld.idx.msk [tilespmem:v12+s14+$0x0], $0xffff;
	[tilespmem:s8+$0x10] =	vst v22  }
0x2f9: {  	v56 =	vor.u32 v6, v24;
	v10 =	vld.idx.msk [tilespmem:v18+s14+$0x0], $0xffff;
	[tilespmem:s8+$0xFFFFFFD0] =	vst v19  }
0x2fa: {  	v16 =	vld.idx.msk [tilespmem:v16+s14+$0x0], $0xffff;
	[tilespmem:s8+$0x20] =	vst v17  }
0x2fb: {  	v11 =	vld.idx.msk [tilespmem:v11+s14+$0x0], $0xffff;
	[tilespmem:s8+$0xFFFFFFE0] =	vst v57  }
0x2fc: {  	v59 =	vor.u32 v5, v24;
	v61 =	vld.idx.msk [tilespmem:v26+s14+$0x0], $0xffff;
	[tilespmem:s8+$0x0] =	vst v58  }
0x2fd: {  	s13 =	sadd.s32 $0x80, s7;
	v62 =	vld.idx.msk [tilespmem:v25+s14+$0x0], $0xffff;
	[tilespmem:s8+$0xFFFFFFF0] =	vst v12  }
0x2fe: {  	v60 =	vld.idx.msk [tilespmem:v56+s14+$0x0], $0xffff;
	[tilespmem:s13+$0x30] =	vst v10  }
0x2ff: {  	[tilespmem:s13+$0xFFFFFFC0] =	vst v16  }
0x300: {  	[tilespmem:s13+$0xFFFFFFD0] =	vst v11  }
0x301: {  	v10 =	vld.idx.msk [tilespmem:v59+s14+$0x0], $0xffff;
	[tilespmem:s13+$0x20] =	vst v61  }
0x302: {  	v63 =	vld.idx.msk [tilespmem:v23+s14+$0x0], $0xffff;
	[tilespmem:s13+$0xFFFFFFE0] =	vst v62  }
0x303: {  	[tilespmem:s13+$0x10] =	vst v60  }
0x304: {  	s1 =	rddreg [dreg:$0x16]  }
0x305: {  	s1 =	sadd.s32 s1, s31  }
0x306: {  	[tilespmem:s13+$0x0] =	vst v10;
	s1 =	sshrl.u32 s1, $0x3  }
0x307: {  	[tilespmem:s13+$0xFFFFFFF0] =	vst v63;
	s16 =	sadd.s32 s2, s1  }
0x308: {  	[hbm4b:s16+s11] =	stream.strided.scatter [tilespmem:s25], [sflag:$0xA], $0x2000, s19, s11, $0x38;
	[tilespmem:$0x14400] =	vst v63  }
0x309: {  	_ =	swait.ge [sflag:s9], $0x80  }
0x30a: {  	[sflag:s9] =	ssyncset.done $0x0  }
0x30b: {  	s0 =	simm.s32 $0x0;
	p0 =	por $0x1, $0x1;
	[sflag:s9] =	ssyncadd.s32 $0xFFFFFF80  }
.LBB2_47:
0x30c: {  	v10 =	vld [tilespmem:s0+$0x0];
	s1 =	sor.u32 $0x10, s0  }
0x30d: {  	s13 =	sor.u32 $0x20, s0;
	v11 =	vld [tilespmem:s1+$0x0]  }
0x30e: {  	s16 =	sor.u32 $0x30, s0;
	v12 =	vld [tilespmem:s13+$0x0]  }
0x30f: {  	v13 =	vld [tilespmem:s16+$0x0]  }
0x310: {  	p1 =	por p0, p0  }
.Ltmp24:
0x311: {  	v10 =	vadd.s32 v9, v10;
	(pc) =	sbr.rel @p1 .LBB2_47-.Ltmp24, $4  }
0x312: {  	[tilespmem:s0+$0x200] =	vst v10;
	v10 =	vadd.s32 v9, v11  }
0x313: {  	[tilespmem:s0+$0x210] =	vst v10;
	v10 =	vadd.s32 v9, v12  }
0x314: {  	[tilespmem:s0+$0x220] =	vst v10;
	v10 =	vadd.s32 v9, v13  }
0x315: {  	p0 =	por $0x0, $0x0;
	[tilespmem:s0+$0x230] =	vst v10;
	s0 =	simm.s32 $0x40  }
0x316: {  	s0 =	simm.s32 $0x0  }
0x317: {  	v9 =	vmov s0  }
0x318: {  	v9 =	vand.u32 $0x7F, v9  }
0x319: {  	[tilespmem:s11], [sflag:$0x5] =	stream.indirect.gather [hbm4b:s4+s3], $0x80, s10, s3, $0xb8;
	v9 =	vbroadcast v9, $0x0;
	[tilespmem:$0x14400] =	vst v63  }
0x31a: {  	_ =	swait.ge [sflag:s26], $0x4000  }
0x31b: {  	[sflag:s26] =	ssyncset.done $0x0;
	v10 =	vor.u32 v0, v9  }
0x31c: {  	[sflag:s26] =	ssyncadd.s32 $0xFFFFC000;
	v11 =	vor.u32 v8, v9  }
0x31d: {  	_ =	swait.ge [sflag:s28], $0x2000;
	v12 =	vor.u32 v6, v9  }
0x31e: {  	s16 =	simm.s32 $0x1;
	[sflag:s28] =	ssyncset.done $0x0;
	v13 =	vor.u32 v2, v9  }
0x31f: {  	v15 =	vmov s16;
	v14 =	vor.u32 v7, v9;
	[sflag:s28] =	ssyncadd.s32 $0xFFFFE000  }
0x320: {  	v15 =	vand.u32 $0x7F, v15;
	v16 =	vor.u32 v3, v9;
	v10 =	vld.idx.msk [tilespmem:v10+s17+$0x0], $0xffff  }
0x321: {  	v15 =	vbroadcast v15, $0x0;
	v17 =	vor.u32 v4, v9;
	v11 =	vld.idx.msk [tilespmem:v11+s17+$0x0], $0xffff  }
0x322: {  	v9 =	vor.u32 v5, v9;
	v18 =	vld.idx.msk [tilespmem:v12+s17+$0x0], $0xffff  }
0x323: {  	v20 =	vor.u32 v0, v15;
	v21 =	vld.idx.msk [tilespmem:v13+s17+$0x0], $0xffff  }
0x324: {  	v22 =	vor.u32 v8, v15;
	v24 =	vld.idx.msk [tilespmem:v14+s17+$0x0], $0xffff  }
0x325: {  	s0 =	simm.s32 $0x10440;
	v25 =	vor.u32 v6, v15;
	v26 =	vld.idx.msk [tilespmem:v16+s17+$0x0], $0xffff  }
0x326: {  	s1 =	simm.s32 $0x2;
	v27 =	vor.u32 v2, v15;
	v12 =	vld.idx.msk [tilespmem:v17+s17+$0x0], $0xffff;
	[tilespmem:s0+$0x30] =	vst v11  }
0x327: {  	v19 =	vld.idx.msk [tilespmem:v9+s17+$0x0], $0xffff;
	v11 =	vmov s1;
	[tilespmem:s0+$0x10] =	vst v18  }
0x328: {  	v9 =	vld.idx.msk [tilespmem:v20+s17+$0x0], $0xffff;
	v16 =	vor.u32 v7, v15;
	[tilespmem:s0+$0xFFFFFFC0] =	vst v10;
	v14 =	vand.u32 $0x7F, v11  }
0x329: {  	v13 =	vor.u32 v3, v15;
	v20 =	vld.idx.msk [tilespmem:v22+s17+$0x0], $0xffff;
	[tilespmem:s0+$0xFFFFFFD0] =	vst v21;
	v23 =	vbroadcast v14, $0x0  }
0x32a: {  	v21 =	vld.idx.msk [tilespmem:v25+s17+$0x0], $0xffff;
	[tilespmem:s0+$0x20] =	vst v24;
	v11 =	vor.u32 v4, v15;
	v14 =	vor.u32 v5, v15  }
0x32b: {  	v18 =	vld.idx.msk [tilespmem:v27+s17+$0x0], $0xffff;
	v15 =	vor.u32 v0, v23;
	v10 =	vor.u32 v2, v23;
	v17 =	vor.u32 v8, v23  }
0x32c: {  	s13 =	simm.s32 $0x100;
	s7 =	simm.s32 $0x104C0;
	s8 =	simm.s32 $0x104C0;
	[tilespmem:s0+$0xFFFFFFE0] =	vst v26;
	v24 =	vor.u32 v3, v23;
	v22 =	vor.u32 v4, v23;
	v25 =	vor.u32 v7, v23  }
.LBB2_49:
0x32d: {  	s13 =	sadd.s32 $0x80, s13;
	v26 =	vor.u32 v5, v23;
	v27 =	vor.u32 v6, v23;
	v28 =	vld.idx.msk [tilespmem:v16+s17+$0x0], $0xffff;
	s7 =	sadd.s32 $0x80, s7;
	[tilespmem:s0+$0x0] =	vst v19;
	v16 =	vmov v25  }
0x32e: {  	p0 =	slt.u32 s13, $0x1F80;
	v29 =	vld.idx.msk [tilespmem:v13+s17+$0x0], $0xffff;
	[tilespmem:s0+$0xFFFFFFF0] =	vst v12;
	v13 =	vmov v24;
	s0 =	smov.u32 s8;
	s8 =	smov.u32 s7  }
0x32f: {  	s1 =	sadd.s32 $0x1, s1;
	v12 =	vld.idx.msk [tilespmem:v11+s17+$0x0], $0xffff;
	[tilespmem:s0+$0x30] =	vst v20;
	v11 =	vmov v22  }
0x330: {  	v20 =	vmov s1;
	v19 =	vld.idx.msk [tilespmem:v14+s17+$0x0], $0xffff;
	[tilespmem:s0+$0x10] =	vst v21;
	v14 =	vmov v26  }
.Ltmp25:
0x331: {  	v20 =	vand.u32 $0x7F, v20;
	[tilespmem:s0+$0xFFFFFFC0] =	vst v9;
	v9 =	vld.idx.msk [tilespmem:v15+s17+$0x0], $0xffff;
	(pc) =	sbr.rel @p0 .LBB2_49-.Ltmp25, $4  }
0x332: {  	v23 =	vbroadcast v20, $0x0;
	v20 =	vld.idx.msk [tilespmem:v17+s17+$0x0], $0xffff;
	[tilespmem:s0+$0xFFFFFFD0] =	vst v18  }
0x333: {  	v21 =	vld.idx.msk [tilespmem:v27+s17+$0x0], $0xffff;
	[tilespmem:s0+$0x20] =	vst v28  }
0x334: {  	v15 =	vor.u32 v0, v23;
	v17 =	vor.u32 v8, v23;
	v18 =	vld.idx.msk [tilespmem:v10+s17+$0x0], $0xffff;
	v10 =	vor.u32 v2, v23  }
0x335: {  	v24 =	vor.u32 v3, v23;
	v22 =	vor.u32 v4, v23;
	v25 =	vor.u32 v7, v23;
	[tilespmem:s0+$0xFFFFFFE0] =	vst v29  }
0x336: {  	_ =	sdelay $0x2  }
0x337: {  	[tilespmem:s0+$0x0] =	vst v19  }
0x338: {  	v16 =	vld.idx.msk [tilespmem:v16+s17+$0x0], $0xffff;
	[tilespmem:s0+$0xFFFFFFF0] =	vst v12  }
0x339: {  	v12 =	vld.idx.msk [tilespmem:v13+s17+$0x0], $0xffff;
	[tilespmem:s8+$0xFFFFFFC0] =	vst v9  }
0x33a: {  	v19 =	vor.u32 v6, v23;
	v13 =	vld.idx.msk [tilespmem:v14+s17+$0x0], $0xffff;
	[tilespmem:s8+$0x30] =	vst v20  }
0x33b: {  	v11 =	vld.idx.msk [tilespmem:v11+s17+$0x0], $0xffff;
	[tilespmem:s8+$0x10] =	vst v21  }
0x33c: {  	v9 =	vld.idx.msk [tilespmem:v17+s17+$0x0], $0xffff;
	[tilespmem:s8+$0xFFFFFFD0] =	vst v18  }
0x33d: {  	v15 =	vld.idx.msk [tilespmem:v15+s17+$0x0], $0xffff;
	[tilespmem:s8+$0x20] =	vst v16  }
0x33e: {  	v10 =	vld.idx.msk [tilespmem:v10+s17+$0x0], $0xffff;
	[tilespmem:s8+$0xFFFFFFE0] =	vst v12  }
0x33f: {  	v14 =	vor.u32 v5, v23;
	v17 =	vld.idx.msk [tilespmem:v19+s17+$0x0], $0xffff;
	[tilespmem:s8+$0x0] =	vst v13  }
0x340: {  	s16 =	sadd.s32 $0x80, s7;
	v12 =	vld.idx.msk [tilespmem:v25+s17+$0x0], $0xffff;
	[tilespmem:s8+$0xFFFFFFF0] =	vst v11  }
0x341: {  	v11 =	vld.idx.msk [tilespmem:v24+s17+$0x0], $0xffff;
	[tilespmem:s16+$0x30] =	vst v9  }
0x342: {  	[tilespmem:s16+$0xFFFFFFC0] =	vst v15  }
0x343: {  	[tilespmem:s16+$0xFFFFFFD0] =	vst v10  }
0x344: {  	v9 =	vld.idx.msk [tilespmem:v14+s17+$0x0], $0xffff;
	[tilespmem:s16+$0x10] =	vst v17  }
0x345: {  	v13 =	vld.idx.msk [tilespmem:v22+s17+$0x0], $0xffff;
	[tilespmem:s16+$0x20] =	vst v12  }
0x346: {  	[tilespmem:s16+$0xFFFFFFE0] =	vst v11  }
0x347: {  	s1 =	rddreg [dreg:$0x18]  }
0x348: {  	s8 =	simm.s32 $0x0;
	s1 =	sadd.s32 s1, s31  }
0x349: {  	[tilespmem:s16+$0x0] =	vst v9;
	v9 =	vmov s8;
	s1 =	sshrl.u32 s1, $0x3  }
0x34a: {  	[tilespmem:s16+$0xFFFFFFF0] =	vst v13;
	v9 =	vand.u32 $0x7F, v9;
	s13 =	sadd.s32 s2, s1  }
0x34b: {  	v9 =	vbroadcast v9, $0x0;
	[hbm4b:s13+s11] =	stream.strided.scatter [tilespmem:s20], [sflag:$0x9], $0x2000, s19, s11, $0x38;
	[tilespmem:$0x14400] =	vst v63  }
0x34c: {  	_ =	swait.ge [sflag:s29], $0x4000  }
0x34d: {  	v10 =	vor.u32 v0, v9;
	[sflag:s29] =	ssyncset.done $0x0  }
0x34e: {  	v11 =	vor.u32 v8, v9;
	[sflag:s29] =	ssyncadd.s32 $0xFFFFC000  }
0x34f: {  	v12 =	vor.u32 v6, v9;
	_ =	swait.ge [sflag:s30], $0x2000  }
0x350: {  	s16 =	simm.s32 $0x1;
	v13 =	vor.u32 v2, v9;
	[sflag:s30] =	ssyncset.done $0x0  }
0x351: {  	v15 =	vmov s16;
	v14 =	vor.u32 v7, v9;
	[sflag:s30] =	ssyncadd.s32 $0xFFFFE000  }
0x352: {  	v15 =	vand.u32 $0x7F, v15;
	v16 =	vor.u32 v3, v9;
	v10 =	vld.idx.msk [tilespmem:v10+s23+$0x0], $0xffff  }
0x353: {  	v15 =	vbroadcast v15, $0x0;
	v17 =	vor.u32 v4, v9;
	v11 =	vld.idx.msk [tilespmem:v11+s23+$0x0], $0xffff  }
0x354: {  	v9 =	vor.u32 v5, v9;
	v18 =	vld.idx.msk [tilespmem:v12+s23+$0x0], $0xffff  }
0x355: {  	v20 =	vor.u32 v0, v15;
	v21 =	vld.idx.msk [tilespmem:v13+s23+$0x0], $0xffff  }
0x356: {  	v22 =	vor.u32 v8, v15;
	v24 =	vld.idx.msk [tilespmem:v14+s23+$0x0], $0xffff  }
0x357: {  	s0 =	simm.s32 $0x12440;
	v25 =	vor.u32 v6, v15;
	v26 =	vld.idx.msk [tilespmem:v16+s23+$0x0], $0xffff  }
0x358: {  	s1 =	simm.s32 $0x2;
	v27 =	vor.u32 v2, v15;
	v12 =	vld.idx.msk [tilespmem:v17+s23+$0x0], $0xffff;
	[tilespmem:s0+$0x30] =	vst v11  }
0x359: {  	v19 =	vld.idx.msk [tilespmem:v9+s23+$0x0], $0xffff;
	v11 =	vmov s1;
	[tilespmem:s0+$0x10] =	vst v18  }
0x35a: {  	v9 =	vld.idx.msk [tilespmem:v20+s23+$0x0], $0xffff;
	v16 =	vor.u32 v7, v15;
	[tilespmem:s0+$0xFFFFFFC0] =	vst v10;
	v14 =	vand.u32 $0x7F, v11  }
0x35b: {  	v13 =	vor.u32 v3, v15;
	v20 =	vld.idx.msk [tilespmem:v22+s23+$0x0], $0xffff;
	[tilespmem:s0+$0xFFFFFFD0] =	vst v21;
	v23 =	vbroadcast v14, $0x0  }
0x35c: {  	v21 =	vld.idx.msk [tilespmem:v25+s23+$0x0], $0xffff;
	[tilespmem:s0+$0x20] =	vst v24;
	v11 =	vor.u32 v4, v15;
	v14 =	vor.u32 v5, v15  }
0x35d: {  	v18 =	vld.idx.msk [tilespmem:v27+s23+$0x0], $0xffff;
	v15 =	vor.u32 v0, v23;
	v10 =	vor.u32 v2, v23;
	v17 =	vor.u32 v8, v23  }
0x35e: {  	s7 =	simm.s32 $0x124C0;
	s8 =	simm.s32 $0x124C0;
	s13 =	simm.s32 $0x100;
	[tilespmem:s0+$0xFFFFFFE0] =	vst v26;
	v24 =	vor.u32 v3, v23;
	v22 =	vor.u32 v4, v23;
	v25 =	vor.u32 v7, v23  }
.LBB2_51:
0x35f: {  	s13 =	sadd.s32 $0x80, s13;
	v26 =	vor.u32 v5, v23;
	v27 =	vor.u32 v6, v23;
	v28 =	vld.idx.msk [tilespmem:v16+s23+$0x0], $0xffff;
	s7 =	sadd.s32 $0x80, s7;
	[tilespmem:s0+$0x0] =	vst v19;
	v16 =	vmov v25  }
0x360: {  	p0 =	slt.u32 s13, $0x1F80;
	v29 =	vld.idx.msk [tilespmem:v13+s23+$0x0], $0xffff;
	[tilespmem:s0+$0xFFFFFFF0] =	vst v12;
	v13 =	vmov v24;
	s0 =	smov.u32 s8;
	s8 =	smov.u32 s7  }
0x361: {  	s1 =	sadd.s32 $0x1, s1;
	v12 =	vld.idx.msk [tilespmem:v11+s23+$0x0], $0xffff;
	[tilespmem:s0+$0x30] =	vst v20;
	v11 =	vmov v22  }
0x362: {  	v20 =	vmov s1;
	v19 =	vld.idx.msk [tilespmem:v14+s23+$0x0], $0xffff;
	[tilespmem:s0+$0x10] =	vst v21;
	v14 =	vmov v26  }
.Ltmp26:
0x363: {  	v20 =	vand.u32 $0x7F, v20;
	[tilespmem:s0+$0xFFFFFFC0] =	vst v9;
	v9 =	vld.idx.msk [tilespmem:v15+s23+$0x0], $0xffff;
	(pc) =	sbr.rel @p0 .LBB2_51-.Ltmp26, $4  }
0x364: {  	v23 =	vbroadcast v20, $0x0;
	v20 =	vld.idx.msk [tilespmem:v17+s23+$0x0], $0xffff;
	[tilespmem:s0+$0xFFFFFFD0] =	vst v18  }
0x365: {  	v21 =	vld.idx.msk [tilespmem:v27+s23+$0x0], $0xffff;
	[tilespmem:s0+$0x20] =	vst v28  }
0x366: {  	v15 =	vor.u32 v0, v23;
	v17 =	vor.u32 v8, v23;
	v18 =	vld.idx.msk [tilespmem:v10+s23+$0x0], $0xffff;
	v10 =	vor.u32 v2, v23  }
0x367: {  	v24 =	vor.u32 v3, v23;
	v22 =	vor.u32 v4, v23;
	v25 =	vor.u32 v7, v23;
	[tilespmem:s0+$0xFFFFFFE0] =	vst v29  }
0x368: {  	_ =	sdelay $0x2  }
0x369: {  	[tilespmem:s0+$0x0] =	vst v19  }
0x36a: {  	v16 =	vld.idx.msk [tilespmem:v16+s23+$0x0], $0xffff;
	[tilespmem:s0+$0xFFFFFFF0] =	vst v12  }
0x36b: {  	v12 =	vld.idx.msk [tilespmem:v13+s23+$0x0], $0xffff;
	[tilespmem:s8+$0xFFFFFFC0] =	vst v9  }
0x36c: {  	v19 =	vor.u32 v6, v23;
	v13 =	vld.idx.msk [tilespmem:v14+s23+$0x0], $0xffff;
	[tilespmem:s8+$0x30] =	vst v20  }
0x36d: {  	v11 =	vld.idx.msk [tilespmem:v11+s23+$0x0], $0xffff;
	[tilespmem:s8+$0x10] =	vst v21  }
0x36e: {  	v9 =	vld.idx.msk [tilespmem:v17+s23+$0x0], $0xffff;
	[tilespmem:s8+$0xFFFFFFD0] =	vst v18  }
0x36f: {  	v15 =	vld.idx.msk [tilespmem:v15+s23+$0x0], $0xffff;
	[tilespmem:s8+$0x20] =	vst v16  }
0x370: {  	v10 =	vld.idx.msk [tilespmem:v10+s23+$0x0], $0xffff;
	[tilespmem:s8+$0xFFFFFFE0] =	vst v12  }
0x371: {  	v14 =	vor.u32 v5, v23;
	v17 =	vld.idx.msk [tilespmem:v19+s23+$0x0], $0xffff;
	[tilespmem:s8+$0x0] =	vst v13  }
0x372: {  	s16 =	sadd.s32 $0x80, s7;
	v12 =	vld.idx.msk [tilespmem:v25+s23+$0x0], $0xffff;
	[tilespmem:s8+$0xFFFFFFF0] =	vst v11  }
0x373: {  	v11 =	vld.idx.msk [tilespmem:v24+s23+$0x0], $0xffff;
	[tilespmem:s16+$0x30] =	vst v9  }
0x374: {  	[tilespmem:s16+$0xFFFFFFC0] =	vst v15  }
0x375: {  	[tilespmem:s16+$0xFFFFFFD0] =	vst v10  }
0x376: {  	v9 =	vld.idx.msk [tilespmem:v14+s23+$0x0], $0xffff;
	[tilespmem:s16+$0x10] =	vst v17  }
0x377: {  	v13 =	vld.idx.msk [tilespmem:v22+s23+$0x0], $0xffff;
	[tilespmem:s16+$0x20] =	vst v12  }
0x378: {  	[tilespmem:s16+$0xFFFFFFE0] =	vst v11  }
0x379: {  	s1 =	rddreg [dreg:$0x1a]  }
0x37a: {  	s8 =	simm.s32 $0x0;
	s1 =	sadd.s32 s1, s31  }
0x37b: {  	[tilespmem:s16+$0x0] =	vst v9;
	v9 =	vmov s8;
	s1 =	sshrl.u32 s1, $0x3  }
0x37c: {  	[tilespmem:s16+$0xFFFFFFF0] =	vst v13;
	v9 =	vand.u32 $0x7F, v9;
	s13 =	sadd.s32 s2, s1  }
0x37d: {  	v9 =	vbroadcast v9, $0x0;
	[hbm4b:s13+s11] =	stream.strided.scatter [tilespmem:s25], [sflag:$0xA], $0x2000, s19, s11, $0x38;
	[tilespmem:$0x14400] =	vst v63  }
0x37e: {  	_ =	swait.ge [sflag:s18], $0x4000  }
0x37f: {  	v10 =	vor.u32 v0, v9;
	[sflag:s18] =	ssyncset.done $0x0  }
0x380: {  	v11 =	vor.u32 v8, v9;
	[sflag:s18] =	ssyncadd.s32 $0xFFFFC000  }
0x381: {  	v12 =	vor.u32 v6, v9;
	_ =	swait.ge [sflag:s28], $0x2000  }
0x382: {  	s16 =	simm.s32 $0x1;
	v13 =	vor.u32 v2, v9;
	[sflag:s28] =	ssyncset.done $0x0  }
0x383: {  	v15 =	vmov s16;
	v14 =	vor.u32 v7, v9;
	[sflag:s28] =	ssyncadd.s32 $0xFFFFE000  }
0x384: {  	v15 =	vand.u32 $0x7F, v15;
	v16 =	vor.u32 v3, v9;
	v10 =	vld.idx.msk [tilespmem:v10+s11+$0x0], $0xffff  }
0x385: {  	v15 =	vbroadcast v15, $0x0;
	v17 =	vor.u32 v4, v9;
	v11 =	vld.idx.msk [tilespmem:v11+s11+$0x0], $0xffff  }
0x386: {  	v9 =	vor.u32 v5, v9;
	v18 =	vld.idx.msk [tilespmem:v12+s11+$0x0], $0xffff  }
0x387: {  	v20 =	vor.u32 v0, v15;
	v21 =	vld.idx.msk [tilespmem:v13+s11+$0x0], $0xffff  }
0x388: {  	v22 =	vor.u32 v8, v15;
	v24 =	vld.idx.msk [tilespmem:v14+s11+$0x0], $0xffff  }
0x389: {  	s0 =	simm.s32 $0x10440;
	v25 =	vor.u32 v6, v15;
	v26 =	vld.idx.msk [tilespmem:v16+s11+$0x0], $0xffff  }
0x38a: {  	s1 =	simm.s32 $0x2;
	v27 =	vor.u32 v2, v15;
	v12 =	vld.idx.msk [tilespmem:v17+s11+$0x0], $0xffff;
	[tilespmem:s0+$0x30] =	vst v11  }
0x38b: {  	v19 =	vld.idx.msk [tilespmem:v9+s11+$0x0], $0xffff;
	v11 =	vmov s1;
	[tilespmem:s0+$0x10] =	vst v18  }
0x38c: {  	v9 =	vld.idx.msk [tilespmem:v20+s11+$0x0], $0xffff;
	v16 =	vor.u32 v7, v15;
	[tilespmem:s0+$0xFFFFFFC0] =	vst v10;
	v14 =	vand.u32 $0x7F, v11  }
0x38d: {  	v13 =	vor.u32 v3, v15;
	v20 =	vld.idx.msk [tilespmem:v22+s11+$0x0], $0xffff;
	[tilespmem:s0+$0xFFFFFFD0] =	vst v21;
	v23 =	vbroadcast v14, $0x0  }
0x38e: {  	v21 =	vld.idx.msk [tilespmem:v25+s11+$0x0], $0xffff;
	[tilespmem:s0+$0x20] =	vst v24;
	v11 =	vor.u32 v4, v15;
	v14 =	vor.u32 v5, v15  }
0x38f: {  	v18 =	vld.idx.msk [tilespmem:v27+s11+$0x0], $0xffff;
	v15 =	vor.u32 v0, v23;
	v10 =	vor.u32 v2, v23;
	v17 =	vor.u32 v8, v23  }
0x390: {  	s7 =	simm.s32 $0x104C0;
	s8 =	simm.s32 $0x104C0;
	s13 =	simm.s32 $0x100;
	[tilespmem:s0+$0xFFFFFFE0] =	vst v26;
	v24 =	vor.u32 v3, v23;
	v22 =	vor.u32 v4, v23;
	v25 =	vor.u32 v7, v23  }
.LBB2_53:
0x391: {  	s13 =	sadd.s32 $0x80, s13;
	v26 =	vor.u32 v5, v23;
	v27 =	vor.u32 v6, v23;
	v28 =	vld.idx.msk [tilespmem:v16+s11+$0x0], $0xffff;
	s7 =	sadd.s32 $0x80, s7;
	[tilespmem:s0+$0x0] =	vst v19;
	v16 =	vmov v25  }
0x392: {  	p0 =	slt.u32 s13, $0x1F80;
	v29 =	vld.idx.msk [tilespmem:v13+s11+$0x0], $0xffff;
	[tilespmem:s0+$0xFFFFFFF0] =	vst v12;
	v13 =	vmov v24;
	s0 =	smov.u32 s8;
	s8 =	smov.u32 s7  }
0x393: {  	s1 =	sadd.s32 $0x1, s1;
	v12 =	vld.idx.msk [tilespmem:v11+s11+$0x0], $0xffff;
	[tilespmem:s0+$0x30] =	vst v20;
	v11 =	vmov v22  }
0x394: {  	v20 =	vmov s1;
	v19 =	vld.idx.msk [tilespmem:v14+s11+$0x0], $0xffff;
	[tilespmem:s0+$0x10] =	vst v21;
	v14 =	vmov v26  }
.Ltmp27:
0x395: {  	v20 =	vand.u32 $0x7F, v20;
	[tilespmem:s0+$0xFFFFFFC0] =	vst v9;
	v9 =	vld.idx.msk [tilespmem:v15+s11+$0x0], $0xffff;
	(pc) =	sbr.rel @p0 .LBB2_53-.Ltmp27, $4  }
0x396: {  	v23 =	vbroadcast v20, $0x0;
	v20 =	vld.idx.msk [tilespmem:v17+s11+$0x0], $0xffff;
	[tilespmem:s0+$0xFFFFFFD0] =	vst v18  }
0x397: {  	v21 =	vld.idx.msk [tilespmem:v27+s11+$0x0], $0xffff;
	[tilespmem:s0+$0x20] =	vst v28  }
0x398: {  	v15 =	vor.u32 v0, v23;
	v17 =	vor.u32 v8, v23;
	v18 =	vld.idx.msk [tilespmem:v10+s11+$0x0], $0xffff;
	v10 =	vor.u32 v2, v23  }
0x399: {  	v24 =	vor.u32 v3, v23;
	v22 =	vor.u32 v4, v23;
	v25 =	vor.u32 v7, v23;
	[tilespmem:s0+$0xFFFFFFE0] =	vst v29  }
0x39a: {  	_ =	sdelay $0x2  }
0x39b: {  	[tilespmem:s0+$0x0] =	vst v19  }
0x39c: {  	v16 =	vld.idx.msk [tilespmem:v16+s11+$0x0], $0xffff;
	[tilespmem:s0+$0xFFFFFFF0] =	vst v12  }
0x39d: {  	v58 =	vld.idx.msk [tilespmem:v13+s11+$0x0], $0xffff;
	[tilespmem:s8+$0xFFFFFFC0] =	vst v9  }
0x39e: {  	v59 =	vld.idx.msk [tilespmem:v14+s11+$0x0], $0xffff;
	[tilespmem:s8+$0x30] =	vst v20  }
0x39f: {  	v57 =	vor.u32 v6, v23;
	v11 =	vld.idx.msk [tilespmem:v11+s11+$0x0], $0xffff;
	[tilespmem:s8+$0x10] =	vst v21  }
0x3a0: {  	v9 =	vld.idx.msk [tilespmem:v17+s11+$0x0], $0xffff;
	[tilespmem:s8+$0xFFFFFFD0] =	vst v18  }
0x3a1: {  	v15 =	vld.idx.msk [tilespmem:v15+s11+$0x0], $0xffff;
	[tilespmem:s8+$0x20] =	vst v16  }
0x3a2: {  	v10 =	vld.idx.msk [tilespmem:v10+s11+$0x0], $0xffff;
	[tilespmem:s8+$0xFFFFFFE0] =	vst v58  }
0x3a3: {  	v60 =	vor.u32 v5, v23;
	v62 =	vld.idx.msk [tilespmem:v25+s11+$0x0], $0xffff;
	[tilespmem:s8+$0x0] =	vst v59  }
0x3a4: {  	s16 =	sadd.s32 $0x80, s7;
	v61 =	vld.idx.msk [tilespmem:v57+s11+$0x0], $0xffff;
	[tilespmem:s8+$0xFFFFFFF0] =	vst v11  }
0x3a5: {  	v11 =	vld.idx.msk [tilespmem:v24+s11+$0x0], $0xffff;
	[tilespmem:s16+$0x30] =	vst v9  }
0x3a6: {  	[tilespmem:s16+$0xFFFFFFC0] =	vst v15  }
0x3a7: {  	[tilespmem:s16+$0xFFFFFFD0] =	vst v10  }
0x3a8: {  	v9 =	vld.idx.msk [tilespmem:v60+s11+$0x0], $0xffff;
	[tilespmem:s16+$0x20] =	vst v62  }
0x3a9: {  	v63 =	vld.idx.msk [tilespmem:v22+s11+$0x0], $0xffff;
	[tilespmem:s16+$0x10] =	vst v61  }
0x3aa: {  	[tilespmem:s16+$0xFFFFFFE0] =	vst v11  }
0x3ab: {  	s1 =	rddreg [dreg:$0x1c]  }
0x3ac: {  	s1 =	sadd.s32 s1, s31  }
0x3ad: {  	[tilespmem:s16+$0x0] =	vst v9;
	s1 =	sshrl.u32 s1, $0x3  }
0x3ae: {  	s5 =	sadd.s32 $0x1, s5;
	[tilespmem:s16+$0xFFFFFFF0] =	vst v63;
	s31 =	sadd.s32 s2, s1  }
0x3af: {  	[hbm4b:s31+s11] =	stream.strided.scatter [tilespmem:s20], [sflag:$0x9], $0x2000, s19, s11, $0x38;
	[tilespmem:$0x14400] =	vst v63  }
0x3b0: {  	p0 =	sne.s32 s5, $0x4;
	_ =	swait.ge [sflag:s28], $0x2000  }
.Ltmp28:
0x3b1: {  	[sflag:s28] =	ssyncset.done $0x0;
	(pc) =	sbr.rel @p0 .LBB2_2-.Ltmp28, $4  }
0x3b2: {  	[sflag:s28] =	ssyncadd.s32 $0xFFFFE000  }
0x3b3: {  	_ =	swait.ge [sflag:s30], $0x2000  }
0x3b4: {  	[sflag:s30] =	ssyncset.done $0x0  }
0x3b5: {  	[sflag:s30] =	ssyncadd.s32 $0xFFFFE000  }
.Ltmp29:
0x3b6: {  	(pc) =	sbr.rel .LBB2_56-.Ltmp29, $2  }
0x3b7: {  	_ =	sdelay $0x2  }
0x3b8: {  	s0 =	simm.s32 $0x0  }
.LBB2_62:
0x3b9: {  	s0 =	sadd.s32 $0x1, s0  }
0x3ba: {  	p0 =	sne.s32 s0, $0x4  }
.Ltmp30:
0x3bb: {  	_ = 	snop;
	(pc) =	sbr.rel @!p0 .LBB2_63-.Ltmp30, $1  }
0x3bc: {  	_ =	sdelay $0x3  }
.LBB2_56:
0x3bd: {  	s1 =	rddreg [dreg:$0x3]  }
0x3be: {  	p0 =	sne.s32 s1, s0  }
.Ltmp31:
0x3bf: {  	_ = 	snop;
	(pc) =	sbr.rel @p0 .LBB2_62-.Ltmp31, $1  }
0x3c0: {  	_ =	sdelay $0x3  }
0x3c1: {  	s1 =	simm.s32 $0x0;
	s5 =	rddreg [dreg:$0x1e];
	s31 =	simm.s32 $0xB  }
0x3c2: {  	[tilespmem:s1], [sflag:$0xB] =	stream.linear.gather [hbm4b:s5+s1], $0x80, $0x38;
	[tilespmem:$0x14400] =	vst v63  }
0x3c3: {  	_ =	swait.ge [sflag:s31], $0x80  }
0x3c4: {  	[sflag:s31] =	ssyncset.done $0x0  }
0x3c5: {  	p0 =	por $0x1, $0x1;
	[sflag:s31] =	ssyncadd.s32 $0xFFFFFF80  }
.LBB2_58:
0x3c6: {  	v9 =	vld [tilespmem:s1+$0x0];
	s5 =	sor.u32 $0x10, s1  }
0x3c7: {  	s16 =	sor.u32 $0x20, s1;
	v10 =	vld [tilespmem:s5+$0x0]  }
0x3c8: {  	s31 =	sor.u32 $0x30, s1;
	v11 =	vld [tilespmem:s16+$0x0]  }
0x3c9: {  	v12 =	vld [tilespmem:s31+$0x0]  }
0x3ca: {  	p1 =	por p0, p0  }
.Ltmp32:
0x3cb: {  	v9 =	vadd.s32 v1, v9;
	(pc) =	sbr.rel @p1 .LBB2_58-.Ltmp32, $4  }
0x3cc: {  	[tilespmem:s1+$0x200] =	vst v9;
	v9 =	vadd.s32 v1, v10  }
0x3cd: {  	[tilespmem:s1+$0x210] =	vst v9;
	v9 =	vadd.s32 v1, v11  }
0x3ce: {  	[tilespmem:s1+$0x220] =	vst v9;
	v9 =	vadd.s32 v1, v12  }
0x3cf: {  	p0 =	por $0x0, $0x0;
	[tilespmem:s1+$0x230] =	vst v9;
	s1 =	simm.s32 $0x40  }
0x3d0: {  	s1 =	simm.s32 $0x0  }
0x3d1: {  	v9 =	vmov s1  }
0x3d2: {  	v9 =	vand.u32 $0x7F, v9  }
0x3d3: {  	v9 =	vbroadcast v9, $0x0;
	_ =	sdelay $0x1  }
0x3d4: {  	v10 =	vor.u32 v0, v9  }
0x3d5: {  	[tilespmem:s11], [sflag:$0x5] =	stream.indirect.gather [hbm4b:s4+s3], $0x80, s10, s3, $0xb8;
	v11 =	vor.u32 v8, v9;
	[tilespmem:$0x14400] =	vst v63  }
0x3d6: {  	_ =	swait.ge [sflag:s18], $0x4000;
	v12 =	vor.u32 v6, v9  }
0x3d7: {  	s31 =	simm.s32 $0x1;
	[sflag:s18] =	ssyncset.done $0x0;
	v13 =	vor.u32 v2, v9  }
0x3d8: {  	v15 =	vmov s31;
	[sflag:s18] =	ssyncadd.s32 $0xFFFFC000;
	v14 =	vor.u32 v7, v9  }
0x3d9: {  	v15 =	vand.u32 $0x7F, v15;
	v16 =	vor.u32 v3, v9;
	v10 =	vld.idx.msk [tilespmem:v10+s11+$0x0], $0xffff  }
0x3da: {  	v15 =	vbroadcast v15, $0x0;
	v17 =	vor.u32 v4, v9;
	v11 =	vld.idx.msk [tilespmem:v11+s11+$0x0], $0xffff  }
0x3db: {  	v9 =	vor.u32 v5, v9;
	v18 =	vld.idx.msk [tilespmem:v12+s11+$0x0], $0xffff  }
0x3dc: {  	v20 =	vor.u32 v0, v15;
	v21 =	vld.idx.msk [tilespmem:v13+s11+$0x0], $0xffff  }
0x3dd: {  	v22 =	vor.u32 v8, v15;
	v24 =	vld.idx.msk [tilespmem:v14+s11+$0x0], $0xffff  }
0x3de: {  	s1 =	simm.s32 $0x10440;
	v25 =	vor.u32 v6, v15;
	v26 =	vld.idx.msk [tilespmem:v16+s11+$0x0], $0xffff  }
0x3df: {  	s5 =	simm.s32 $0x2;
	v27 =	vor.u32 v2, v15;
	v12 =	vld.idx.msk [tilespmem:v17+s11+$0x0], $0xffff;
	[tilespmem:s1+$0x30] =	vst v11  }
0x3e0: {  	v19 =	vld.idx.msk [tilespmem:v9+s11+$0x0], $0xffff;
	v11 =	vmov s5;
	[tilespmem:s1+$0x10] =	vst v18  }
0x3e1: {  	v9 =	vld.idx.msk [tilespmem:v20+s11+$0x0], $0xffff;
	v16 =	vor.u32 v7, v15;
	[tilespmem:s1+$0xFFFFFFC0] =	vst v10;
	v14 =	vand.u32 $0x7F, v11  }
0x3e2: {  	v13 =	vor.u32 v3, v15;
	v20 =	vld.idx.msk [tilespmem:v22+s11+$0x0], $0xffff;
	[tilespmem:s1+$0xFFFFFFD0] =	vst v21;
	v23 =	vbroadcast v14, $0x0  }
0x3e3: {  	v21 =	vld.idx.msk [tilespmem:v25+s11+$0x0], $0xffff;
	[tilespmem:s1+$0x20] =	vst v24;
	v11 =	vor.u32 v4, v15;
	v14 =	vor.u32 v5, v15  }
0x3e4: {  	v18 =	vld.idx.msk [tilespmem:v27+s11+$0x0], $0xffff;
	v15 =	vor.u32 v0, v23;
	v10 =	vor.u32 v2, v23;
	v17 =	vor.u32 v8, v23  }
0x3e5: {  	s13 =	simm.s32 $0x100;
	s7 =	simm.s32 $0x104C0;
	s8 =	simm.s32 $0x104C0;
	[tilespmem:s1+$0xFFFFFFE0] =	vst v26;
	v24 =	vor.u32 v3, v23;
	v22 =	vor.u32 v4, v23;
	v25 =	vor.u32 v7, v23  }
.LBB2_60:
0x3e6: {  	s13 =	sadd.s32 $0x80, s13;
	v26 =	vor.u32 v5, v23;
	v27 =	vor.u32 v6, v23;
	v28 =	vld.idx.msk [tilespmem:v16+s11+$0x0], $0xffff;
	s7 =	sadd.s32 $0x80, s7;
	[tilespmem:s1+$0x0] =	vst v19;
	v16 =	vmov v25  }
0x3e7: {  	p0 =	slt.u32 s13, $0x1F80;
	v29 =	vld.idx.msk [tilespmem:v13+s11+$0x0], $0xffff;
	[tilespmem:s1+$0xFFFFFFF0] =	vst v12;
	v13 =	vmov v24;
	s1 =	smov.u32 s8;
	s8 =	smov.u32 s7  }
0x3e8: {  	s5 =	sadd.s32 $0x1, s5;
	v12 =	vld.idx.msk [tilespmem:v11+s11+$0x0], $0xffff;
	[tilespmem:s1+$0x30] =	vst v20;
	v11 =	vmov v22  }
0x3e9: {  	v20 =	vmov s5;
	v19 =	vld.idx.msk [tilespmem:v14+s11+$0x0], $0xffff;
	[tilespmem:s1+$0x10] =	vst v21;
	v14 =	vmov v26  }
.Ltmp33:
0x3ea: {  	v20 =	vand.u32 $0x7F, v20;
	[tilespmem:s1+$0xFFFFFFC0] =	vst v9;
	v9 =	vld.idx.msk [tilespmem:v15+s11+$0x0], $0xffff;
	(pc) =	sbr.rel @p0 .LBB2_60-.Ltmp33, $4  }
0x3eb: {  	v23 =	vbroadcast v20, $0x0;
	v20 =	vld.idx.msk [tilespmem:v17+s11+$0x0], $0xffff;
	[tilespmem:s1+$0xFFFFFFD0] =	vst v18  }
0x3ec: {  	v21 =	vld.idx.msk [tilespmem:v27+s11+$0x0], $0xffff;
	[tilespmem:s1+$0x20] =	vst v28  }
0x3ed: {  	v15 =	vor.u32 v0, v23;
	v17 =	vor.u32 v8, v23;
	v18 =	vld.idx.msk [tilespmem:v10+s11+$0x0], $0xffff;
	v10 =	vor.u32 v2, v23  }
0x3ee: {  	v24 =	vor.u32 v3, v23;
	v22 =	vor.u32 v4, v23;
	v25 =	vor.u32 v7, v23;
	[tilespmem:s1+$0xFFFFFFE0] =	vst v29  }
0x3ef: {  	_ =	sdelay $0x2  }
0x3f0: {  	[tilespmem:s1+$0x0] =	vst v19  }
0x3f1: {  	v16 =	vld.idx.msk [tilespmem:v16+s11+$0x0], $0xffff;
	[tilespmem:s1+$0xFFFFFFF0] =	vst v12  }
0x3f2: {  	v58 =	vld.idx.msk [tilespmem:v13+s11+$0x0], $0xffff;
	[tilespmem:s8+$0xFFFFFFC0] =	vst v9  }
0x3f3: {  	v59 =	vld.idx.msk [tilespmem:v14+s11+$0x0], $0xffff;
	[tilespmem:s8+$0x30] =	vst v20  }
0x3f4: {  	v11 =	vld.idx.msk [tilespmem:v11+s11+$0x0], $0xffff;
	[tilespmem:s8+$0x10] =	vst v21  }
0x3f5: {  	v57 =	vor.u32 v6, v23;
	v9 =	vld.idx.msk [tilespmem:v17+s11+$0x0], $0xffff;
	[tilespmem:s8+$0xFFFFFFD0] =	vst v18  }
0x3f6: {  	v15 =	vld.idx.msk [tilespmem:v15+s11+$0x0], $0xffff;
	[tilespmem:s8+$0x20] =	vst v16  }
0x3f7: {  	v60 =	vor.u32 v5, v23;
	v10 =	vld.idx.msk [tilespmem:v10+s11+$0x0], $0xffff;
	[tilespmem:s8+$0xFFFFFFE0] =	vst v58  }
0x3f8: {  	v62 =	vld.idx.msk [tilespmem:v25+s11+$0x0], $0xffff;
	[tilespmem:s8+$0x0] =	vst v59  }
0x3f9: {  	s16 =	sadd.s32 $0x80, s7;
	v63 =	vld.idx.msk [tilespmem:v22+s11+$0x0], $0xffff;
	[tilespmem:s8+$0xFFFFFFF0] =	vst v11  }
0x3fa: {  	v61 =	vld.idx.msk [tilespmem:v57+s11+$0x0], $0xffff;
	[tilespmem:s16+$0x30] =	vst v9  }
0x3fb: {  	v11 =	vld.idx.msk [tilespmem:v24+s11+$0x0], $0xffff;
	[tilespmem:s16+$0xFFFFFFC0] =	vst v15  }
0x3fc: {  	v9 =	vld.idx.msk [tilespmem:v60+s11+$0x0], $0xffff;
	[tilespmem:s16+$0xFFFFFFD0] =	vst v10  }
0x3fd: {  	[tilespmem:s16+$0x20] =	vst v62  }
0x3fe: {  	[tilespmem:s16+$0xFFFFFFF0] =	vst v63  }
0x3ff: {  	[tilespmem:s16+$0x10] =	vst v61  }
0x400: {  	[tilespmem:s16+$0xFFFFFFE0] =	vst v11  }
0x401: {  	[tilespmem:s16+$0x0] =	vst v9  }
.Ltmp34:
0x402: {  	s31 =	simm.s32 $0x0;
	s5 =	rddreg [dreg:$0x1f];
	(pc) =	sbr.rel .LBB2_62-.Ltmp34, $4  }
0x403: {  	[hbm4b:s5+s31] =	stream.linear.scatter [tilespmem:s20], [sflag:$0x9], $0x2000, $0x38;
	[tilespmem:$0x14400] =	vst v63  }
0x404: {  	_ =	swait.ge [sflag:s28], $0x2000  }
0x405: {  	[sflag:s28] =	ssyncset.done $0x0  }
0x406: {  	[sflag:s28] =	ssyncadd.s32 $0xFFFFE000  }
.LBB2_64:
0x407: {  	_ =	sfence.sel $0x180000  }
0x408: {  	[bflag:$0x0] =	sbarrier.arrive $0xFFFF  }
0x409: {  	_ =	strace $0x9000004A  }
0x40a: {  	s0 =	stileid.u32;
	[bflag:$0x2] =	sbarrier.arrive $0xFFFF  }
0x40b: {  	p0 =	sne.s32 s0, $0x0;
	s0 =	rddreg [dreg:$0x2]  }
0x40c: {  	s0 =	sadd.s32 @!p0 $0x100000, s0  }
0x40d: {  	[sflag:s0] =	ssyncadd.tile.s32 @!p0 $0x1;
	_ =	shalt  }
.Lfunc_end2:
_tile_overlayer_lowered:
.L_overlay_start_2:
0x40e: {  	(tag) =	ssettag $0x2  }
0x40f: {  	s0 =	rddreg [dreg:$0x0];
	s2 =	stileid.u32  }
0x410: {  	s1 =	rddreg [dreg:$0x1];
	p0 =	sne.s32 s2, $0x0  }
0x411: {  	s3 =	rddreg [dreg:$0x2];
	[bflag:$0x3] =	sbarrier.arrive $0xFFFF;
	s2 =	simm.s32 @!p0 $0x1C0B  }
0x412: {  	[timem:s3], [sflag:s2] =	dma.local @!p0 [hbm:s0], s1  }
0x413: {  	s0 =	simm.s32 @!p0 $0xB  }
0x414: {  	_ =	swait.ge @!p0 [sflag:s0], s1  }
0x415: {  	s1 =	ssub.s32 @!p0 $0x0, s1;
	[sflag:s0] =	ssyncset.done @!p0 $0x0  }
0x416: {  	[sflag:s0] =	ssyncadd.s32 @!p0 s1  }
0x417: {  	[bflag:$0x3] =	sbarrier.arrive $0xFFFF  }
0x418: {  	_ =	shalt  }

</sc_bundles>
